<compile_context>
chip_gen: v7x
topology: tpu7x:2x2x1
jax: 0.10.2.dev20260603
libtpu: 0.0.44.dev20260713+nightly
codegen_flags: <defaults>
</compile_context>

<pallas_src>
import jax
import jax.numpy as jnp
from jax import lax
from jax.experimental import pallas as pl
from jax.experimental.pallas import tpu as pltpu
from jax.experimental.pallas import tpu_sc as plsc

_PI = 3.14159265358979
_TWO_PI = 6.28318530717959
_L = 16
_CH = 512
_NW = 32


def _rsqrt(x):
    i = lax.bitcast_convert_type(x, jnp.int32)
    i = 0x5F3759DF - lax.shift_right_arithmetic(i, 1)
    y = lax.bitcast_convert_type(i, jnp.float32)
    for _ in range(2):
        y = y * (1.5 - 0.5 * x * y * y)
    return y


def _sincos(r):
    s = r * r
    sn = r * (0.999996601050174 + s * (-0.16664823561673264
        + s * (0.008306286141814348 + s * -0.0001836274857681397)))
    cs = 0.9999999532476097 + s * (-0.49999905062810607
        + s * (0.04166357893069664 + s * (-0.001385366693302914
        + s * 2.3153174155576828e-05)))
    return sn, cs


def _uv3d(u, v):
    t = u - 0.5
    y = t + t
    q = jnp.where(y > 0.5, 1.0, jnp.where(y < -0.5, -1.0, 0.0))
    r = _TWO_PI * t - _PI * q
    sgn = 1.0 - 2.0 * q * q
    snp, csp = _sincos(r)
    sphi, cphi = sgn * snp, sgn * csp
    snt, cst = _sincos(_PI * (v - 0.5))
    return cst * cphi, cst * sphi, snt


def _cross(ax, ay, az, bx, by, bz):
    return ay * bz - az * by, az * bx - ax * bz, ax * by - ay * bx


def _norm3(x, y, z):
    s = x * x + y * y + z * z
    return s * _rsqrt(jnp.maximum(s, 1e-30))


def _round_half_even_nonneg(x):
    i = x.astype(jnp.int32)
    f = i.astype(jnp.float32)
    r = x - f
    odd = lax.bitwise_and(i, 1)
    up = jnp.logical_or(r > 0.5, jnp.logical_and(r == 0.5, odd == 1))
    return jnp.where(up, i + 1, i)


def _point_math(ux, uy, Ax, Ay, Az, Bx, By, Bz, Cx, Cy, Cz,
                vax, vay, vaz, vbx, vby, vbz, vcx, vcy, vcz):
    Px, Py, Pz = _uv3d(ux, uy)
    ABx, ABy, ABz = Bx - Ax, By - Ay, Bz - Az
    ACx, ACy, ACz = Cx - Ax, Cy - Ay, Cz - Az
    APx, APy, APz = Px - Ax, Py - Ay, Pz - Az
    pdx, pdy, pdz = _cross(ABx, ABy, ABz, ACx, ACy, ACz)
    s_pd = pdx * pdx + pdy * pdy + pdz * pdz
    k = ((pdx * APx + pdy * APy + pdz * APz)
         / jnp.maximum(s_pd, 1e-24))
    Qx = APx - pdx * k + Ax
    Qy = APy - pdy * k + Ay
    Qz = APz - pdz * k + Az
    BCx, BCy, BCz = Cx - Bx, Cy - By, Cz - Bz
    AQx, AQy, AQz = Qx - Ax, Qy - Ay, Qz - Az
    BQx, BQy, BQz = Qx - Bx, Qy - By, Qz - Bz
    aw = _norm3(*_cross(ABx, ABy, ABz, AQx, AQy, AQz))
    av = _norm3(*_cross(ACx, ACy, ACz, AQx, AQy, AQz))
    au = _norm3(*_cross(BCx, BCy, BCz, BQx, BQy, BQz))
    inv_s = 1.0 / jnp.maximum(au + av + aw, 1e-30)
    u, v, w = au * inv_s, av * inv_s, aw * inv_s
    px = u * vax + v * vbx + w * vcx
    py = u * vay + v * vby + w * vcy
    pz = u * vaz + v * vbz + w * vcz
    return px, py, pz


def _body(verts_h, uv_h, uvv_h, fmap_h, faces_h, out_h,
          vx_v, vy_v, vz_v, faces_v, uvv_v, ux3_v, uy3_v, uz3_v,
          uv_ch, idx_ch, find_ch, ox_v, oy_v, oz_v, sem):
    cid = lax.axis_index("c")
    sid = lax.axis_index("s")
    wid = sid * 2 + cid
    npts = out_h.shape[2]
    n_total = out_h.shape[1] * npts
    pw = n_total // _NW
    wpb = npts // pw
    b = wid // wpb
    n0 = (wid % wpb) * pw
    nch = pw // _CH

    pltpu.sync_copy(verts_h.at[0, b], vx_v)
    pltpu.sync_copy(verts_h.at[1, b], vy_v)
    pltpu.sync_copy(verts_h.at[2, b], vz_v)
    pltpu.sync_copy(faces_h, faces_v)
    pltpu.sync_copy(uvv_h, uvv_v.at[pl.ds(0, uvv_h.shape[0])])

    lane = lax.iota(jnp.int32, _L)

    pltpu.sync_copy(uv_h.at[pl.ds(b * (npts * 2) + n0 * 2, pw * 2)], uv_ch)

    def _uv_base(g):
        return (lax.shift_left(lax.shift_right_logical(g, 3), 8)
                + lax.shift_left(lax.bitwise_and(g, 7), 4))

    @plsc.parallel_loop(0, pw // _L, 1, unroll=4)
    def idx_grp(g):
        base = _uv_base(g)
        ux = uv_ch[pl.ds(base, _L)]
        uy = uv_ch[pl.ds(base + 128, _L)]
        ix = _round_half_even_nonneg(ux * 1023.0)
        iy = _round_half_even_nonneg(uy * 1023.0)
        flat = (lax.shift_left(lax.shift_right_logical(iy, 3), 13)
                + lax.shift_left(lax.shift_right_logical(ix, 7), 10)
                + lax.shift_left(lax.bitwise_and(iy, 7), 7)
                + lax.bitwise_and(ix, 127))
        idx_ch[pl.ds(g * _L, _L)] = flat

    copies = [
        pltpu.async_copy(fmap_h.at[idx_ch.at[pl.ds(ci * _CH, _CH)]],
                         find_ch.at[pl.ds(ci * _CH, _CH)], sem)
        for ci in range(nch)
    ]

    nvp = ux3_v.shape[0]
    @plsc.parallel_loop(0, nvp // _L, 1, unroll=4)
    def pre(g):
        off = g * _L + lane
        off2 = off + off
        x = plsc.load_gather(uvv_v, [off2])
        y = plsc.load_gather(uvv_v, [off2 + 1])
        X, Y, Z = _uv3d(x, y)
        ux3_v[pl.ds(g * _L, _L)] = X
        uy3_v[pl.ds(g * _L, _L)] = Y
        uz3_v[pl.ds(g * _L, _L)] = Z

    for c in copies:
        c.wait()

    @plsc.parallel_loop(0, pw // _L, 1, unroll=8)
    def grp(g):
        f_ind = find_ch[pl.ds(g * _L, _L)]
        f3 = f_ind * 3
        fa = plsc.load_gather(faces_v, [f3])
        fb = plsc.load_gather(faces_v, [f3 + 1])
        fc = plsc.load_gather(faces_v, [f3 + 2])
        Ax = plsc.load_gather(ux3_v, [fa])
        Ay = plsc.load_gather(uy3_v, [fa])
        Az = plsc.load_gather(uz3_v, [fa])
        Bx = plsc.load_gather(ux3_v, [fb])
        By = plsc.load_gather(uy3_v, [fb])
        Bz = plsc.load_gather(uz3_v, [fb])
        Cx = plsc.load_gather(ux3_v, [fc])
        Cy = plsc.load_gather(uy3_v, [fc])
        Cz = plsc.load_gather(uz3_v, [fc])
        vax = plsc.load_gather(vx_v, [fa])
        vay = plsc.load_gather(vy_v, [fa])
        vaz = plsc.load_gather(vz_v, [fa])
        vbx = plsc.load_gather(vx_v, [fb])
        vby = plsc.load_gather(vy_v, [fb])
        vbz = plsc.load_gather(vz_v, [fb])
        vcx = plsc.load_gather(vx_v, [fc])
        vcy = plsc.load_gather(vy_v, [fc])
        vcz = plsc.load_gather(vz_v, [fc])
        base = _uv_base(g)
        ux = uv_ch[pl.ds(base, _L)]
        uy = uv_ch[pl.ds(base + 128, _L)]
        px, py, pz = _point_math(ux, uy, Ax, Ay, Az, Bx, By, Bz,
                                 Cx, Cy, Cz, vax, vay, vaz,
                                 vbx, vby, vbz, vcx, vcy, vcz)
        ox_v[pl.ds(g * _L, _L)] = px
        oy_v[pl.ds(g * _L, _L)] = py
        oz_v[pl.ds(g * _L, _L)] = pz

    pltpu.sync_copy(ox_v, out_h.at[0, b, pl.ds(n0, pw)])
    pltpu.sync_copy(oy_v, out_h.at[1, b, pl.ds(n0, pw)])
    pltpu.sync_copy(oz_v, out_h.at[2, b, pl.ds(n0, pw)])


def kernel(verts, uv, uv_verts, face_inds, faces):
    B, N, _ = uv.shape
    nv = verts.shape[1]
    nf = faces.shape[0]
    pw = B * N // _NW
    verts_t = verts.transpose(2, 0, 1)
    uv_flat = uv.reshape(B, N // 128, 128, 2).transpose(0, 1, 3, 2).reshape(-1)
    fmap = (face_inds.reshape(face_inds.shape[0] // 8, 8,
                              face_inds.shape[1] // 128, 128)
            .transpose(0, 2, 1, 3).reshape(-1))
    uvv_f = uv_verts.reshape(nv * 2)
    faces_f = faces.reshape(nf * 3)
    nvp = (nv + _L - 1) // _L * _L
    mesh = plsc.VectorSubcoreMesh(core_axis_name="c", subcore_axis_name="s")
    fn = pl.kernel(
        _body,
        out_type=jax.ShapeDtypeStruct((3, B, N), jnp.float32),
        mesh=mesh,
        compiler_params=pltpu.CompilerParams(needs_layout_passes=False),
        scratch_types=[
            pltpu.VMEM((nv,), jnp.float32),
            pltpu.VMEM((nv,), jnp.float32),
            pltpu.VMEM((nv,), jnp.float32),
            pltpu.VMEM((nf * 3,), jnp.int32),
            pltpu.VMEM((nvp * 2,), jnp.float32),
            pltpu.VMEM((nvp,), jnp.float32),
            pltpu.VMEM((nvp,), jnp.float32),
            pltpu.VMEM((nvp,), jnp.float32),
            pltpu.VMEM((pw * 2,), jnp.float32),
            pltpu.VMEM((pw,), jnp.int32),
            pltpu.VMEM((pw,), jnp.int32),
            pltpu.VMEM((pw,), jnp.float32),
            pltpu.VMEM((pw,), jnp.float32),
            pltpu.VMEM((pw,), jnp.float32),
            pltpu.SemaphoreType.DMA,
        ],
    )
    out = fn(verts_t, uv_flat, uvv_f, fmap, faces_f)
    return out.transpose(1, 2, 0)

# --- scband reference (transcript-rebuilt; emitter-appended) ---
"""Pipeline reference for scband-uvto3-d-45062796870117 (READ-ONLY COPY).

The authoritative reference and input builder live on the scoring server;
editing this copy changes nothing except your own understanding.
"""

import jax, jax.numpy as jnp
import numpy as np

UV_MAP_H = 1024
UV_MAP_W = 1024

def convert_uv_to_3d(uv):
    phi = 2.0 * jnp.pi * (uv[..., 0] - 0.5)
    theta = jnp.pi * (uv[..., 1] - 0.5)
    x = jnp.cos(theta) * jnp.cos(phi)
    y = jnp.cos(theta) * jnp.sin(phi)
    z = jnp.sin(theta)
    return jnp.stack([x, y, z], axis=-1)

def remove_perp(verts3, points):
    vA = verts3[..., 0, :]
    vB = verts3[..., 1, :]
    vC = verts3[..., 2, :]
    AB = vB - vA
    AC = vC - vA
    AP = points - vA
    pd = jnp.cross(AB, AC)
    pd = pd / jnp.maximum(jnp.linalg.norm(pd, axis=-1, keepdims=True), 1e-12)
    vperp = AP - pd * (pd * AP).sum(-1)[..., None]
    return vperp + vA

def barycentric(face_uv_verts, uv_points):
    verts3 = convert_uv_to_3d(face_uv_verts)
    points = convert_uv_to_3d(uv_points)
    points = remove_perp(verts3, points)
    vA = verts3[..., 0, :]
    vB = verts3[..., 1, :]
    vC = verts3[..., 2, :]
    AB = vB - vA
    AC = vC - vA
    BC = vC - vB
    AP = points - vA
    BP = points - vB
    CP = points - vC
    areaBAC = jnp.linalg.norm(jnp.cross(AB, AC), axis=-1)
    areaBAP = jnp.linalg.norm(jnp.cross(AB, AP), axis=-1)
    areaCAP = jnp.linalg.norm(jnp.cross(AC, AP), axis=-1)
    areaCBP = jnp.linalg.norm(jnp.cross(BC, BP), axis=-1)
    w = areaBAP / areaBAC
    v = areaCAP / areaBAC
    u = areaCBP / areaBAC
    bc = jnp.stack([u, v, w], axis=-1)
    bc = bc / jnp.maximum(jnp.abs(bc).sum(-1, keepdims=True), 1e-12)
    return bc

def setup_inputs(seed: int = 0) -> dict:
    key = jax.random.key(seed)
    k1, k2, k3, k4, k5 = jax.random.split(key, 5)
    verts = jax.random.normal(k1, (8, 2562, 3), dtype=jnp.float32)
    uv = jax.random.uniform(k2, (8, 16384, 2), dtype=jnp.float32)
    uv_verts = jax.random.uniform(k3, (2562, 2), dtype=jnp.float32)
    face_inds = jax.random.randint(k4, (UV_MAP_H, UV_MAP_W), 0, 5120, dtype=jnp.int32)
    faces = jax.random.randint(k5, (5120, 3), 0, 2562, dtype=jnp.int32)
    return {"verts": verts, "uv": uv, "uv_verts": uv_verts, "face_inds": face_inds, "faces": faces}

def reference(verts, uv, uv_verts, face_inds, faces):
    uv_map_size = jnp.array([UV_MAP_W - 1, UV_MAP_H - 1], dtype=uv.dtype)
    uv_inds = jnp.round(uv * uv_map_size).astype(jnp.int32)  # [B, N, 2], detached in original
    f_inds = face_inds[uv_inds[..., 1], uv_inds[..., 0]]  # [B, N] gather from uv map
    f = faces[f_inds]  # [B, N, 3] gather of vertex indices
    # per-batch vertex gather: face_verts[b,n,k,:] = verts[b, f[b,n,k], :]
    face_verts = jax.vmap(lambda v, idx: v[idx])(verts, f)  # [B, N, 3, 3]
    face_uv_verts = uv_verts[f]  # [B, N, 3, 2] (uv_verts shared across batch)
    bc = barycentric(face_uv_verts, uv)  # [B, N, 3]
    points3d = (face_verts * bc[..., None]).sum(-2)  # [B, N, 3]
    return points3d

if __name__ == "__main__":
    import jax
    _d = setup_inputs()
    print(jax.jit(kernel)(*tuple(_d.values())))

</pallas_src>

<mosaic_0001>
#map = affine_map<(d0, d1) -> (0, 0, 0)>
#map1 = affine_map<(d0, d1) -> (0)>
module attributes {stable_mosaic.version = 14 : i64} {
  func.func @_body(%arg0: i32, %arg1: i32, %arg2: memref<3x8x2562xf32, #tpu.memory_space<hbm>>, %arg3: memref<262144xf32, #tpu.memory_space<hbm>>, %arg4: memref<5124xf32, #tpu.memory_space<hbm>>, %arg5: memref<1048576xi32, #tpu.memory_space<hbm>>, %arg6: memref<15360xi32, #tpu.memory_space<hbm>>, %arg7: memref<3x8x16384xf32, #tpu.memory_space<hbm>>, %arg8: memref<2562xf32, #tpu.memory_space<vmem>>, %arg9: memref<2562xf32, #tpu.memory_space<vmem>>, %arg10: memref<2562xf32, #tpu.memory_space<vmem>>, %arg11: memref<15360xi32, #tpu.memory_space<vmem>>, %arg12: memref<5152xf32, #tpu.memory_space<vmem>>, %arg13: memref<2576xf32, #tpu.memory_space<vmem>>, %arg14: memref<2576xf32, #tpu.memory_space<vmem>>, %arg15: memref<2576xf32, #tpu.memory_space<vmem>>, %arg16: memref<8192xf32, #tpu.memory_space<vmem>>, %arg17: memref<4096xi32, #tpu.memory_space<vmem>>, %arg18: memref<4096xi32, #tpu.memory_space<vmem>>, %arg19: memref<4096xf32, #tpu.memory_space<vmem>>, %arg20: memref<4096xf32, #tpu.memory_space<vmem>>, %arg21: memref<4096xf32, #tpu.memory_space<vmem>>, %arg22: memref<!tpu.dma_semaphore, #tpu.memory_space<semaphore_mem>>) attributes {dimension_semantics = [#tpu.dimension_semantics<core_parallel>, #tpu.dimension_semantics<subcore_parallel>], iteration_bounds = array<i64: 2, 16>, scalar_prefetch = 0 : i64, scratch_operands = 15 : i64, tpu.core_type = #tpu.core_type<sc_vector_subcore>, window_params = [{transform_indices = #map}, {transform_indices = #map1}, {transform_indices = #map1}, {transform_indices = #map1}, {transform_indices = #map1}, {transform_indices = #map}]} {
    %mul3A = arith.constant 2 : i32
    %mul3A_0 = arith.muli %arg1, %mul3A : i32
    %add3A = arith.addi %mul3A_0, %arg0 : i32
    %jit3A = arith.constant 4 : i32
    %div3A = arith.divsi %add3A, %jit3A : i32
    %sign3A = arith.constant 0 : i32
    %sign3A_1 = arith.cmpi sgt, %add3A, %sign3A : i32
    %sign3A_2 = arith.extui %sign3A_1 : i1 to i32
    %sign3A_3 = arith.constant 0 : i32
    %sign3A_4 = arith.cmpi slt, %add3A, %sign3A_3 : i32
    %sign3A_5 = arith.extui %sign3A_4 : i1 to i32
    %sign3A_6 = arith.subi %sign3A_2, %sign3A_5 : i32
    %sign3A_7 = arith.constant 0 : i32
    %sign3A_8 = arith.cmpi sgt, %jit3A, %sign3A_7 : i32
    %sign3A_9 = arith.extui %sign3A_8 : i1 to i32
    %sign3A_10 = arith.constant 0 : i32
    %sign3A_11 = arith.cmpi slt, %jit3A, %sign3A_10 : i32
    %sign3A_12 = arith.extui %sign3A_11 : i1 to i32
    %sign3A_13 = arith.subi %sign3A_9, %sign3A_12 : i32
    %ne3A = arith.cmpi ne, %sign3A_6, %sign3A_13 : i32
    %rem3A = arith.remsi %add3A, %jit3A : i32
    %ne3A_14 = arith.constant 0 : i32
    %ne3A_15 = arith.cmpi ne, %rem3A, %ne3A_14 : i32
    %and3A = arith.andi %ne3A, %ne3A_15 : i1
    %sub3A = arith.constant 1 : i32
    %sub3A_16 = arith.subi %div3A, %sub3A : i32
    %select_n3A = arith.select %and3A, %sub3A_16, %div3A : i32
    %jit3A_17 = arith.constant 4 : i32
    %eq3A = arith.constant 0 : i32
    %eq3A_18 = arith.cmpi eq, %jit3A_17, %eq3A : i32
    %jit3A_19 = arith.constant 1 : i32
    %select_n3A_20 = arith.select %eq3A_18, %jit3A_19, %jit3A_17 : i32
    %rem3A_21 = arith.remsi %add3A, %select_n3A_20 : i32
    %ne3A_22 = arith.constant 0 : i32
    %ne3A_23 = arith.cmpi ne, %rem3A_21, %ne3A_22 : i32
    %lt3A = arith.constant 0 : i32
    %lt3A_24 = arith.cmpi slt, %rem3A_21, %lt3A : i32
    %lt3A_25 = arith.constant 0 : i32
    %lt3A_26 = arith.cmpi slt, %select_n3A_20, %lt3A_25 : i32
    %ne3A_27 = arith.xori %lt3A_24, %lt3A_26 : i1
    %and3A_28 = arith.andi %ne3A_27, %ne3A_23 : i1
    %add3A_29 = arith.addi %rem3A_21, %select_n3A_20 : i32
    %select_n3A_30 = arith.select %and3A_28, %add3A_29, %rem3A_21 : i32
    %mul3A_31 = arith.constant 4096 : i32
    %mul3A_32 = arith.muli %select_n3A_30, %mul3A_31 : i32
    %run_scoped3A = arith.constant 0 : i32
    "tpu.region"() ({
      %run_scoped3A_145 = tpu.sem_alloc : memref<!tpu.dma_semaphore, #tpu.memory_space<semaphore_mem>>
      %dma_start3A_146 = arith.constant 0 : i32
      %dma_start3A_147 = tpu.memref_slice %arg2[%run_scoped3A, %select_n3A, %dma_start3A_146] : memref<3x8x2562xf32, #tpu.memory_space<hbm>> -> memref<1x1x2562xf32, #tpu.memory_space<hbm>>
      %dma_start3A_148 = tpu.memref_squeeze %dma_start3A_147 : memref<1x1x2562xf32, #tpu.memory_space<hbm>> -> memref<2562xf32, #tpu.memory_space<hbm>>
      %dma_start3A_149 = arith.constant 0 : i32
      %dma_start3A_150 = tpu.memref_slice %arg2[%run_scoped3A, %select_n3A, %dma_start3A_149] : memref<3x8x2562xf32, #tpu.memory_space<hbm>> -> memref<1x1x2562xf32, #tpu.memory_space<hbm>>
      %dma_start3A_151 = tpu.memref_squeeze %dma_start3A_150 : memref<1x1x2562xf32, #tpu.memory_space<hbm>> -> memref<2562xf32, #tpu.memory_space<hbm>>
      tpu.enqueue_dma source(%dma_start3A_151 : memref<2562xf32, #tpu.memory_space<hbm>>) target(%arg8 : memref<2562xf32, #tpu.memory_space<vmem>>) target_semaphore(%run_scoped3A_145 : memref<!tpu.dma_semaphore, #tpu.memory_space<semaphore_mem>>)
      %dma_wait3A_152 = arith.constant 0 : i32
      %dma_wait3A_153 = tpu.memref_slice %arg2[%run_scoped3A, %select_n3A, %dma_wait3A_152] : memref<3x8x2562xf32, #tpu.memory_space<hbm>> -> memref<1x1x2562xf32, #tpu.memory_space<hbm>>
      %dma_wait3A_154 = tpu.memref_squeeze %dma_wait3A_153 : memref<1x1x2562xf32, #tpu.memory_space<hbm>> -> memref<2562xf32, #tpu.memory_space<hbm>>
      %dma_wait3A_155 = arith.constant 0 : i32
      %dma_wait3A_156 = tpu.memref_slice %arg2[%run_scoped3A, %select_n3A, %dma_wait3A_155] : memref<3x8x2562xf32, #tpu.memory_space<hbm>> -> memref<1x1x2562xf32, #tpu.memory_space<hbm>>
      %dma_wait3A_157 = tpu.memref_squeeze %dma_wait3A_156 : memref<1x1x2562xf32, #tpu.memory_space<hbm>> -> memref<2562xf32, #tpu.memory_space<hbm>>
      tpu.wait_dma2 semaphore(%run_scoped3A_145 : memref<!tpu.dma_semaphore, #tpu.memory_space<semaphore_mem>>) src(%dma_wait3A_157 : memref<2562xf32, #tpu.memory_space<hbm>>) dst(%arg8 : memref<2562xf32, #tpu.memory_space<vmem>>)
      tpu.yield
    }) : () -> ()
    %run_scoped3A_33 = arith.constant 1 : i32
    "tpu.region"() ({
      %run_scoped3A_145 = tpu.sem_alloc : memref<!tpu.dma_semaphore, #tpu.memory_space<semaphore_mem>>
      %dma_start3A_146 = arith.constant 0 : i32
      %dma_start3A_147 = tpu.memref_slice %arg2[%run_scoped3A_33, %select_n3A, %dma_start3A_146] : memref<3x8x2562xf32, #tpu.memory_space<hbm>> -> memref<1x1x2562xf32, #tpu.memory_space<hbm>>
      %dma_start3A_148 = tpu.memref_squeeze %dma_start3A_147 : memref<1x1x2562xf32, #tpu.memory_space<hbm>> -> memref<2562xf32, #tpu.memory_space<hbm>>
      %dma_start3A_149 = arith.constant 0 : i32
      %dma_start3A_150 = tpu.memref_slice %arg2[%run_scoped3A_33, %select_n3A, %dma_start3A_149] : memref<3x8x2562xf32, #tpu.memory_space<hbm>> -> memref<1x1x2562xf32, #tpu.memory_space<hbm>>
      %dma_start3A_151 = tpu.memref_squeeze %dma_start3A_150 : memref<1x1x2562xf32, #tpu.memory_space<hbm>> -> memref<2562xf32, #tpu.memory_space<hbm>>
      tpu.enqueue_dma source(%dma_start3A_151 : memref<2562xf32, #tpu.memory_space<hbm>>) target(%arg9 : memref<2562xf32, #tpu.memory_space<vmem>>) target_semaphore(%run_scoped3A_145 : memref<!tpu.dma_semaphore, #tpu.memory_space<semaphore_mem>>)
      %dma_wait3A_152 = arith.constant 0 : i32
      %dma_wait3A_153 = tpu.memref_slice %arg2[%run_scoped3A_33, %select_n3A, %dma_wait3A_152] : memref<3x8x2562xf32, #tpu.memory_space<hbm>> -> memref<1x1x2562xf32, #tpu.memory_space<hbm>>
      %dma_wait3A_154 = tpu.memref_squeeze %dma_wait3A_153 : memref<1x1x2562xf32, #tpu.memory_space<hbm>> -> memref<2562xf32, #tpu.memory_space<hbm>>
      %dma_wait3A_155 = arith.constant 0 : i32
      %dma_wait3A_156 = tpu.memref_slice %arg2[%run_scoped3A_33, %select_n3A, %dma_wait3A_155] : memref<3x8x2562xf32, #tpu.memory_space<hbm>> -> memref<1x1x2562xf32, #tpu.memory_space<hbm>>
      %dma_wait3A_157 = tpu.memref_squeeze %dma_wait3A_156 : memref<1x1x2562xf32, #tpu.memory_space<hbm>> -> memref<2562xf32, #tpu.memory_space<hbm>>
      tpu.wait_dma2 semaphore(%run_scoped3A_145 : memref<!tpu.dma_semaphore, #tpu.memory_space<semaphore_mem>>) src(%dma_wait3A_157 : memref<2562xf32, #tpu.memory_space<hbm>>) dst(%arg9 : memref<2562xf32, #tpu.memory_space<vmem>>)
      tpu.yield
    }) : () -> ()
    %run_scoped3A_34 = arith.constant 2 : i32
    "tpu.region"() ({
      %run_scoped3A_145 = tpu.sem_alloc : memref<!tpu.dma_semaphore, #tpu.memory_space<semaphore_mem>>
      %dma_start3A_146 = arith.constant 0 : i32
      %dma_start3A_147 = tpu.memref_slice %arg2[%run_scoped3A_34, %select_n3A, %dma_start3A_146] : memref<3x8x2562xf32, #tpu.memory_space<hbm>> -> memref<1x1x2562xf32, #tpu.memory_space<hbm>>
      %dma_start3A_148 = tpu.memref_squeeze %dma_start3A_147 : memref<1x1x2562xf32, #tpu.memory_space<hbm>> -> memref<2562xf32, #tpu.memory_space<hbm>>
      %dma_start3A_149 = arith.constant 0 : i32
      %dma_start3A_150 = tpu.memref_slice %arg2[%run_scoped3A_34, %select_n3A, %dma_start3A_149] : memref<3x8x2562xf32, #tpu.memory_space<hbm>> -> memref<1x1x2562xf32, #tpu.memory_space<hbm>>
      %dma_start3A_151 = tpu.memref_squeeze %dma_start3A_150 : memref<1x1x2562xf32, #tpu.memory_space<hbm>> -> memref<2562xf32, #tpu.memory_space<hbm>>
      tpu.enqueue_dma source(%dma_start3A_151 : memref<2562xf32, #tpu.memory_space<hbm>>) target(%arg10 : memref<2562xf32, #tpu.memory_space<vmem>>) target_semaphore(%run_scoped3A_145 : memref<!tpu.dma_semaphore, #tpu.memory_space<semaphore_mem>>)
      %dma_wait3A_152 = arith.constant 0 : i32
      %dma_wait3A_153 = tpu.memref_slice %arg2[%run_scoped3A_34, %select_n3A, %dma_wait3A_152] : memref<3x8x2562xf32, #tpu.memory_space<hbm>> -> memref<1x1x2562xf32, #tpu.memory_space<hbm>>
      %dma_wait3A_154 = tpu.memref_squeeze %dma_wait3A_153 : memref<1x1x2562xf32, #tpu.memory_space<hbm>> -> memref<2562xf32, #tpu.memory_space<hbm>>
      %dma_wait3A_155 = arith.constant 0 : i32
      %dma_wait3A_156 = tpu.memref_slice %arg2[%run_scoped3A_34, %select_n3A, %dma_wait3A_155] : memref<3x8x2562xf32, #tpu.memory_space<hbm>> -> memref<1x1x2562xf32, #tpu.memory_space<hbm>>
      %dma_wait3A_157 = tpu.memref_squeeze %dma_wait3A_156 : memref<1x1x2562xf32, #tpu.memory_space<hbm>> -> memref<2562xf32, #tpu.memory_space<hbm>>
      tpu.wait_dma2 semaphore(%run_scoped3A_145 : memref<!tpu.dma_semaphore, #tpu.memory_space<semaphore_mem>>) src(%dma_wait3A_157 : memref<2562xf32, #tpu.memory_space<hbm>>) dst(%arg10 : memref<2562xf32, #tpu.memory_space<vmem>>)
      tpu.yield
    }) : () -> ()
    "tpu.region"() ({
      %run_scoped3A_145 = tpu.sem_alloc : memref<!tpu.dma_semaphore, #tpu.memory_space<semaphore_mem>>
      tpu.enqueue_dma source(%arg6 : memref<15360xi32, #tpu.memory_space<hbm>>) target(%arg11 : memref<15360xi32, #tpu.memory_space<vmem>>) target_semaphore(%run_scoped3A_145 : memref<!tpu.dma_semaphore, #tpu.memory_space<semaphore_mem>>)
      tpu.wait_dma2 semaphore(%run_scoped3A_145 : memref<!tpu.dma_semaphore, #tpu.memory_space<semaphore_mem>>) src(%arg6 : memref<15360xi32, #tpu.memory_space<hbm>>) dst(%arg11 : memref<15360xi32, #tpu.memory_space<vmem>>)
      tpu.yield
    }) : () -> ()
    "tpu.region"() ({
      %run_scoped3A_145 = tpu.sem_alloc : memref<!tpu.dma_semaphore, #tpu.memory_space<semaphore_mem>>
      %dma_start3A_146 = arith.constant 0 : i32
      %dma_start3A_147 = tpu.memref_slice %arg12[%dma_start3A_146] : memref<5152xf32, #tpu.memory_space<vmem>> -> memref<5124xf32, #tpu.memory_space<vmem>>
      %dma_start3A_148 = arith.constant 0 : i32
      %dma_start3A_149 = tpu.memref_slice %arg12[%dma_start3A_148] : memref<5152xf32, #tpu.memory_space<vmem>> -> memref<5124xf32, #tpu.memory_space<vmem>>
      tpu.enqueue_dma source(%arg4 : memref<5124xf32, #tpu.memory_space<hbm>>) target(%dma_start3A_149 : memref<5124xf32, #tpu.memory_space<vmem>>) target_semaphore(%run_scoped3A_145 : memref<!tpu.dma_semaphore, #tpu.memory_space<semaphore_mem>>)
      %dma_wait3A_150 = arith.constant 0 : i32
      %dma_wait3A_151 = tpu.memref_slice %arg12[%dma_wait3A_150] : memref<5152xf32, #tpu.memory_space<vmem>> -> memref<5124xf32, #tpu.memory_space<vmem>>
      %dma_wait3A_152 = arith.constant 0 : i32
      %dma_wait3A_153 = tpu.memref_slice %arg12[%dma_wait3A_152] : memref<5152xf32, #tpu.memory_space<vmem>> -> memref<5124xf32, #tpu.memory_space<vmem>>
      tpu.wait_dma2 semaphore(%run_scoped3A_145 : memref<!tpu.dma_semaphore, #tpu.memory_space<semaphore_mem>>) src(%arg4 : memref<5124xf32, #tpu.memory_space<hbm>>) dst(%dma_wait3A_153 : memref<5124xf32, #tpu.memory_space<vmem>>)
      tpu.yield
    }) : () -> ()
    %iota3A = tpu.iota {dimensions = array<i32: 0>} : vector<16xi32>
    %mul3A_35 = arith.constant 32768 : i32
    %mul3A_36 = arith.muli %select_n3A, %mul3A_35 : i32
    %mul3A_37 = arith.constant 2 : i32
    %mul3A_38 = arith.muli %mul3A_32, %mul3A_37 : i32
    %add3A_39 = arith.addi %mul3A_36, %mul3A_38 : i32
    "tpu.region"() ({
      %run_scoped3A_145 = tpu.sem_alloc : memref<!tpu.dma_semaphore, #tpu.memory_space<semaphore_mem>>
      %dma_start3A_146 = tpu.memref_slice %arg3[%add3A_39] : memref<262144xf32, #tpu.memory_space<hbm>> -> memref<8192xf32, #tpu.memory_space<hbm>>
      %dma_start3A_147 = tpu.memref_slice %arg3[%add3A_39] : memref<262144xf32, #tpu.memory_space<hbm>> -> memref<8192xf32, #tpu.memory_space<hbm>>
      tpu.enqueue_dma source(%dma_start3A_147 : memref<8192xf32, #tpu.memory_space<hbm>>) target(%arg16 : memref<8192xf32, #tpu.memory_space<vmem>>) target_semaphore(%run_scoped3A_145 : memref<!tpu.dma_semaphore, #tpu.memory_space<semaphore_mem>>)
      %dma_wait3A_148 = tpu.memref_slice %arg3[%add3A_39] : memref<262144xf32, #tpu.memory_space<hbm>> -> memref<8192xf32, #tpu.memory_space<hbm>>
      %dma_wait3A_149 = tpu.memref_slice %arg3[%add3A_39] : memref<262144xf32, #tpu.memory_space<hbm>> -> memref<8192xf32, #tpu.memory_space<hbm>>
      tpu.wait_dma2 semaphore(%run_scoped3A_145 : memref<!tpu.dma_semaphore, #tpu.memory_space<semaphore_mem>>) src(%dma_wait3A_149 : memref<8192xf32, #tpu.memory_space<hbm>>) dst(%arg16 : memref<8192xf32, #tpu.memory_space<vmem>>)
      tpu.yield
    }) : () -> ()
    %parallel_loop3A = arith.constant 0 : i32
    %parallel_loop3A_40 = arith.constant 256 : i32
    %parallel_loop3A_41 = arith.constant 1 : i32
    scf.for %parallel_loop3A_145 = %parallel_loop3A to %parallel_loop3A_40 step %parallel_loop3A_41  : i32 {
      %parallel_loop3A_146 = arith.constant 3 : i32
      %parallel_loop3A_147 = arith.shrui %parallel_loop3A_145, %parallel_loop3A_146 : i32
      %parallel_loop3A_148 = arith.constant 8 : i32
      %parallel_loop3A_149 = arith.shli %parallel_loop3A_147, %parallel_loop3A_148 : i32
      %parallel_loop3A_150 = arith.constant 7 : i32
      %parallel_loop3A_151 = arith.andi %parallel_loop3A_145, %parallel_loop3A_150 : i32
      %parallel_loop3A_152 = arith.constant 4 : i32
      %parallel_loop3A_153 = arith.shli %parallel_loop3A_151, %parallel_loop3A_152 : i32
      %parallel_loop3A_154 = arith.addi %parallel_loop3A_149, %parallel_loop3A_153 : i32
      %parallel_loop3A_155 = arith.index_cast %parallel_loop3A_154 : i32 to index
      %parallel_loop3A_156 = tpu.vector_load %arg16[%parallel_loop3A_155] {strides = array<i32>} : memref<8192xf32, #tpu.memory_space<vmem>>, vector<16xf32>,
      %parallel_loop3A_157 = arith.constant 128 : i32
      %parallel_loop3A_158 = arith.addi %parallel_loop3A_154, %parallel_loop3A_157 : i32
      %parallel_loop3A_159 = arith.index_cast %parallel_loop3A_158 : i32 to index
      %parallel_loop3A_160 = tpu.vector_load %arg16[%parallel_loop3A_159] {strides = array<i32>} : memref<8192xf32, #tpu.memory_space<vmem>>, vector<16xf32>,
      %parallel_loop3A_161 = arith.constant 1.023000e+03 : f32
      %parallel_loop3A_162 = vector.broadcast %parallel_loop3A_161 : f32 to vector<16xf32>
      %parallel_loop3A_163 = arith.mulf %parallel_loop3A_156, %parallel_loop3A_162 : vector<16xf32>
      %parallel_loop3A_164 = arith.fptosi %parallel_loop3A_163 : vector<16xf32> to vector<16xi32>
      %parallel_loop3A_165 = arith.sitofp %parallel_loop3A_164 : vector<16xi32> to vector<16xf32>
      %parallel_loop3A_166 = arith.subf %parallel_loop3A_163, %parallel_loop3A_165 : vector<16xf32>
      %parallel_loop3A_167 = arith.constant 1 : i32
      %parallel_loop3A_168 = vector.broadcast %parallel_loop3A_167 : i32 to vector<16xi32>
      %parallel_loop3A_169 = arith.andi %parallel_loop3A_164, %parallel_loop3A_168 : vector<16xi32>
      %parallel_loop3A_170 = arith.constant 5.000000e-01 : f32
      %parallel_loop3A_171 = vector.broadcast %parallel_loop3A_170 : f32 to vector<16xf32>
      %parallel_loop3A_172 = arith.cmpf ogt, %parallel_loop3A_166, %parallel_loop3A_171 : vector<16xf32>
      %parallel_loop3A_173 = arith.constant 5.000000e-01 : f32
      %parallel_loop3A_174 = vector.broadcast %parallel_loop3A_173 : f32 to vector<16xf32>
      %parallel_loop3A_175 = arith.cmpf oeq, %parallel_loop3A_166, %parallel_loop3A_174 : vector<16xf32>
      %parallel_loop3A_176 = arith.constant 1 : i32
      %parallel_loop3A_177 = vector.broadcast %parallel_loop3A_176 : i32 to vector<16xi32>
      %parallel_loop3A_178 = arith.cmpi eq, %parallel_loop3A_169, %parallel_loop3A_177 : vector<16xi32>
      %parallel_loop3A_179 = arith.andi %parallel_loop3A_175, %parallel_loop3A_178 : vector<16xi1>
      %parallel_loop3A_180 = arith.ori %parallel_loop3A_172, %parallel_loop3A_179 : vector<16xi1>
      %parallel_loop3A_181 = arith.constant 1 : i32
      %parallel_loop3A_182 = vector.broadcast %parallel_loop3A_181 : i32 to vector<16xi32>
      %parallel_loop3A_183 = arith.addi %parallel_loop3A_164, %parallel_loop3A_182 : vector<16xi32>
      %parallel_loop3A_184 = arith.select %parallel_loop3A_180, %parallel_loop3A_183, %parallel_loop3A_164 : vector<16xi1>, vector<16xi32>
      %parallel_loop3A_185 = arith.constant 1.023000e+03 : f32
      %parallel_loop3A_186 = vector.broadcast %parallel_loop3A_185 : f32 to vector<16xf32>
      %parallel_loop3A_187 = arith.mulf %parallel_loop3A_160, %parallel_loop3A_186 : vector<16xf32>
      %parallel_loop3A_188 = arith.fptosi %parallel_loop3A_187 : vector<16xf32> to vector<16xi32>
      %parallel_loop3A_189 = arith.sitofp %parallel_loop3A_188 : vector<16xi32> to vector<16xf32>
      %parallel_loop3A_190 = arith.subf %parallel_loop3A_187, %parallel_loop3A_189 : vector<16xf32>
      %parallel_loop3A_191 = arith.constant 1 : i32
      %parallel_loop3A_192 = vector.broadcast %parallel_loop3A_191 : i32 to vector<16xi32>
      %parallel_loop3A_193 = arith.andi %parallel_loop3A_188, %parallel_loop3A_192 : vector<16xi32>
      %parallel_loop3A_194 = arith.constant 5.000000e-01 : f32
      %parallel_loop3A_195 = vector.broadcast %parallel_loop3A_194 : f32 to vector<16xf32>
      %parallel_loop3A_196 = arith.cmpf ogt, %parallel_loop3A_190, %parallel_loop3A_195 : vector<16xf32>
      %parallel_loop3A_197 = arith.constant 5.000000e-01 : f32
      %parallel_loop3A_198 = vector.broadcast %parallel_loop3A_197 : f32 to vector<16xf32>
      %parallel_loop3A_199 = arith.cmpf oeq, %parallel_loop3A_190, %parallel_loop3A_198 : vector<16xf32>
      %parallel_loop3A_200 = arith.constant 1 : i32
      %parallel_loop3A_201 = vector.broadcast %parallel_loop3A_200 : i32 to vector<16xi32>
      %parallel_loop3A_202 = arith.cmpi eq, %parallel_loop3A_193, %parallel_loop3A_201 : vector<16xi32>
      %parallel_loop3A_203 = arith.andi %parallel_loop3A_199, %parallel_loop3A_202 : vector<16xi1>
      %parallel_loop3A_204 = arith.ori %parallel_loop3A_196, %parallel_loop3A_203 : vector<16xi1>
      %parallel_loop3A_205 = arith.constant 1 : i32
      %parallel_loop3A_206 = vector.broadcast %parallel_loop3A_205 : i32 to vector<16xi32>
      %parallel_loop3A_207 = arith.addi %parallel_loop3A_188, %parallel_loop3A_206 : vector<16xi32>
      %parallel_loop3A_208 = arith.select %parallel_loop3A_204, %parallel_loop3A_207, %parallel_loop3A_188 : vector<16xi1>, vector<16xi32>
      %parallel_loop3A_209 = arith.constant 3 : i32
      %parallel_loop3A_210 = vector.broadcast %parallel_loop3A_209 : i32 to vector<16xi32>
      %parallel_loop3A_211 = arith.shrui %parallel_loop3A_208, %parallel_loop3A_210 : vector<16xi32>
      %parallel_loop3A_212 = arith.constant 13 : i32
      %parallel_loop3A_213 = vector.broadcast %parallel_loop3A_212 : i32 to vector<16xi32>
      %parallel_loop3A_214 = arith.shli %parallel_loop3A_211, %parallel_loop3A_213 : vector<16xi32>
      %parallel_loop3A_215 = arith.constant 7 : i32
      %parallel_loop3A_216 = vector.broadcast %parallel_loop3A_215 : i32 to vector<16xi32>
      %parallel_loop3A_217 = arith.shrui %parallel_loop3A_184, %parallel_loop3A_216 : vector<16xi32>
      %parallel_loop3A_218 = arith.constant 10 : i32
      %parallel_loop3A_219 = vector.broadcast %parallel_loop3A_218 : i32 to vector<16xi32>
      %parallel_loop3A_220 = arith.shli %parallel_loop3A_217, %parallel_loop3A_219 : vector<16xi32>
      %parallel_loop3A_221 = arith.addi %parallel_loop3A_214, %parallel_loop3A_220 : vector<16xi32>
      %parallel_loop3A_222 = arith.constant 7 : i32
      %parallel_loop3A_223 = vector.broadcast %parallel_loop3A_222 : i32 to vector<16xi32>
      %parallel_loop3A_224 = arith.andi %parallel_loop3A_208, %parallel_loop3A_223 : vector<16xi32>
      %parallel_loop3A_225 = arith.constant 7 : i32
      %parallel_loop3A_226 = vector.broadcast %parallel_loop3A_225 : i32 to vector<16xi32>
      %parallel_loop3A_227 = arith.shli %parallel_loop3A_224, %parallel_loop3A_226 : vector<16xi32>
      %parallel_loop3A_228 = arith.addi %parallel_loop3A_221, %parallel_loop3A_227 : vector<16xi32>
      %parallel_loop3A_229 = arith.constant 127 : i32
      %parallel_loop3A_230 = vector.broadcast %parallel_loop3A_229 : i32 to vector<16xi32>
      %parallel_loop3A_231 = arith.andi %parallel_loop3A_184, %parallel_loop3A_230 : vector<16xi32>
      %parallel_loop3A_232 = arith.addi %parallel_loop3A_228, %parallel_loop3A_231 : vector<16xi32>
      %parallel_loop3A_233 = arith.constant 16 : i32
      %parallel_loop3A_234 = arith.muli %parallel_loop3A_145, %parallel_loop3A_233 : i32
      %parallel_loop3A_235 = arith.index_cast %parallel_loop3A_234 : i32 to index
      %parallel_loop3A_236 = tpu.vector_load %arg17[%parallel_loop3A_235] {strides = array<i32>} : memref<4096xi32, #tpu.memory_space<vmem>>, vector<16xi32>,
      tpu.vector_store %arg17[%parallel_loop3A_235], %parallel_loop3A_232 {strides = array<i32>} : memref<4096xi32, #tpu.memory_space<vmem>>, vector<16xi32>,
    } {sc.loop_unroll_factor = 4 : i64, sc.parallel_access}
    %dma_start3A = arith.constant 0 : i32
    %dma_start3A_42 = tpu.memref_slice %arg18[%dma_start3A] : memref<4096xi32, #tpu.memory_space<vmem>> -> memref<512xi32, #tpu.memory_space<vmem>>
    %dma_start3A_43 = arith.constant 0 : i32
    %dma_start3A_44 = tpu.memref_slice %arg17[%dma_start3A_43] : memref<4096xi32, #tpu.memory_space<vmem>> -> memref<512xi32, #tpu.memory_space<vmem>>
    %dma_start3A_45 = arith.constant 0 : i32
    %dma_start3A_46 = tpu.memref_slice %arg5[%dma_start3A_45] : memref<1048576xi32, #tpu.memory_space<hbm>> -> memref<1048576xi32, #tpu.memory_space<hbm>>
    tpu.enqueue_indirect_dma source(%dma_start3A_46 : memref<1048576xi32, #tpu.memory_space<hbm>>) target(%dma_start3A_42 : memref<512xi32, #tpu.memory_space<vmem>>) offsets(%dma_start3A_44 : memref<512xi32, #tpu.memory_space<vmem>>) semaphore(%arg22 : memref<!tpu.dma_semaphore, #tpu.memory_space<semaphore_mem>>)
    %dma_start3A_47 = arith.constant 512 : i32
    %dma_start3A_48 = tpu.memref_slice %arg18[%dma_start3A_47] : memref<4096xi32, #tpu.memory_space<vmem>> -> memref<512xi32, #tpu.memory_space<vmem>>
    %dma_start3A_49 = arith.constant 512 : i32
    %dma_start3A_50 = tpu.memref_slice %arg17[%dma_start3A_49] : memref<4096xi32, #tpu.memory_space<vmem>> -> memref<512xi32, #tpu.memory_space<vmem>>
    %dma_start3A_51 = arith.constant 0 : i32
    %dma_start3A_52 = tpu.memref_slice %arg5[%dma_start3A_51] : memref<1048576xi32, #tpu.memory_space<hbm>> -> memref<1048576xi32, #tpu.memory_space<hbm>>
    tpu.enqueue_indirect_dma source(%dma_start3A_52 : memref<1048576xi32, #tpu.memory_space<hbm>>) target(%dma_start3A_48 : memref<512xi32, #tpu.memory_space<vmem>>) offsets(%dma_start3A_50 : memref<512xi32, #tpu.memory_space<vmem>>) semaphore(%arg22 : memref<!tpu.dma_semaphore, #tpu.memory_space<semaphore_mem>>)
    %dma_start3A_53 = arith.constant 1024 : i32
    %dma_start3A_54 = tpu.memref_slice %arg18[%dma_start3A_53] : memref<4096xi32, #tpu.memory_space<vmem>> -> memref<512xi32, #tpu.memory_space<vmem>>
    %dma_start3A_55 = arith.constant 1024 : i32
    %dma_start3A_56 = tpu.memref_slice %arg17[%dma_start3A_55] : memref<4096xi32, #tpu.memory_space<vmem>> -> memref<512xi32, #tpu.memory_space<vmem>>
    %dma_start3A_57 = arith.constant 0 : i32
    %dma_start3A_58 = tpu.memref_slice %arg5[%dma_start3A_57] : memref<1048576xi32, #tpu.memory_space<hbm>> -> memref<1048576xi32, #tpu.memory_space<hbm>>
    tpu.enqueue_indirect_dma source(%dma_start3A_58 : memref<1048576xi32, #tpu.memory_space<hbm>>) target(%dma_start3A_54 : memref<512xi32, #tpu.memory_space<vmem>>) offsets(%dma_start3A_56 : memref<512xi32, #tpu.memory_space<vmem>>) semaphore(%arg22 : memref<!tpu.dma_semaphore, #tpu.memory_space<semaphore_mem>>)
    %dma_start3A_59 = arith.constant 1536 : i32
    %dma_start3A_60 = tpu.memref_slice %arg18[%dma_start3A_59] : memref<4096xi32, #tpu.memory_space<vmem>> -> memref<512xi32, #tpu.memory_space<vmem>>
    %dma_start3A_61 = arith.constant 1536 : i32
    %dma_start3A_62 = tpu.memref_slice %arg17[%dma_start3A_61] : memref<4096xi32, #tpu.memory_space<vmem>> -> memref<512xi32, #tpu.memory_space<vmem>>
    %dma_start3A_63 = arith.constant 0 : i32
    %dma_start3A_64 = tpu.memref_slice %arg5[%dma_start3A_63] : memref<1048576xi32, #tpu.memory_space<hbm>> -> memref<1048576xi32, #tpu.memory_space<hbm>>
    tpu.enqueue_indirect_dma source(%dma_start3A_64 : memref<1048576xi32, #tpu.memory_space<hbm>>) target(%dma_start3A_60 : memref<512xi32, #tpu.memory_space<vmem>>) offsets(%dma_start3A_62 : memref<512xi32, #tpu.memory_space<vmem>>) semaphore(%arg22 : memref<!tpu.dma_semaphore, #tpu.memory_space<semaphore_mem>>)
    %dma_start3A_65 = arith.constant 2048 : i32
    %dma_start3A_66 = tpu.memref_slice %arg18[%dma_start3A_65] : memref<4096xi32, #tpu.memory_space<vmem>> -> memref<512xi32, #tpu.memory_space<vmem>>
    %dma_start3A_67 = arith.constant 2048 : i32
    %dma_start3A_68 = tpu.memref_slice %arg17[%dma_start3A_67] : memref<4096xi32, #tpu.memory_space<vmem>> -> memref<512xi32, #tpu.memory_space<vmem>>
    %dma_start3A_69 = arith.constant 0 : i32
    %dma_start3A_70 = tpu.memref_slice %arg5[%dma_start3A_69] : memref<1048576xi32, #tpu.memory_space<hbm>> -> memref<1048576xi32, #tpu.memory_space<hbm>>
    tpu.enqueue_indirect_dma source(%dma_start3A_70 : memref<1048576xi32, #tpu.memory_space<hbm>>) target(%dma_start3A_66 : memref<512xi32, #tpu.memory_space<vmem>>) offsets(%dma_start3A_68 : memref<512xi32, #tpu.memory_space<vmem>>) semaphore(%arg22 : memref<!tpu.dma_semaphore, #tpu.memory_space<semaphore_mem>>)
    %dma_start3A_71 = arith.constant 2560 : i32
    %dma_start3A_72 = tpu.memref_slice %arg18[%dma_start3A_71] : memref<4096xi32, #tpu.memory_space<vmem>> -> memref<512xi32, #tpu.memory_space<vmem>>
    %dma_start3A_73 = arith.constant 2560 : i32
    %dma_start3A_74 = tpu.memref_slice %arg17[%dma_start3A_73] : memref<4096xi32, #tpu.memory_space<vmem>> -> memref<512xi32, #tpu.memory_space<vmem>>
    %dma_start3A_75 = arith.constant 0 : i32
    %dma_start3A_76 = tpu.memref_slice %arg5[%dma_start3A_75] : memref<1048576xi32, #tpu.memory_space<hbm>> -> memref<1048576xi32, #tpu.memory_space<hbm>>
    tpu.enqueue_indirect_dma source(%dma_start3A_76 : memref<1048576xi32, #tpu.memory_space<hbm>>) target(%dma_start3A_72 : memref<512xi32, #tpu.memory_space<vmem>>) offsets(%dma_start3A_74 : memref<512xi32, #tpu.memory_space<vmem>>) semaphore(%arg22 : memref<!tpu.dma_semaphore, #tpu.memory_space<semaphore_mem>>)
    %dma_start3A_77 = arith.constant 3072 : i32
    %dma_start3A_78 = tpu.memref_slice %arg18[%dma_start3A_77] : memref<4096xi32, #tpu.memory_space<vmem>> -> memref<512xi32, #tpu.memory_space<vmem>>
    %dma_start3A_79 = arith.constant 3072 : i32
    %dma_start3A_80 = tpu.memref_slice %arg17[%dma_start3A_79] : memref<4096xi32, #tpu.memory_space<vmem>> -> memref<512xi32, #tpu.memory_space<vmem>>
    %dma_start3A_81 = arith.constant 0 : i32
    %dma_start3A_82 = tpu.memref_slice %arg5[%dma_start3A_81] : memref<1048576xi32, #tpu.memory_space<hbm>> -> memref<1048576xi32, #tpu.memory_space<hbm>>
    tpu.enqueue_indirect_dma source(%dma_start3A_82 : memref<1048576xi32, #tpu.memory_space<hbm>>) target(%dma_start3A_78 : memref<512xi32, #tpu.memory_space<vmem>>) offsets(%dma_start3A_80 : memref<512xi32, #tpu.memory_space<vmem>>) semaphore(%arg22 : memref<!tpu.dma_semaphore, #tpu.memory_space<semaphore_mem>>)
    %dma_start3A_83 = arith.constant 3584 : i32
    %dma_start3A_84 = tpu.memref_slice %arg18[%dma_start3A_83] : memref<4096xi32, #tpu.memory_space<vmem>> -> memref<512xi32, #tpu.memory_space<vmem>>
    %dma_start3A_85 = arith.constant 3584 : i32
    %dma_start3A_86 = tpu.memref_slice %arg17[%dma_start3A_85] : memref<4096xi32, #tpu.memory_space<vmem>> -> memref<512xi32, #tpu.memory_space<vmem>>
    %dma_start3A_87 = arith.constant 0 : i32
    %dma_start3A_88 = tpu.memref_slice %arg5[%dma_start3A_87] : memref<1048576xi32, #tpu.memory_space<hbm>> -> memref<1048576xi32, #tpu.memory_space<hbm>>
    tpu.enqueue_indirect_dma source(%dma_start3A_88 : memref<1048576xi32, #tpu.memory_space<hbm>>) target(%dma_start3A_84 : memref<512xi32, #tpu.memory_space<vmem>>) offsets(%dma_start3A_86 : memref<512xi32, #tpu.memory_space<vmem>>) semaphore(%arg22 : memref<!tpu.dma_semaphore, #tpu.memory_space<semaphore_mem>>)
    %parallel_loop3A_89 = arith.constant 0 : i32
    %parallel_loop3A_90 = arith.constant 161 : i32
    %parallel_loop3A_91 = arith.constant 1 : i32
    scf.for %parallel_loop3A_145 = %parallel_loop3A_89 to %parallel_loop3A_90 step %parallel_loop3A_91  : i32 {
      %parallel_loop3A_146 = arith.constant 16 : i32
      %parallel_loop3A_147 = arith.muli %parallel_loop3A_145, %parallel_loop3A_146 : i32
      %parallel_loop3A_148 = vector.broadcast %parallel_loop3A_147 : i32 to vector<16xi32>
      %parallel_loop3A_149 = arith.addi %parallel_loop3A_148, %iota3A : vector<16xi32>
      %parallel_loop3A_150 = arith.addi %parallel_loop3A_149, %parallel_loop3A_149 : vector<16xi32>
      %parallel_loop3A_151 = tpu.vector_load_idx %arg12[%parallel_loop3A_150] : memref<5152xf32, #tpu.memory_space<vmem>>[vector<16xi32>], vector<16xf32>,
      %parallel_loop3A_152 = arith.constant 1 : i32
      %parallel_loop3A_153 = vector.broadcast %parallel_loop3A_152 : i32 to vector<16xi32>
      %parallel_loop3A_154 = arith.addi %parallel_loop3A_150, %parallel_loop3A_153 : vector<16xi32>
      %parallel_loop3A_155 = tpu.vector_load_idx %arg12[%parallel_loop3A_154] : memref<5152xf32, #tpu.memory_space<vmem>>[vector<16xi32>], vector<16xf32>,
      %parallel_loop3A_156 = arith.constant 5.000000e-01 : f32
      %parallel_loop3A_157 = vector.broadcast %parallel_loop3A_156 : f32 to vector<16xf32>
      %parallel_loop3A_158 = arith.subf %parallel_loop3A_151, %parallel_loop3A_157 : vector<16xf32>
      %parallel_loop3A_159 = arith.addf %parallel_loop3A_158, %parallel_loop3A_158 : vector<16xf32>
      %parallel_loop3A_160 = arith.constant 5.000000e-01 : f32
      %parallel_loop3A_161 = vector.broadcast %parallel_loop3A_160 : f32 to vector<16xf32>
      %parallel_loop3A_162 = arith.cmpf ogt, %parallel_loop3A_159, %parallel_loop3A_161 : vector<16xf32>
      %parallel_loop3A_163 = arith.constant -5.000000e-01 : f32
      %parallel_loop3A_164 = vector.broadcast %parallel_loop3A_163 : f32 to vector<16xf32>
      %parallel_loop3A_165 = arith.cmpf olt, %parallel_loop3A_159, %parallel_loop3A_164 : vector<16xf32>
      %parallel_loop3A_166 = arith.constant -1.000000e+00 : f32
      %parallel_loop3A_167 = arith.constant 0.000000e+00 : f32
      %parallel_loop3A_168 = vector.broadcast %parallel_loop3A_166 : f32 to vector<16xf32>
      %parallel_loop3A_169 = vector.broadcast %parallel_loop3A_167 : f32 to vector<16xf32>
      %parallel_loop3A_170 = arith.select %parallel_loop3A_165, %parallel_loop3A_168, %parallel_loop3A_169 : vector<16xi1>, vector<16xf32>
      %parallel_loop3A_171 = arith.constant 1.000000e+00 : f32
      %parallel_loop3A_172 = vector.broadcast %parallel_loop3A_171 : f32 to vector<16xf32>
      %parallel_loop3A_173 = arith.select %parallel_loop3A_162, %parallel_loop3A_172, %parallel_loop3A_170 : vector<16xi1>, vector<16xf32>
      %parallel_loop3A_174 = arith.constant 6.28318548 : f32
      %parallel_loop3A_175 = vector.broadcast %parallel_loop3A_174 : f32 to vector<16xf32>
      %parallel_loop3A_176 = arith.mulf %parallel_loop3A_175, %parallel_loop3A_158 : vector<16xf32>
      %parallel_loop3A_177 = arith.constant 3.14159274 : f32
      %parallel_loop3A_178 = vector.broadcast %parallel_loop3A_177 : f32 to vector<16xf32>
      %parallel_loop3A_179 = arith.mulf %parallel_loop3A_178, %parallel_loop3A_173 : vector<16xf32>
      %parallel_loop3A_180 = arith.subf %parallel_loop3A_176, %parallel_loop3A_179 : vector<16xf32>
      %parallel_loop3A_181 = arith.constant 2.000000e+00 : f32
      %parallel_loop3A_182 = vector.broadcast %parallel_loop3A_181 : f32 to vector<16xf32>
      %parallel_loop3A_183 = arith.mulf %parallel_loop3A_182, %parallel_loop3A_173 : vector<16xf32>
      %parallel_loop3A_184 = arith.mulf %parallel_loop3A_183, %parallel_loop3A_173 : vector<16xf32>
      %parallel_loop3A_185 = arith.constant 1.000000e+00 : f32
      %parallel_loop3A_186 = vector.broadcast %parallel_loop3A_185 : f32 to vector<16xf32>
      %parallel_loop3A_187 = arith.subf %parallel_loop3A_186, %parallel_loop3A_184 : vector<16xf32>
      %parallel_loop3A_188 = arith.mulf %parallel_loop3A_180, %parallel_loop3A_180 : vector<16xf32>
      %parallel_loop3A_189 = arith.constant -1.8362749E-4 : f32
      %parallel_loop3A_190 = vector.broadcast %parallel_loop3A_189 : f32 to vector<16xf32>
      %parallel_loop3A_191 = arith.mulf %parallel_loop3A_188, %parallel_loop3A_190 : vector<16xf32>
      %parallel_loop3A_192 = arith.constant 0.0083062863 : f32
      %parallel_loop3A_193 = vector.broadcast %parallel_loop3A_192 : f32 to vector<16xf32>
      %parallel_loop3A_194 = arith.addf %parallel_loop3A_193, %parallel_loop3A_191 : vector<16xf32>
      %parallel_loop3A_195 = arith.mulf %parallel_loop3A_188, %parallel_loop3A_194 : vector<16xf32>
      %parallel_loop3A_196 = arith.constant -0.166648239 : f32
      %parallel_loop3A_197 = vector.broadcast %parallel_loop3A_196 : f32 to vector<16xf32>
      %parallel_loop3A_198 = arith.addf %parallel_loop3A_197, %parallel_loop3A_195 : vector<16xf32>
      %parallel_loop3A_199 = arith.mulf %parallel_loop3A_188, %parallel_loop3A_198 : vector<16xf32>
      %parallel_loop3A_200 = arith.constant 0.999996602 : f32
      %parallel_loop3A_201 = vector.broadcast %parallel_loop3A_200 : f32 to vector<16xf32>
      %parallel_loop3A_202 = arith.addf %parallel_loop3A_201, %parallel_loop3A_199 : vector<16xf32>
      %parallel_loop3A_203 = arith.mulf %parallel_loop3A_180, %parallel_loop3A_202 : vector<16xf32>
      %parallel_loop3A_204 = arith.constant 2.3153174E-5 : f32
      %parallel_loop3A_205 = vector.broadcast %parallel_loop3A_204 : f32 to vector<16xf32>
      %parallel_loop3A_206 = arith.mulf %parallel_loop3A_188, %parallel_loop3A_205 : vector<16xf32>
      %parallel_loop3A_207 = arith.constant -0.00138536666 : f32
      %parallel_loop3A_208 = vector.broadcast %parallel_loop3A_207 : f32 to vector<16xf32>
      %parallel_loop3A_209 = arith.addf %parallel_loop3A_208, %parallel_loop3A_206 : vector<16xf32>
      %parallel_loop3A_210 = arith.mulf %parallel_loop3A_188, %parallel_loop3A_209 : vector<16xf32>
      %parallel_loop3A_211 = arith.constant 0.0416635796 : f32
      %parallel_loop3A_212 = vector.broadcast %parallel_loop3A_211 : f32 to vector<16xf32>
      %parallel_loop3A_213 = arith.addf %parallel_loop3A_212, %parallel_loop3A_210 : vector<16xf32>
      %parallel_loop3A_214 = arith.mulf %parallel_loop3A_188, %parallel_loop3A_213 : vector<16xf32>
      %parallel_loop3A_215 = arith.constant -0.499999046 : f32
      %parallel_loop3A_216 = vector.broadcast %parallel_loop3A_215 : f32 to vector<16xf32>
      %parallel_loop3A_217 = arith.addf %parallel_loop3A_216, %parallel_loop3A_214 : vector<16xf32>
      %parallel_loop3A_218 = arith.mulf %parallel_loop3A_188, %parallel_loop3A_217 : vector<16xf32>
      %parallel_loop3A_219 = arith.constant 0.99999994 : f32
      %parallel_loop3A_220 = vector.broadcast %parallel_loop3A_219 : f32 to vector<16xf32>
      %parallel_loop3A_221 = arith.addf %parallel_loop3A_220, %parallel_loop3A_218 : vector<16xf32>
      %parallel_loop3A_222 = arith.mulf %parallel_loop3A_187, %parallel_loop3A_203 : vector<16xf32>
      %parallel_loop3A_223 = arith.mulf %parallel_loop3A_187, %parallel_loop3A_221 : vector<16xf32>
      %parallel_loop3A_224 = arith.constant 5.000000e-01 : f32
      %parallel_loop3A_225 = vector.broadcast %parallel_loop3A_224 : f32 to vector<16xf32>
      %parallel_loop3A_226 = arith.subf %parallel_loop3A_155, %parallel_loop3A_225 : vector<16xf32>
      %parallel_loop3A_227 = arith.constant 3.14159274 : f32
      %parallel_loop3A_228 = vector.broadcast %parallel_loop3A_227 : f32 to vector<16xf32>
      %parallel_loop3A_229 = arith.mulf %parallel_loop3A_228, %parallel_loop3A_226 : vector<16xf32>
      %parallel_loop3A_230 = arith.mulf %parallel_loop3A_229, %parallel_loop3A_229 : vector<16xf32>
      %parallel_loop3A_231 = arith.constant -1.8362749E-4 : f32
      %parallel_loop3A_232 = vector.broadcast %parallel_loop3A_231 : f32 to vector<16xf32>
      %parallel_loop3A_233 = arith.mulf %parallel_loop3A_230, %parallel_loop3A_232 : vector<16xf32>
      %parallel_loop3A_234 = arith.constant 0.0083062863 : f32
      %parallel_loop3A_235 = vector.broadcast %parallel_loop3A_234 : f32 to vector<16xf32>
      %parallel_loop3A_236 = arith.addf %parallel_loop3A_235, %parallel_loop3A_233 : vector<16xf32>
      %parallel_loop3A_237 = arith.mulf %parallel_loop3A_230, %parallel_loop3A_236 : vector<16xf32>
      %parallel_loop3A_238 = arith.constant -0.166648239 : f32
      %parallel_loop3A_239 = vector.broadcast %parallel_loop3A_238 : f32 to vector<16xf32>
      %parallel_loop3A_240 = arith.addf %parallel_loop3A_239, %parallel_loop3A_237 : vector<16xf32>
      %parallel_loop3A_241 = arith.mulf %parallel_loop3A_230, %parallel_loop3A_240 : vector<16xf32>
      %parallel_loop3A_242 = arith.constant 0.999996602 : f32
      %parallel_loop3A_243 = vector.broadcast %parallel_loop3A_242 : f32 to vector<16xf32>
      %parallel_loop3A_244 = arith.addf %parallel_loop3A_243, %parallel_loop3A_241 : vector<16xf32>
      %parallel_loop3A_245 = arith.mulf %parallel_loop3A_229, %parallel_loop3A_244 : vector<16xf32>
      %parallel_loop3A_246 = arith.constant 2.3153174E-5 : f32
      %parallel_loop3A_247 = vector.broadcast %parallel_loop3A_246 : f32 to vector<16xf32>
      %parallel_loop3A_248 = arith.mulf %parallel_loop3A_230, %parallel_loop3A_247 : vector<16xf32>
      %parallel_loop3A_249 = arith.constant -0.00138536666 : f32
      %parallel_loop3A_250 = vector.broadcast %parallel_loop3A_249 : f32 to vector<16xf32>
      %parallel_loop3A_251 = arith.addf %parallel_loop3A_250, %parallel_loop3A_248 : vector<16xf32>
      %parallel_loop3A_252 = arith.mulf %parallel_loop3A_230, %parallel_loop3A_251 : vector<16xf32>
      %parallel_loop3A_253 = arith.constant 0.0416635796 : f32
      %parallel_loop3A_254 = vector.broadcast %parallel_loop3A_253 : f32 to vector<16xf32>
      %parallel_loop3A_255 = arith.addf %parallel_loop3A_254, %parallel_loop3A_252 : vector<16xf32>
      %parallel_loop3A_256 = arith.mulf %parallel_loop3A_230, %parallel_loop3A_255 : vector<16xf32>
      %parallel_loop3A_257 = arith.constant -0.499999046 : f32
      %parallel_loop3A_258 = vector.broadcast %parallel_loop3A_257 : f32 to vector<16xf32>
      %parallel_loop3A_259 = arith.addf %parallel_loop3A_258, %parallel_loop3A_256 : vector<16xf32>
      %parallel_loop3A_260 = arith.mulf %parallel_loop3A_230, %parallel_loop3A_259 : vector<16xf32>
      %parallel_loop3A_261 = arith.constant 0.99999994 : f32
      %parallel_loop3A_262 = vector.broadcast %parallel_loop3A_261 : f32 to vector<16xf32>
      %parallel_loop3A_263 = arith.addf %parallel_loop3A_262, %parallel_loop3A_260 : vector<16xf32>
      %parallel_loop3A_264 = arith.mulf %parallel_loop3A_263, %parallel_loop3A_223 : vector<16xf32>
      %parallel_loop3A_265 = arith.mulf %parallel_loop3A_263, %parallel_loop3A_222 : vector<16xf32>
      %parallel_loop3A_266 = arith.constant 16 : i32
      %parallel_loop3A_267 = arith.muli %parallel_loop3A_145, %parallel_loop3A_266 : i32
      %parallel_loop3A_268 = arith.index_cast %parallel_loop3A_267 : i32 to index
      %parallel_loop3A_269 = tpu.vector_load %arg13[%parallel_loop3A_268] {strides = array<i32>} : memref<2576xf32, #tpu.memory_space<vmem>>, vector<16xf32>,
      tpu.vector_store %arg13[%parallel_loop3A_268], %parallel_loop3A_264 {strides = array<i32>} : memref<2576xf32, #tpu.memory_space<vmem>>, vector<16xf32>,
      %parallel_loop3A_270 = arith.constant 16 : i32
      %parallel_loop3A_271 = arith.muli %parallel_loop3A_145, %parallel_loop3A_270 : i32
      %parallel_loop3A_272 = arith.index_cast %parallel_loop3A_271 : i32 to index
      %parallel_loop3A_273 = tpu.vector_load %arg14[%parallel_loop3A_272] {strides = array<i32>} : memref<2576xf32, #tpu.memory_space<vmem>>, vector<16xf32>,
      tpu.vector_store %arg14[%parallel_loop3A_272], %parallel_loop3A_265 {strides = array<i32>} : memref<2576xf32, #tpu.memory_space<vmem>>, vector<16xf32>,
      %parallel_loop3A_274 = arith.constant 16 : i32
      %parallel_loop3A_275 = arith.muli %parallel_loop3A_145, %parallel_loop3A_274 : i32
      %parallel_loop3A_276 = arith.index_cast %parallel_loop3A_275 : i32 to index
      %parallel_loop3A_277 = tpu.vector_load %arg15[%parallel_loop3A_276] {strides = array<i32>} : memref<2576xf32, #tpu.memory_space<vmem>>, vector<16xf32>,
      tpu.vector_store %arg15[%parallel_loop3A_276], %parallel_loop3A_245 {strides = array<i32>} : memref<2576xf32, #tpu.memory_space<vmem>>, vector<16xf32>,
    } {sc.loop_unroll_factor = 4 : i64, sc.parallel_access}
    %dma_wait3A = arith.constant 0 : i32
    %dma_wait3A_92 = tpu.memref_slice %arg18[%dma_wait3A] : memref<4096xi32, #tpu.memory_space<vmem>> -> memref<512xi32, #tpu.memory_space<vmem>>
    %dma_wait3A_93 = arith.constant 0 : i32
    %dma_wait3A_94 = tpu.memref_slice %arg17[%dma_wait3A_93] : memref<4096xi32, #tpu.memory_space<vmem>> -> memref<512xi32, #tpu.memory_space<vmem>>
    %dma_wait3A_95 = arith.constant 0 : i32
    %dma_wait3A_96 = tpu.memref_slice %arg5[%dma_wait3A_95] : memref<1048576xi32, #tpu.memory_space<hbm>> -> memref<1048576xi32, #tpu.memory_space<hbm>>
    tpu.wait_indirect_dma semaphore(%arg22 : memref<!tpu.dma_semaphore, #tpu.memory_space<semaphore_mem>>) src(%dma_wait3A_96 : memref<1048576xi32, #tpu.memory_space<hbm>>) dst(%dma_wait3A_92 : memref<512xi32, #tpu.memory_space<vmem>>)
    %dma_wait3A_97 = arith.constant 512 : i32
    %dma_wait3A_98 = tpu.memref_slice %arg18[%dma_wait3A_97] : memref<4096xi32, #tpu.memory_space<vmem>> -> memref<512xi32, #tpu.memory_space<vmem>>
    %dma_wait3A_99 = arith.constant 512 : i32
    %dma_wait3A_100 = tpu.memref_slice %arg17[%dma_wait3A_99] : memref<4096xi32, #tpu.memory_space<vmem>> -> memref<512xi32, #tpu.memory_space<vmem>>
    %dma_wait3A_101 = arith.constant 0 : i32
    %dma_wait3A_102 = tpu.memref_slice %arg5[%dma_wait3A_101] : memref<1048576xi32, #tpu.memory_space<hbm>> -> memref<1048576xi32, #tpu.memory_space<hbm>>
    tpu.wait_indirect_dma semaphore(%arg22 : memref<!tpu.dma_semaphore, #tpu.memory_space<semaphore_mem>>) src(%dma_wait3A_102 : memref<1048576xi32, #tpu.memory_space<hbm>>) dst(%dma_wait3A_98 : memref<512xi32, #tpu.memory_space<vmem>>)
    %dma_wait3A_103 = arith.constant 1024 : i32
    %dma_wait3A_104 = tpu.memref_slice %arg18[%dma_wait3A_103] : memref<4096xi32, #tpu.memory_space<vmem>> -> memref<512xi32, #tpu.memory_space<vmem>>
    %dma_wait3A_105 = arith.constant 1024 : i32
    %dma_wait3A_106 = tpu.memref_slice %arg17[%dma_wait3A_105] : memref<4096xi32, #tpu.memory_space<vmem>> -> memref<512xi32, #tpu.memory_space<vmem>>
    %dma_wait3A_107 = arith.constant 0 : i32
    %dma_wait3A_108 = tpu.memref_slice %arg5[%dma_wait3A_107] : memref<1048576xi32, #tpu.memory_space<hbm>> -> memref<1048576xi32, #tpu.memory_space<hbm>>
    tpu.wait_indirect_dma semaphore(%arg22 : memref<!tpu.dma_semaphore, #tpu.memory_space<semaphore_mem>>) src(%dma_wait3A_108 : memref<1048576xi32, #tpu.memory_space<hbm>>) dst(%dma_wait3A_104 : memref<512xi32, #tpu.memory_space<vmem>>)
    %dma_wait3A_109 = arith.constant 1536 : i32
    %dma_wait3A_110 = tpu.memref_slice %arg18[%dma_wait3A_109] : memref<4096xi32, #tpu.memory_space<vmem>> -> memref<512xi32, #tpu.memory_space<vmem>>
    %dma_wait3A_111 = arith.constant 1536 : i32
    %dma_wait3A_112 = tpu.memref_slice %arg17[%dma_wait3A_111] : memref<4096xi32, #tpu.memory_space<vmem>> -> memref<512xi32, #tpu.memory_space<vmem>>
    %dma_wait3A_113 = arith.constant 0 : i32
    %dma_wait3A_114 = tpu.memref_slice %arg5[%dma_wait3A_113] : memref<1048576xi32, #tpu.memory_space<hbm>> -> memref<1048576xi32, #tpu.memory_space<hbm>>
    tpu.wait_indirect_dma semaphore(%arg22 : memref<!tpu.dma_semaphore, #tpu.memory_space<semaphore_mem>>) src(%dma_wait3A_114 : memref<1048576xi32, #tpu.memory_space<hbm>>) dst(%dma_wait3A_110 : memref<512xi32, #tpu.memory_space<vmem>>)
    %dma_wait3A_115 = arith.constant 2048 : i32
    %dma_wait3A_116 = tpu.memref_slice %arg18[%dma_wait3A_115] : memref<4096xi32, #tpu.memory_space<vmem>> -> memref<512xi32, #tpu.memory_space<vmem>>
    %dma_wait3A_117 = arith.constant 2048 : i32
    %dma_wait3A_118 = tpu.memref_slice %arg17[%dma_wait3A_117] : memref<4096xi32, #tpu.memory_space<vmem>> -> memref<512xi32, #tpu.memory_space<vmem>>
    %dma_wait3A_119 = arith.constant 0 : i32
    %dma_wait3A_120 = tpu.memref_slice %arg5[%dma_wait3A_119] : memref<1048576xi32, #tpu.memory_space<hbm>> -> memref<1048576xi32, #tpu.memory_space<hbm>>
    tpu.wait_indirect_dma semaphore(%arg22 : memref<!tpu.dma_semaphore, #tpu.memory_space<semaphore_mem>>) src(%dma_wait3A_120 : memref<1048576xi32, #tpu.memory_space<hbm>>) dst(%dma_wait3A_116 : memref<512xi32, #tpu.memory_space<vmem>>)
    %dma_wait3A_121 = arith.constant 2560 : i32
    %dma_wait3A_122 = tpu.memref_slice %arg18[%dma_wait3A_121] : memref<4096xi32, #tpu.memory_space<vmem>> -> memref<512xi32, #tpu.memory_space<vmem>>
    %dma_wait3A_123 = arith.constant 2560 : i32
    %dma_wait3A_124 = tpu.memref_slice %arg17[%dma_wait3A_123] : memref<4096xi32, #tpu.memory_space<vmem>> -> memref<512xi32, #tpu.memory_space<vmem>>
    %dma_wait3A_125 = arith.constant 0 : i32
    %dma_wait3A_126 = tpu.memref_slice %arg5[%dma_wait3A_125] : memref<1048576xi32, #tpu.memory_space<hbm>> -> memref<1048576xi32, #tpu.memory_space<hbm>>
    tpu.wait_indirect_dma semaphore(%arg22 : memref<!tpu.dma_semaphore, #tpu.memory_space<semaphore_mem>>) src(%dma_wait3A_126 : memref<1048576xi32, #tpu.memory_space<hbm>>) dst(%dma_wait3A_122 : memref<512xi32, #tpu.memory_space<vmem>>)
    %dma_wait3A_127 = arith.constant 3072 : i32
    %dma_wait3A_128 = tpu.memref_slice %arg18[%dma_wait3A_127] : memref<4096xi32, #tpu.memory_space<vmem>> -> memref<512xi32, #tpu.memory_space<vmem>>
    %dma_wait3A_129 = arith.constant 3072 : i32
    %dma_wait3A_130 = tpu.memref_slice %arg17[%dma_wait3A_129] : memref<4096xi32, #tpu.memory_space<vmem>> -> memref<512xi32, #tpu.memory_space<vmem>>
    %dma_wait3A_131 = arith.constant 0 : i32
    %dma_wait3A_132 = tpu.memref_slice %arg5[%dma_wait3A_131] : memref<1048576xi32, #tpu.memory_space<hbm>> -> memref<1048576xi32, #tpu.memory_space<hbm>>
    tpu.wait_indirect_dma semaphore(%arg22 : memref<!tpu.dma_semaphore, #tpu.memory_space<semaphore_mem>>) src(%dma_wait3A_132 : memref<1048576xi32, #tpu.memory_space<hbm>>) dst(%dma_wait3A_128 : memref<512xi32, #tpu.memory_space<vmem>>)
    %dma_wait3A_133 = arith.constant 3584 : i32
    %dma_wait3A_134 = tpu.memref_slice %arg18[%dma_wait3A_133] : memref<4096xi32, #tpu.memory_space<vmem>> -> memref<512xi32, #tpu.memory_space<vmem>>
    %dma_wait3A_135 = arith.constant 3584 : i32
    %dma_wait3A_136 = tpu.memref_slice %arg17[%dma_wait3A_135] : memref<4096xi32, #tpu.memory_space<vmem>> -> memref<512xi32, #tpu.memory_space<vmem>>
    %dma_wait3A_137 = arith.constant 0 : i32
    %dma_wait3A_138 = tpu.memref_slice %arg5[%dma_wait3A_137] : memref<1048576xi32, #tpu.memory_space<hbm>> -> memref<1048576xi32, #tpu.memory_space<hbm>>
    tpu.wait_indirect_dma semaphore(%arg22 : memref<!tpu.dma_semaphore, #tpu.memory_space<semaphore_mem>>) src(%dma_wait3A_138 : memref<1048576xi32, #tpu.memory_space<hbm>>) dst(%dma_wait3A_134 : memref<512xi32, #tpu.memory_space<vmem>>)
    %parallel_loop3A_139 = arith.constant 0 : i32
    %parallel_loop3A_140 = arith.constant 256 : i32
    %parallel_loop3A_141 = arith.constant 1 : i32
    scf.for %parallel_loop3A_145 = %parallel_loop3A_139 to %parallel_loop3A_140 step %parallel_loop3A_141  : i32 {
      %parallel_loop3A_146 = arith.constant 16 : i32
      %parallel_loop3A_147 = arith.muli %parallel_loop3A_145, %parallel_loop3A_146 : i32
      %parallel_loop3A_148 = arith.index_cast %parallel_loop3A_147 : i32 to index
      %parallel_loop3A_149 = tpu.vector_load %arg18[%parallel_loop3A_148] {strides = array<i32>} : memref<4096xi32, #tpu.memory_space<vmem>>, vector<16xi32>,
      %parallel_loop3A_150 = arith.constant 3 : i32
      %parallel_loop3A_151 = vector.broadcast %parallel_loop3A_150 : i32 to vector<16xi32>
      %parallel_loop3A_152 = arith.muli %parallel_loop3A_149, %parallel_loop3A_151 : vector<16xi32>
      %parallel_loop3A_153 = tpu.vector_load_idx %arg11[%parallel_loop3A_152] : memref<15360xi32, #tpu.memory_space<vmem>>[vector<16xi32>], vector<16xi32>,
      %parallel_loop3A_154 = arith.constant 1 : i32
      %parallel_loop3A_155 = vector.broadcast %parallel_loop3A_154 : i32 to vector<16xi32>
      %parallel_loop3A_156 = arith.addi %parallel_loop3A_152, %parallel_loop3A_155 : vector<16xi32>
      %parallel_loop3A_157 = tpu.vector_load_idx %arg11[%parallel_loop3A_156] : memref<15360xi32, #tpu.memory_space<vmem>>[vector<16xi32>], vector<16xi32>,
      %parallel_loop3A_158 = arith.constant 2 : i32
      %parallel_loop3A_159 = vector.broadcast %parallel_loop3A_158 : i32 to vector<16xi32>
      %parallel_loop3A_160 = arith.addi %parallel_loop3A_152, %parallel_loop3A_159 : vector<16xi32>
      %parallel_loop3A_161 = tpu.vector_load_idx %arg11[%parallel_loop3A_160] : memref<15360xi32, #tpu.memory_space<vmem>>[vector<16xi32>], vector<16xi32>,
      %parallel_loop3A_162 = tpu.vector_load_idx %arg13[%parallel_loop3A_153] : memref<2576xf32, #tpu.memory_space<vmem>>[vector<16xi32>], vector<16xf32>,
      %parallel_loop3A_163 = tpu.vector_load_idx %arg14[%parallel_loop3A_153] : memref<2576xf32, #tpu.memory_space<vmem>>[vector<16xi32>], vector<16xf32>,
      %parallel_loop3A_164 = tpu.vector_load_idx %arg15[%parallel_loop3A_153] : memref<2576xf32, #tpu.memory_space<vmem>>[vector<16xi32>], vector<16xf32>,
      %parallel_loop3A_165 = tpu.vector_load_idx %arg13[%parallel_loop3A_157] : memref<2576xf32, #tpu.memory_space<vmem>>[vector<16xi32>], vector<16xf32>,
      %parallel_loop3A_166 = tpu.vector_load_idx %arg14[%parallel_loop3A_157] : memref<2576xf32, #tpu.memory_space<vmem>>[vector<16xi32>], vector<16xf32>,
      %parallel_loop3A_167 = tpu.vector_load_idx %arg15[%parallel_loop3A_157] : memref<2576xf32, #tpu.memory_space<vmem>>[vector<16xi32>], vector<16xf32>,
      %parallel_loop3A_168 = tpu.vector_load_idx %arg13[%parallel_loop3A_161] : memref<2576xf32, #tpu.memory_space<vmem>>[vector<16xi32>], vector<16xf32>,
      %parallel_loop3A_169 = tpu.vector_load_idx %arg14[%parallel_loop3A_161] : memref<2576xf32, #tpu.memory_space<vmem>>[vector<16xi32>], vector<16xf32>,
      %parallel_loop3A_170 = tpu.vector_load_idx %arg15[%parallel_loop3A_161] : memref<2576xf32, #tpu.memory_space<vmem>>[vector<16xi32>], vector<16xf32>,
      %parallel_loop3A_171 = tpu.vector_load_idx %arg8[%parallel_loop3A_153] : memref<2562xf32, #tpu.memory_space<vmem>>[vector<16xi32>], vector<16xf32>,
      %parallel_loop3A_172 = tpu.vector_load_idx %arg9[%parallel_loop3A_153] : memref<2562xf32, #tpu.memory_space<vmem>>[vector<16xi32>], vector<16xf32>,
      %parallel_loop3A_173 = tpu.vector_load_idx %arg10[%parallel_loop3A_153] : memref<2562xf32, #tpu.memory_space<vmem>>[vector<16xi32>], vector<16xf32>,
      %parallel_loop3A_174 = tpu.vector_load_idx %arg8[%parallel_loop3A_157] : memref<2562xf32, #tpu.memory_space<vmem>>[vector<16xi32>], vector<16xf32>,
      %parallel_loop3A_175 = tpu.vector_load_idx %arg9[%parallel_loop3A_157] : memref<2562xf32, #tpu.memory_space<vmem>>[vector<16xi32>], vector<16xf32>,
      %parallel_loop3A_176 = tpu.vector_load_idx %arg10[%parallel_loop3A_157] : memref<2562xf32, #tpu.memory_space<vmem>>[vector<16xi32>], vector<16xf32>,
      %parallel_loop3A_177 = tpu.vector_load_idx %arg8[%parallel_loop3A_161] : memref<2562xf32, #tpu.memory_space<vmem>>[vector<16xi32>], vector<16xf32>,
      %parallel_loop3A_178 = tpu.vector_load_idx %arg9[%parallel_loop3A_161] : memref<2562xf32, #tpu.memory_space<vmem>>[vector<16xi32>], vector<16xf32>,
      %parallel_loop3A_179 = tpu.vector_load_idx %arg10[%parallel_loop3A_161] : memref<2562xf32, #tpu.memory_space<vmem>>[vector<16xi32>], vector<16xf32>,
      %parallel_loop3A_180 = arith.constant 3 : i32
      %parallel_loop3A_181 = arith.shrui %parallel_loop3A_145, %parallel_loop3A_180 : i32
      %parallel_loop3A_182 = arith.constant 8 : i32
      %parallel_loop3A_183 = arith.shli %parallel_loop3A_181, %parallel_loop3A_182 : i32
      %parallel_loop3A_184 = arith.constant 7 : i32
      %parallel_loop3A_185 = arith.andi %parallel_loop3A_145, %parallel_loop3A_184 : i32
      %parallel_loop3A_186 = arith.constant 4 : i32
      %parallel_loop3A_187 = arith.shli %parallel_loop3A_185, %parallel_loop3A_186 : i32
      %parallel_loop3A_188 = arith.addi %parallel_loop3A_183, %parallel_loop3A_187 : i32
      %parallel_loop3A_189 = arith.index_cast %parallel_loop3A_188 : i32 to index
      %parallel_loop3A_190 = tpu.vector_load %arg16[%parallel_loop3A_189] {strides = array<i32>} : memref<8192xf32, #tpu.memory_space<vmem>>, vector<16xf32>,
      %parallel_loop3A_191 = arith.constant 128 : i32
      %parallel_loop3A_192 = arith.addi %parallel_loop3A_188, %parallel_loop3A_191 : i32
      %parallel_loop3A_193 = arith.index_cast %parallel_loop3A_192 : i32 to index
      %parallel_loop3A_194 = tpu.vector_load %arg16[%parallel_loop3A_193] {strides = array<i32>} : memref<8192xf32, #tpu.memory_space<vmem>>, vector<16xf32>,
      %parallel_loop3A_195 = arith.constant 5.000000e-01 : f32
      %parallel_loop3A_196 = vector.broadcast %parallel_loop3A_195 : f32 to vector<16xf32>
      %parallel_loop3A_197 = arith.subf %parallel_loop3A_190, %parallel_loop3A_196 : vector<16xf32>
      %parallel_loop3A_198 = arith.addf %parallel_loop3A_197, %parallel_loop3A_197 : vector<16xf32>
      %parallel_loop3A_199 = arith.constant 5.000000e-01 : f32
      %parallel_loop3A_200 = vector.broadcast %parallel_loop3A_199 : f32 to vector<16xf32>
      %parallel_loop3A_201 = arith.cmpf ogt, %parallel_loop3A_198, %parallel_loop3A_200 : vector<16xf32>
      %parallel_loop3A_202 = arith.constant -5.000000e-01 : f32
      %parallel_loop3A_203 = vector.broadcast %parallel_loop3A_202 : f32 to vector<16xf32>
      %parallel_loop3A_204 = arith.cmpf olt, %parallel_loop3A_198, %parallel_loop3A_203 : vector<16xf32>
      %parallel_loop3A_205 = arith.constant -1.000000e+00 : f32
      %parallel_loop3A_206 = arith.constant 0.000000e+00 : f32
      %parallel_loop3A_207 = vector.broadcast %parallel_loop3A_205 : f32 to vector<16xf32>
      %parallel_loop3A_208 = vector.broadcast %parallel_loop3A_206 : f32 to vector<16xf32>
      %parallel_loop3A_209 = arith.select %parallel_loop3A_204, %parallel_loop3A_207, %parallel_loop3A_208 : vector<16xi1>, vector<16xf32>
      %parallel_loop3A_210 = arith.constant 1.000000e+00 : f32
      %parallel_loop3A_211 = vector.broadcast %parallel_loop3A_210 : f32 to vector<16xf32>
      %parallel_loop3A_212 = arith.select %parallel_loop3A_201, %parallel_loop3A_211, %parallel_loop3A_209 : vector<16xi1>, vector<16xf32>
      %parallel_loop3A_213 = arith.constant 6.28318548 : f32
      %parallel_loop3A_214 = vector.broadcast %parallel_loop3A_213 : f32 to vector<16xf32>
      %parallel_loop3A_215 = arith.mulf %parallel_loop3A_214, %parallel_loop3A_197 : vector<16xf32>
      %parallel_loop3A_216 = arith.constant 3.14159274 : f32
      %parallel_loop3A_217 = vector.broadcast %parallel_loop3A_216 : f32 to vector<16xf32>
      %parallel_loop3A_218 = arith.mulf %parallel_loop3A_217, %parallel_loop3A_212 : vector<16xf32>
      %parallel_loop3A_219 = arith.subf %parallel_loop3A_215, %parallel_loop3A_218 : vector<16xf32>
      %parallel_loop3A_220 = arith.constant 2.000000e+00 : f32
      %parallel_loop3A_221 = vector.broadcast %parallel_loop3A_220 : f32 to vector<16xf32>
      %parallel_loop3A_222 = arith.mulf %parallel_loop3A_221, %parallel_loop3A_212 : vector<16xf32>
      %parallel_loop3A_223 = arith.mulf %parallel_loop3A_222, %parallel_loop3A_212 : vector<16xf32>
      %parallel_loop3A_224 = arith.constant 1.000000e+00 : f32
      %parallel_loop3A_225 = vector.broadcast %parallel_loop3A_224 : f32 to vector<16xf32>
      %parallel_loop3A_226 = arith.subf %parallel_loop3A_225, %parallel_loop3A_223 : vector<16xf32>
      %parallel_loop3A_227 = arith.mulf %parallel_loop3A_219, %parallel_loop3A_219 : vector<16xf32>
      %parallel_loop3A_228 = arith.constant -1.8362749E-4 : f32
      %parallel_loop3A_229 = vector.broadcast %parallel_loop3A_228 : f32 to vector<16xf32>
      %parallel_loop3A_230 = arith.mulf %parallel_loop3A_227, %parallel_loop3A_229 : vector<16xf32>
      %parallel_loop3A_231 = arith.constant 0.0083062863 : f32
      %parallel_loop3A_232 = vector.broadcast %parallel_loop3A_231 : f32 to vector<16xf32>
      %parallel_loop3A_233 = arith.addf %parallel_loop3A_232, %parallel_loop3A_230 : vector<16xf32>
      %parallel_loop3A_234 = arith.mulf %parallel_loop3A_227, %parallel_loop3A_233 : vector<16xf32>
      %parallel_loop3A_235 = arith.constant -0.166648239 : f32
      %parallel_loop3A_236 = vector.broadcast %parallel_loop3A_235 : f32 to vector<16xf32>
      %parallel_loop3A_237 = arith.addf %parallel_loop3A_236, %parallel_loop3A_234 : vector<16xf32>
      %parallel_loop3A_238 = arith.mulf %parallel_loop3A_227, %parallel_loop3A_237 : vector<16xf32>
      %parallel_loop3A_239 = arith.constant 0.999996602 : f32
      %parallel_loop3A_240 = vector.broadcast %parallel_loop3A_239 : f32 to vector<16xf32>
      %parallel_loop3A_241 = arith.addf %parallel_loop3A_240, %parallel_loop3A_238 : vector<16xf32>
      %parallel_loop3A_242 = arith.mulf %parallel_loop3A_219, %parallel_loop3A_241 : vector<16xf32>
      %parallel_loop3A_243 = arith.constant 2.3153174E-5 : f32
      %parallel_loop3A_244 = vector.broadcast %parallel_loop3A_243 : f32 to vector<16xf32>
      %parallel_loop3A_245 = arith.mulf %parallel_loop3A_227, %parallel_loop3A_244 : vector<16xf32>
      %parallel_loop3A_246 = arith.constant -0.00138536666 : f32
      %parallel_loop3A_247 = vector.broadcast %parallel_loop3A_246 : f32 to vector<16xf32>
      %parallel_loop3A_248 = arith.addf %parallel_loop3A_247, %parallel_loop3A_245 : vector<16xf32>
      %parallel_loop3A_249 = arith.mulf %parallel_loop3A_227, %parallel_loop3A_248 : vector<16xf32>
      %parallel_loop3A_250 = arith.constant 0.0416635796 : f32
      %parallel_loop3A_251 = vector.broadcast %parallel_loop3A_250 : f32 to vector<16xf32>
      %parallel_loop3A_252 = arith.addf %parallel_loop3A_251, %parallel_loop3A_249 : vector<16xf32>
      %parallel_loop3A_253 = arith.mulf %parallel_loop3A_227, %parallel_loop3A_252 : vector<16xf32>
      %parallel_loop3A_254 = arith.constant -0.499999046 : f32
      %parallel_loop3A_255 = vector.broadcast %parallel_loop3A_254 : f32 to vector<16xf32>
      %parallel_loop3A_256 = arith.addf %parallel_loop3A_255, %parallel_loop3A_253 : vector<16xf32>
      %parallel_loop3A_257 = arith.mulf %parallel_loop3A_227, %parallel_loop3A_256 : vector<16xf32>
      %parallel_loop3A_258 = arith.constant 0.99999994 : f32
      %parallel_loop3A_259 = vector.broadcast %parallel_loop3A_258 : f32 to vector<16xf32>
      %parallel_loop3A_260 = arith.addf %parallel_loop3A_259, %parallel_loop3A_257 : vector<16xf32>
      %parallel_loop3A_261 = arith.mulf %parallel_loop3A_226, %parallel_loop3A_242 : vector<16xf32>
      %parallel_loop3A_262 = arith.mulf %parallel_loop3A_226, %parallel_loop3A_260 : vector<16xf32>
      %parallel_loop3A_263 = arith.constant 5.000000e-01 : f32
      %parallel_loop3A_264 = vector.broadcast %parallel_loop3A_263 : f32 to vector<16xf32>
      %parallel_loop3A_265 = arith.subf %parallel_loop3A_194, %parallel_loop3A_264 : vector<16xf32>
      %parallel_loop3A_266 = arith.constant 3.14159274 : f32
      %parallel_loop3A_267 = vector.broadcast %parallel_loop3A_266 : f32 to vector<16xf32>
      %parallel_loop3A_268 = arith.mulf %parallel_loop3A_267, %parallel_loop3A_265 : vector<16xf32>
      %parallel_loop3A_269 = arith.mulf %parallel_loop3A_268, %parallel_loop3A_268 : vector<16xf32>
      %parallel_loop3A_270 = arith.constant -1.8362749E-4 : f32
      %parallel_loop3A_271 = vector.broadcast %parallel_loop3A_270 : f32 to vector<16xf32>
      %parallel_loop3A_272 = arith.mulf %parallel_loop3A_269, %parallel_loop3A_271 : vector<16xf32>
      %parallel_loop3A_273 = arith.constant 0.0083062863 : f32
      %parallel_loop3A_274 = vector.broadcast %parallel_loop3A_273 : f32 to vector<16xf32>
      %parallel_loop3A_275 = arith.addf %parallel_loop3A_274, %parallel_loop3A_272 : vector<16xf32>
      %parallel_loop3A_276 = arith.mulf %parallel_loop3A_269, %parallel_loop3A_275 : vector<16xf32>
      %parallel_loop3A_277 = arith.constant -0.166648239 : f32
      %parallel_loop3A_278 = vector.broadcast %parallel_loop3A_277 : f32 to vector<16xf32>
      %parallel_loop3A_279 = arith.addf %parallel_loop3A_278, %parallel_loop3A_276 : vector<16xf32>
      %parallel_loop3A_280 = arith.mulf %parallel_loop3A_269, %parallel_loop3A_279 : vector<16xf32>
      %parallel_loop3A_281 = arith.constant 0.999996602 : f32
      %parallel_loop3A_282 = vector.broadcast %parallel_loop3A_281 : f32 to vector<16xf32>
      %parallel_loop3A_283 = arith.addf %parallel_loop3A_282, %parallel_loop3A_280 : vector<16xf32>
      %parallel_loop3A_284 = arith.mulf %parallel_loop3A_268, %parallel_loop3A_283 : vector<16xf32>
      %parallel_loop3A_285 = arith.constant 2.3153174E-5 : f32
      %parallel_loop3A_286 = vector.broadcast %parallel_loop3A_285 : f32 to vector<16xf32>
      %parallel_loop3A_287 = arith.mulf %parallel_loop3A_269, %parallel_loop3A_286 : vector<16xf32>
      %parallel_loop3A_288 = arith.constant -0.00138536666 : f32
      %parallel_loop3A_289 = vector.broadcast %parallel_loop3A_288 : f32 to vector<16xf32>
      %parallel_loop3A_290 = arith.addf %parallel_loop3A_289, %parallel_loop3A_287 : vector<16xf32>
      %parallel_loop3A_291 = arith.mulf %parallel_loop3A_269, %parallel_loop3A_290 : vector<16xf32>
      %parallel_loop3A_292 = arith.constant 0.0416635796 : f32
      %parallel_loop3A_293 = vector.broadcast %parallel_loop3A_292 : f32 to vector<16xf32>
      %parallel_loop3A_294 = arith.addf %parallel_loop3A_293, %parallel_loop3A_291 : vector<16xf32>
      %parallel_loop3A_295 = arith.mulf %parallel_loop3A_269, %parallel_loop3A_294 : vector<16xf32>
      %parallel_loop3A_296 = arith.constant -0.499999046 : f32
      %parallel_loop3A_297 = vector.broadcast %parallel_loop3A_296 : f32 to vector<16xf32>
      %parallel_loop3A_298 = arith.addf %parallel_loop3A_297, %parallel_loop3A_295 : vector<16xf32>
      %parallel_loop3A_299 = arith.mulf %parallel_loop3A_269, %parallel_loop3A_298 : vector<16xf32>
      %parallel_loop3A_300 = arith.constant 0.99999994 : f32
      %parallel_loop3A_301 = vector.broadcast %parallel_loop3A_300 : f32 to vector<16xf32>
      %parallel_loop3A_302 = arith.addf %parallel_loop3A_301, %parallel_loop3A_299 : vector<16xf32>
      %parallel_loop3A_303 = arith.mulf %parallel_loop3A_302, %parallel_loop3A_262 : vector<16xf32>
      %parallel_loop3A_304 = arith.mulf %parallel_loop3A_302, %parallel_loop3A_261 : vector<16xf32>
      %parallel_loop3A_305 = arith.subf %parallel_loop3A_165, %parallel_loop3A_162 : vector<16xf32>
      %parallel_loop3A_306 = arith.subf %parallel_loop3A_166, %parallel_loop3A_163 : vector<16xf32>
      %parallel_loop3A_307 = arith.subf %parallel_loop3A_167, %parallel_loop3A_164 : vector<16xf32>
      %parallel_loop3A_308 = arith.subf %parallel_loop3A_168, %parallel_loop3A_162 : vector<16xf32>
      %parallel_loop3A_309 = arith.subf %parallel_loop3A_169, %parallel_loop3A_163 : vector<16xf32>
      %parallel_loop3A_310 = arith.subf %parallel_loop3A_170, %parallel_loop3A_164 : vector<16xf32>
      %parallel_loop3A_311 = arith.subf %parallel_loop3A_303, %parallel_loop3A_162 : vector<16xf32>
      %parallel_loop3A_312 = arith.subf %parallel_loop3A_304, %parallel_loop3A_163 : vector<16xf32>
      %parallel_loop3A_313 = arith.subf %parallel_loop3A_284, %parallel_loop3A_164 : vector<16xf32>
      %parallel_loop3A_314 = arith.mulf %parallel_loop3A_306, %parallel_loop3A_310 : vector<16xf32>
      %parallel_loop3A_315 = arith.mulf %parallel_loop3A_307, %parallel_loop3A_309 : vector<16xf32>
      %parallel_loop3A_316 = arith.subf %parallel_loop3A_314, %parallel_loop3A_315 : vector<16xf32>
      %parallel_loop3A_317 = arith.mulf %parallel_loop3A_307, %parallel_loop3A_308 : vector<16xf32>
      %parallel_loop3A_318 = arith.mulf %parallel_loop3A_305, %parallel_loop3A_310 : vector<16xf32>
      %parallel_loop3A_319 = arith.subf %parallel_loop3A_317, %parallel_loop3A_318 : vector<16xf32>
      %parallel_loop3A_320 = arith.mulf %parallel_loop3A_305, %parallel_loop3A_309 : vector<16xf32>
      %parallel_loop3A_321 = arith.mulf %parallel_loop3A_306, %parallel_loop3A_308 : vector<16xf32>
      %parallel_loop3A_322 = arith.subf %parallel_loop3A_320, %parallel_loop3A_321 : vector<16xf32>
      %parallel_loop3A_323 = arith.mulf %parallel_loop3A_316, %parallel_loop3A_316 : vector<16xf32>
      %parallel_loop3A_324 = arith.mulf %parallel_loop3A_319, %parallel_loop3A_319 : vector<16xf32>
      %parallel_loop3A_325 = arith.addf %parallel_loop3A_323, %parallel_loop3A_324 : vector<16xf32>
      %parallel_loop3A_326 = arith.mulf %parallel_loop3A_322, %parallel_loop3A_322 : vector<16xf32>
      %parallel_loop3A_327 = arith.addf %parallel_loop3A_325, %parallel_loop3A_326 : vector<16xf32>
      %parallel_loop3A_328 = arith.mulf %parallel_loop3A_316, %parallel_loop3A_311 : vector<16xf32>
      %parallel_loop3A_329 = arith.mulf %parallel_loop3A_319, %parallel_loop3A_312 : vector<16xf32>
      %parallel_loop3A_330 = arith.addf %parallel_loop3A_328, %parallel_loop3A_329 : vector<16xf32>
      %parallel_loop3A_331 = arith.mulf %parallel_loop3A_322, %parallel_loop3A_313 : vector<16xf32>
      %parallel_loop3A_332 = arith.addf %parallel_loop3A_330, %parallel_loop3A_331 : vector<16xf32>
      %parallel_loop3A_333 = arith.constant 1.000000e-24 : f32
      %parallel_loop3A_334 = vector.broadcast %parallel_loop3A_333 : f32 to vector<16xf32>
      %parallel_loop3A_335 = arith.maximumf %parallel_loop3A_327, %parallel_loop3A_334 : vector<16xf32>
      %parallel_loop3A_336 = arith.divf %parallel_loop3A_332, %parallel_loop3A_335 : vector<16xf32>
      %parallel_loop3A_337 = arith.mulf %parallel_loop3A_316, %parallel_loop3A_336 : vector<16xf32>
      %parallel_loop3A_338 = arith.subf %parallel_loop3A_311, %parallel_loop3A_337 : vector<16xf32>
      %parallel_loop3A_339 = arith.addf %parallel_loop3A_338, %parallel_loop3A_162 : vector<16xf32>
      %parallel_loop3A_340 = arith.mulf %parallel_loop3A_319, %parallel_loop3A_336 : vector<16xf32>
      %parallel_loop3A_341 = arith.subf %parallel_loop3A_312, %parallel_loop3A_340 : vector<16xf32>
      %parallel_loop3A_342 = arith.addf %parallel_loop3A_341, %parallel_loop3A_163 : vector<16xf32>
      %parallel_loop3A_343 = arith.mulf %parallel_loop3A_322, %parallel_loop3A_336 : vector<16xf32>
      %parallel_loop3A_344 = arith.subf %parallel_loop3A_313, %parallel_loop3A_343 : vector<16xf32>
      %parallel_loop3A_345 = arith.addf %parallel_loop3A_344, %parallel_loop3A_164 : vector<16xf32>
      %parallel_loop3A_346 = arith.subf %parallel_loop3A_168, %parallel_loop3A_165 : vector<16xf32>
      %parallel_loop3A_347 = arith.subf %parallel_loop3A_169, %parallel_loop3A_166 : vector<16xf32>
      %parallel_loop3A_348 = arith.subf %parallel_loop3A_170, %parallel_loop3A_167 : vector<16xf32>
      %parallel_loop3A_349 = arith.subf %parallel_loop3A_339, %parallel_loop3A_162 : vector<16xf32>
      %parallel_loop3A_350 = arith.subf %parallel_loop3A_342, %parallel_loop3A_163 : vector<16xf32>
      %parallel_loop3A_351 = arith.subf %parallel_loop3A_345, %parallel_loop3A_164 : vector<16xf32>
      %parallel_loop3A_352 = arith.subf %parallel_loop3A_339, %parallel_loop3A_165 : vector<16xf32>
      %parallel_loop3A_353 = arith.subf %parallel_loop3A_342, %parallel_loop3A_166 : vector<16xf32>
      %parallel_loop3A_354 = arith.subf %parallel_loop3A_345, %parallel_loop3A_167 : vector<16xf32>
      %parallel_loop3A_355 = arith.mulf %parallel_loop3A_306, %parallel_loop3A_351 : vector<16xf32>
      %parallel_loop3A_356 = arith.mulf %parallel_loop3A_307, %parallel_loop3A_350 : vector<16xf32>
      %parallel_loop3A_357 = arith.subf %parallel_loop3A_355, %parallel_loop3A_356 : vector<16xf32>
      %parallel_loop3A_358 = arith.mulf %parallel_loop3A_307, %parallel_loop3A_349 : vector<16xf32>
      %parallel_loop3A_359 = arith.mulf %parallel_loop3A_305, %parallel_loop3A_351 : vector<16xf32>
      %parallel_loop3A_360 = arith.subf %parallel_loop3A_358, %parallel_loop3A_359 : vector<16xf32>
      %parallel_loop3A_361 = arith.mulf %parallel_loop3A_305, %parallel_loop3A_350 : vector<16xf32>
      %parallel_loop3A_362 = arith.mulf %parallel_loop3A_306, %parallel_loop3A_349 : vector<16xf32>
      %parallel_loop3A_363 = arith.subf %parallel_loop3A_361, %parallel_loop3A_362 : vector<16xf32>
      %parallel_loop3A_364 = arith.mulf %parallel_loop3A_357, %parallel_loop3A_357 : vector<16xf32>
      %parallel_loop3A_365 = arith.mulf %parallel_loop3A_360, %parallel_loop3A_360 : vector<16xf32>
      %parallel_loop3A_366 = arith.addf %parallel_loop3A_364, %parallel_loop3A_365 : vector<16xf32>
      %parallel_loop3A_367 = arith.mulf %parallel_loop3A_363, %parallel_loop3A_363 : vector<16xf32>
      %parallel_loop3A_368 = arith.addf %parallel_loop3A_366, %parallel_loop3A_367 : vector<16xf32>
      %parallel_loop3A_369 = arith.constant 1.000000e-30 : f32
      %parallel_loop3A_370 = vector.broadcast %parallel_loop3A_369 : f32 to vector<16xf32>
      %parallel_loop3A_371 = arith.maximumf %parallel_loop3A_368, %parallel_loop3A_370 : vector<16xf32>
      %parallel_loop3A_372 = tpu.bitcast %parallel_loop3A_371 : vector<16xf32> -> vector<16xi32>
      %parallel_loop3A_373 = arith.constant 1 : i32
      %parallel_loop3A_374 = vector.broadcast %parallel_loop3A_373 : i32 to vector<16xi32>
      %parallel_loop3A_375 = arith.shrsi %parallel_loop3A_372, %parallel_loop3A_374 : vector<16xi32>
      %parallel_loop3A_376 = arith.constant 1597463007 : i32
      %parallel_loop3A_377 = vector.broadcast %parallel_loop3A_376 : i32 to vector<16xi32>
      %parallel_loop3A_378 = arith.subi %parallel_loop3A_377, %parallel_loop3A_375 : vector<16xi32>
      %parallel_loop3A_379 = tpu.bitcast %parallel_loop3A_378 : vector<16xi32> -> vector<16xf32>
      %parallel_loop3A_380 = arith.constant 5.000000e-01 : f32
      %parallel_loop3A_381 = vector.broadcast %parallel_loop3A_380 : f32 to vector<16xf32>
      %parallel_loop3A_382 = arith.mulf %parallel_loop3A_381, %parallel_loop3A_371 : vector<16xf32>
      %parallel_loop3A_383 = arith.mulf %parallel_loop3A_382, %parallel_loop3A_379 : vector<16xf32>
      %parallel_loop3A_384 = arith.mulf %parallel_loop3A_383, %parallel_loop3A_379 : vector<16xf32>
      %parallel_loop3A_385 = arith.constant 1.500000e+00 : f32
      %parallel_loop3A_386 = vector.broadcast %parallel_loop3A_385 : f32 to vector<16xf32>
      %parallel_loop3A_387 = arith.subf %parallel_loop3A_386, %parallel_loop3A_384 : vector<16xf32>
      %parallel_loop3A_388 = arith.mulf %parallel_loop3A_379, %parallel_loop3A_387 : vector<16xf32>
      %parallel_loop3A_389 = arith.constant 5.000000e-01 : f32
      %parallel_loop3A_390 = vector.broadcast %parallel_loop3A_389 : f32 to vector<16xf32>
      %parallel_loop3A_391 = arith.mulf %parallel_loop3A_390, %parallel_loop3A_371 : vector<16xf32>
      %parallel_loop3A_392 = arith.mulf %parallel_loop3A_391, %parallel_loop3A_388 : vector<16xf32>
      %parallel_loop3A_393 = arith.mulf %parallel_loop3A_392, %parallel_loop3A_388 : vector<16xf32>
      %parallel_loop3A_394 = arith.constant 1.500000e+00 : f32
      %parallel_loop3A_395 = vector.broadcast %parallel_loop3A_394 : f32 to vector<16xf32>
      %parallel_loop3A_396 = arith.subf %parallel_loop3A_395, %parallel_loop3A_393 : vector<16xf32>
      %parallel_loop3A_397 = arith.mulf %parallel_loop3A_388, %parallel_loop3A_396 : vector<16xf32>
      %parallel_loop3A_398 = arith.mulf %parallel_loop3A_368, %parallel_loop3A_397 : vector<16xf32>
      %parallel_loop3A_399 = arith.mulf %parallel_loop3A_309, %parallel_loop3A_351 : vector<16xf32>
      %parallel_loop3A_400 = arith.mulf %parallel_loop3A_310, %parallel_loop3A_350 : vector<16xf32>
      %parallel_loop3A_401 = arith.subf %parallel_loop3A_399, %parallel_loop3A_400 : vector<16xf32>
      %parallel_loop3A_402 = arith.mulf %parallel_loop3A_310, %parallel_loop3A_349 : vector<16xf32>
      %parallel_loop3A_403 = arith.mulf %parallel_loop3A_308, %parallel_loop3A_351 : vector<16xf32>
      %parallel_loop3A_404 = arith.subf %parallel_loop3A_402, %parallel_loop3A_403 : vector<16xf32>
      %parallel_loop3A_405 = arith.mulf %parallel_loop3A_308, %parallel_loop3A_350 : vector<16xf32>
      %parallel_loop3A_406 = arith.mulf %parallel_loop3A_309, %parallel_loop3A_349 : vector<16xf32>
      %parallel_loop3A_407 = arith.subf %parallel_loop3A_405, %parallel_loop3A_406 : vector<16xf32>
      %parallel_loop3A_408 = arith.mulf %parallel_loop3A_401, %parallel_loop3A_401 : vector<16xf32>
      %parallel_loop3A_409 = arith.mulf %parallel_loop3A_404, %parallel_loop3A_404 : vector<16xf32>
      %parallel_loop3A_410 = arith.addf %parallel_loop3A_408, %parallel_loop3A_409 : vector<16xf32>
      %parallel_loop3A_411 = arith.mulf %parallel_loop3A_407, %parallel_loop3A_407 : vector<16xf32>
      %parallel_loop3A_412 = arith.addf %parallel_loop3A_410, %parallel_loop3A_411 : vector<16xf32>
      %parallel_loop3A_413 = arith.constant 1.000000e-30 : f32
      %parallel_loop3A_414 = vector.broadcast %parallel_loop3A_413 : f32 to vector<16xf32>
      %parallel_loop3A_415 = arith.maximumf %parallel_loop3A_412, %parallel_loop3A_414 : vector<16xf32>
      %parallel_loop3A_416 = tpu.bitcast %parallel_loop3A_415 : vector<16xf32> -> vector<16xi32>
      %parallel_loop3A_417 = arith.constant 1 : i32
      %parallel_loop3A_418 = vector.broadcast %parallel_loop3A_417 : i32 to vector<16xi32>
      %parallel_loop3A_419 = arith.shrsi %parallel_loop3A_416, %parallel_loop3A_418 : vector<16xi32>
      %parallel_loop3A_420 = arith.constant 1597463007 : i32
      %parallel_loop3A_421 = vector.broadcast %parallel_loop3A_420 : i32 to vector<16xi32>
      %parallel_loop3A_422 = arith.subi %parallel_loop3A_421, %parallel_loop3A_419 : vector<16xi32>
      %parallel_loop3A_423 = tpu.bitcast %parallel_loop3A_422 : vector<16xi32> -> vector<16xf32>
      %parallel_loop3A_424 = arith.constant 5.000000e-01 : f32
      %parallel_loop3A_425 = vector.broadcast %parallel_loop3A_424 : f32 to vector<16xf32>
      %parallel_loop3A_426 = arith.mulf %parallel_loop3A_425, %parallel_loop3A_415 : vector<16xf32>
      %parallel_loop3A_427 = arith.mulf %parallel_loop3A_426, %parallel_loop3A_423 : vector<16xf32>
      %parallel_loop3A_428 = arith.mulf %parallel_loop3A_427, %parallel_loop3A_423 : vector<16xf32>
      %parallel_loop3A_429 = arith.constant 1.500000e+00 : f32
      %parallel_loop3A_430 = vector.broadcast %parallel_loop3A_429 : f32 to vector<16xf32>
      %parallel_loop3A_431 = arith.subf %parallel_loop3A_430, %parallel_loop3A_428 : vector<16xf32>
      %parallel_loop3A_432 = arith.mulf %parallel_loop3A_423, %parallel_loop3A_431 : vector<16xf32>
      %parallel_loop3A_433 = arith.constant 5.000000e-01 : f32
      %parallel_loop3A_434 = vector.broadcast %parallel_loop3A_433 : f32 to vector<16xf32>
      %parallel_loop3A_435 = arith.mulf %parallel_loop3A_434, %parallel_loop3A_415 : vector<16xf32>
      %parallel_loop3A_436 = arith.mulf %parallel_loop3A_435, %parallel_loop3A_432 : vector<16xf32>
      %parallel_loop3A_437 = arith.mulf %parallel_loop3A_436, %parallel_loop3A_432 : vector<16xf32>
      %parallel_loop3A_438 = arith.constant 1.500000e+00 : f32
      %parallel_loop3A_439 = vector.broadcast %parallel_loop3A_438 : f32 to vector<16xf32>
      %parallel_loop3A_440 = arith.subf %parallel_loop3A_439, %parallel_loop3A_437 : vector<16xf32>
      %parallel_loop3A_441 = arith.mulf %parallel_loop3A_432, %parallel_loop3A_440 : vector<16xf32>
      %parallel_loop3A_442 = arith.mulf %parallel_loop3A_412, %parallel_loop3A_441 : vector<16xf32>
      %parallel_loop3A_443 = arith.mulf %parallel_loop3A_347, %parallel_loop3A_354 : vector<16xf32>
      %parallel_loop3A_444 = arith.mulf %parallel_loop3A_348, %parallel_loop3A_353 : vector<16xf32>
      %parallel_loop3A_445 = arith.subf %parallel_loop3A_443, %parallel_loop3A_444 : vector<16xf32>
      %parallel_loop3A_446 = arith.mulf %parallel_loop3A_348, %parallel_loop3A_352 : vector<16xf32>
      %parallel_loop3A_447 = arith.mulf %parallel_loop3A_346, %parallel_loop3A_354 : vector<16xf32>
      %parallel_loop3A_448 = arith.subf %parallel_loop3A_446, %parallel_loop3A_447 : vector<16xf32>
      %parallel_loop3A_449 = arith.mulf %parallel_loop3A_346, %parallel_loop3A_353 : vector<16xf32>
      %parallel_loop3A_450 = arith.mulf %parallel_loop3A_347, %parallel_loop3A_352 : vector<16xf32>
      %parallel_loop3A_451 = arith.subf %parallel_loop3A_449, %parallel_loop3A_450 : vector<16xf32>
      %parallel_loop3A_452 = arith.mulf %parallel_loop3A_445, %parallel_loop3A_445 : vector<16xf32>
      %parallel_loop3A_453 = arith.mulf %parallel_loop3A_448, %parallel_loop3A_448 : vector<16xf32>
      %parallel_loop3A_454 = arith.addf %parallel_loop3A_452, %parallel_loop3A_453 : vector<16xf32>
      %parallel_loop3A_455 = arith.mulf %parallel_loop3A_451, %parallel_loop3A_451 : vector<16xf32>
      %parallel_loop3A_456 = arith.addf %parallel_loop3A_454, %parallel_loop3A_455 : vector<16xf32>
      %parallel_loop3A_457 = arith.constant 1.000000e-30 : f32
      %parallel_loop3A_458 = vector.broadcast %parallel_loop3A_457 : f32 to vector<16xf32>
      %parallel_loop3A_459 = arith.maximumf %parallel_loop3A_456, %parallel_loop3A_458 : vector<16xf32>
      %parallel_loop3A_460 = tpu.bitcast %parallel_loop3A_459 : vector<16xf32> -> vector<16xi32>
      %parallel_loop3A_461 = arith.constant 1 : i32
      %parallel_loop3A_462 = vector.broadcast %parallel_loop3A_461 : i32 to vector<16xi32>
      %parallel_loop3A_463 = arith.shrsi %parallel_loop3A_460, %parallel_loop3A_462 : vector<16xi32>
      %parallel_loop3A_464 = arith.constant 1597463007 : i32
      %parallel_loop3A_465 = vector.broadcast %parallel_loop3A_464 : i32 to vector<16xi32>
      %parallel_loop3A_466 = arith.subi %parallel_loop3A_465, %parallel_loop3A_463 : vector<16xi32>
      %parallel_loop3A_467 = tpu.bitcast %parallel_loop3A_466 : vector<16xi32> -> vector<16xf32>
      %parallel_loop3A_468 = arith.constant 5.000000e-01 : f32
      %parallel_loop3A_469 = vector.broadcast %parallel_loop3A_468 : f32 to vector<16xf32>
      %parallel_loop3A_470 = arith.mulf %parallel_loop3A_469, %parallel_loop3A_459 : vector<16xf32>
      %parallel_loop3A_471 = arith.mulf %parallel_loop3A_470, %parallel_loop3A_467 : vector<16xf32>
      %parallel_loop3A_472 = arith.mulf %parallel_loop3A_471, %parallel_loop3A_467 : vector<16xf32>
      %parallel_loop3A_473 = arith.constant 1.500000e+00 : f32
      %parallel_loop3A_474 = vector.broadcast %parallel_loop3A_473 : f32 to vector<16xf32>
      %parallel_loop3A_475 = arith.subf %parallel_loop3A_474, %parallel_loop3A_472 : vector<16xf32>
      %parallel_loop3A_476 = arith.mulf %parallel_loop3A_467, %parallel_loop3A_475 : vector<16xf32>
      %parallel_loop3A_477 = arith.constant 5.000000e-01 : f32
      %parallel_loop3A_478 = vector.broadcast %parallel_loop3A_477 : f32 to vector<16xf32>
      %parallel_loop3A_479 = arith.mulf %parallel_loop3A_478, %parallel_loop3A_459 : vector<16xf32>
      %parallel_loop3A_480 = arith.mulf %parallel_loop3A_479, %parallel_loop3A_476 : vector<16xf32>
      %parallel_loop3A_481 = arith.mulf %parallel_loop3A_480, %parallel_loop3A_476 : vector<16xf32>
      %parallel_loop3A_482 = arith.constant 1.500000e+00 : f32
      %parallel_loop3A_483 = vector.broadcast %parallel_loop3A_482 : f32 to vector<16xf32>
      %parallel_loop3A_484 = arith.subf %parallel_loop3A_483, %parallel_loop3A_481 : vector<16xf32>
      %parallel_loop3A_485 = arith.mulf %parallel_loop3A_476, %parallel_loop3A_484 : vector<16xf32>
      %parallel_loop3A_486 = arith.mulf %parallel_loop3A_456, %parallel_loop3A_485 : vector<16xf32>
      %parallel_loop3A_487 = arith.addf %parallel_loop3A_486, %parallel_loop3A_442 : vector<16xf32>
      %parallel_loop3A_488 = arith.addf %parallel_loop3A_487, %parallel_loop3A_398 : vector<16xf32>
      %parallel_loop3A_489 = arith.constant 1.000000e-30 : f32
      %parallel_loop3A_490 = vector.broadcast %parallel_loop3A_489 : f32 to vector<16xf32>
      %parallel_loop3A_491 = arith.maximumf %parallel_loop3A_488, %parallel_loop3A_490 : vector<16xf32>
      %parallel_loop3A_492 = arith.constant 1.000000e+00 : f32
      %parallel_loop3A_493 = vector.broadcast %parallel_loop3A_492 : f32 to vector<16xf32>
      %parallel_loop3A_494 = arith.divf %parallel_loop3A_493, %parallel_loop3A_491 : vector<16xf32>
      %parallel_loop3A_495 = arith.mulf %parallel_loop3A_486, %parallel_loop3A_494 : vector<16xf32>
      %parallel_loop3A_496 = arith.mulf %parallel_loop3A_442, %parallel_loop3A_494 : vector<16xf32>
      %parallel_loop3A_497 = arith.mulf %parallel_loop3A_398, %parallel_loop3A_494 : vector<16xf32>
      %parallel_loop3A_498 = arith.mulf %parallel_loop3A_495, %parallel_loop3A_171 : vector<16xf32>
      %parallel_loop3A_499 = arith.mulf %parallel_loop3A_496, %parallel_loop3A_174 : vector<16xf32>
      %parallel_loop3A_500 = arith.addf %parallel_loop3A_498, %parallel_loop3A_499 : vector<16xf32>
      %parallel_loop3A_501 = arith.mulf %parallel_loop3A_497, %parallel_loop3A_177 : vector<16xf32>
      %parallel_loop3A_502 = arith.addf %parallel_loop3A_500, %parallel_loop3A_501 : vector<16xf32>
      %parallel_loop3A_503 = arith.mulf %parallel_loop3A_495, %parallel_loop3A_172 : vector<16xf32>
      %parallel_loop3A_504 = arith.mulf %parallel_loop3A_496, %parallel_loop3A_175 : vector<16xf32>
      %parallel_loop3A_505 = arith.addf %parallel_loop3A_503, %parallel_loop3A_504 : vector<16xf32>
      %parallel_loop3A_506 = arith.mulf %parallel_loop3A_497, %parallel_loop3A_178 : vector<16xf32>
      %parallel_loop3A_507 = arith.addf %parallel_loop3A_505, %parallel_loop3A_506 : vector<16xf32>
      %parallel_loop3A_508 = arith.mulf %parallel_loop3A_495, %parallel_loop3A_173 : vector<16xf32>
      %parallel_loop3A_509 = arith.mulf %parallel_loop3A_496, %parallel_loop3A_176 : vector<16xf32>
      %parallel_loop3A_510 = arith.addf %parallel_loop3A_508, %parallel_loop3A_509 : vector<16xf32>
      %parallel_loop3A_511 = arith.mulf %parallel_loop3A_497, %parallel_loop3A_179 : vector<16xf32>
      %parallel_loop3A_512 = arith.addf %parallel_loop3A_510, %parallel_loop3A_511 : vector<16xf32>
      %parallel_loop3A_513 = arith.constant 16 : i32
      %parallel_loop3A_514 = arith.muli %parallel_loop3A_145, %parallel_loop3A_513 : i32
      %parallel_loop3A_515 = arith.index_cast %parallel_loop3A_514 : i32 to index
      %parallel_loop3A_516 = tpu.vector_load %arg19[%parallel_loop3A_515] {strides = array<i32>} : memref<4096xf32, #tpu.memory_space<vmem>>, vector<16xf32>,
      tpu.vector_store %arg19[%parallel_loop3A_515], %parallel_loop3A_502 {strides = array<i32>} : memref<4096xf32, #tpu.memory_space<vmem>>, vector<16xf32>,
      %parallel_loop3A_517 = arith.constant 16 : i32
      %parallel_loop3A_518 = arith.muli %parallel_loop3A_145, %parallel_loop3A_517 : i32
      %parallel_loop3A_519 = arith.index_cast %parallel_loop3A_518 : i32 to index
      %parallel_loop3A_520 = tpu.vector_load %arg20[%parallel_loop3A_519] {strides = array<i32>} : memref<4096xf32, #tpu.memory_space<vmem>>, vector<16xf32>,
      tpu.vector_store %arg20[%parallel_loop3A_519], %parallel_loop3A_507 {strides = array<i32>} : memref<4096xf32, #tpu.memory_space<vmem>>, vector<16xf32>,
      %parallel_loop3A_521 = arith.constant 16 : i32
      %parallel_loop3A_522 = arith.muli %parallel_loop3A_145, %parallel_loop3A_521 : i32
      %parallel_loop3A_523 = arith.index_cast %parallel_loop3A_522 : i32 to index
      %parallel_loop3A_524 = tpu.vector_load %arg21[%parallel_loop3A_523] {strides = array<i32>} : memref<4096xf32, #tpu.memory_space<vmem>>, vector<16xf32>,
      tpu.vector_store %arg21[%parallel_loop3A_523], %parallel_loop3A_512 {strides = array<i32>} : memref<4096xf32, #tpu.memory_space<vmem>>, vector<16xf32>,
    } {sc.loop_unroll_factor = 8 : i64, sc.parallel_access}
    %run_scoped3A_142 = arith.constant 0 : i32
    "tpu.region"() ({
      %run_scoped3A_145 = tpu.sem_alloc : memref<!tpu.dma_semaphore, #tpu.memory_space<semaphore_mem>>
      %dma_start3A_146 = tpu.memref_slice %arg7[%run_scoped3A_142, %select_n3A, %mul3A_32] : memref<3x8x16384xf32, #tpu.memory_space<hbm>> -> memref<1x1x4096xf32, #tpu.memory_space<hbm>>
      %dma_start3A_147 = tpu.memref_squeeze %dma_start3A_146 : memref<1x1x4096xf32, #tpu.memory_space<hbm>> -> memref<4096xf32, #tpu.memory_space<hbm>>
      %dma_start3A_148 = tpu.memref_slice %arg7[%run_scoped3A_142, %select_n3A, %mul3A_32] : memref<3x8x16384xf32, #tpu.memory_space<hbm>> -> memref<1x1x4096xf32, #tpu.memory_space<hbm>>
      %dma_start3A_149 = tpu.memref_squeeze %dma_start3A_148 : memref<1x1x4096xf32, #tpu.memory_space<hbm>> -> memref<4096xf32, #tpu.memory_space<hbm>>
      tpu.enqueue_dma source(%arg19 : memref<4096xf32, #tpu.memory_space<vmem>>) target(%dma_start3A_149 : memref<4096xf32, #tpu.memory_space<hbm>>) target_semaphore(%run_scoped3A_145 : memref<!tpu.dma_semaphore, #tpu.memory_space<semaphore_mem>>)
      %dma_wait3A_150 = tpu.memref_slice %arg7[%run_scoped3A_142, %select_n3A, %mul3A_32] : memref<3x8x16384xf32, #tpu.memory_space<hbm>> -> memref<1x1x4096xf32, #tpu.memory_space<hbm>>
      %dma_wait3A_151 = tpu.memref_squeeze %dma_wait3A_150 : memref<1x1x4096xf32, #tpu.memory_space<hbm>> -> memref<4096xf32, #tpu.memory_space<hbm>>
      %dma_wait3A_152 = tpu.memref_slice %arg7[%run_scoped3A_142, %select_n3A, %mul3A_32] : memref<3x8x16384xf32, #tpu.memory_space<hbm>> -> memref<1x1x4096xf32, #tpu.memory_space<hbm>>
      %dma_wait3A_153 = tpu.memref_squeeze %dma_wait3A_152 : memref<1x1x4096xf32, #tpu.memory_space<hbm>> -> memref<4096xf32, #tpu.memory_space<hbm>>
      tpu.wait_dma2 semaphore(%run_scoped3A_145 : memref<!tpu.dma_semaphore, #tpu.memory_space<semaphore_mem>>) src(%arg19 : memref<4096xf32, #tpu.memory_space<vmem>>) dst(%dma_wait3A_153 : memref<4096xf32, #tpu.memory_space<hbm>>)
      tpu.yield
    }) : () -> ()
    %run_scoped3A_143 = arith.constant 1 : i32
    "tpu.region"() ({
      %run_scoped3A_145 = tpu.sem_alloc : memref<!tpu.dma_semaphore, #tpu.memory_space<semaphore_mem>>
      %dma_start3A_146 = tpu.memref_slice %arg7[%run_scoped3A_143, %select_n3A, %mul3A_32] : memref<3x8x16384xf32, #tpu.memory_space<hbm>> -> memref<1x1x4096xf32, #tpu.memory_space<hbm>>
      %dma_start3A_147 = tpu.memref_squeeze %dma_start3A_146 : memref<1x1x4096xf32, #tpu.memory_space<hbm>> -> memref<4096xf32, #tpu.memory_space<hbm>>
      %dma_start3A_148 = tpu.memref_slice %arg7[%run_scoped3A_143, %select_n3A, %mul3A_32] : memref<3x8x16384xf32, #tpu.memory_space<hbm>> -> memref<1x1x4096xf32, #tpu.memory_space<hbm>>
      %dma_start3A_149 = tpu.memref_squeeze %dma_start3A_148 : memref<1x1x4096xf32, #tpu.memory_space<hbm>> -> memref<4096xf32, #tpu.memory_space<hbm>>
      tpu.enqueue_dma source(%arg20 : memref<4096xf32, #tpu.memory_space<vmem>>) target(%dma_start3A_149 : memref<4096xf32, #tpu.memory_space<hbm>>) target_semaphore(%run_scoped3A_145 : memref<!tpu.dma_semaphore, #tpu.memory_space<semaphore_mem>>)
      %dma_wait3A_150 = tpu.memref_slice %arg7[%run_scoped3A_143, %select_n3A, %mul3A_32] : memref<3x8x16384xf32, #tpu.memory_space<hbm>> -> memref<1x1x4096xf32, #tpu.memory_space<hbm>>
      %dma_wait3A_151 = tpu.memref_squeeze %dma_wait3A_150 : memref<1x1x4096xf32, #tpu.memory_space<hbm>> -> memref<4096xf32, #tpu.memory_space<hbm>>
      %dma_wait3A_152 = tpu.memref_slice %arg7[%run_scoped3A_143, %select_n3A, %mul3A_32] : memref<3x8x16384xf32, #tpu.memory_space<hbm>> -> memref<1x1x4096xf32, #tpu.memory_space<hbm>>
      %dma_wait3A_153 = tpu.memref_squeeze %dma_wait3A_152 : memref<1x1x4096xf32, #tpu.memory_space<hbm>> -> memref<4096xf32, #tpu.memory_space<hbm>>
      tpu.wait_dma2 semaphore(%run_scoped3A_145 : memref<!tpu.dma_semaphore, #tpu.memory_space<semaphore_mem>>) src(%arg20 : memref<4096xf32, #tpu.memory_space<vmem>>) dst(%dma_wait3A_153 : memref<4096xf32, #tpu.memory_space<hbm>>)
      tpu.yield
    }) : () -> ()
    %run_scoped3A_144 = arith.constant 2 : i32
    "tpu.region"() ({
      %run_scoped3A_145 = tpu.sem_alloc : memref<!tpu.dma_semaphore, #tpu.memory_space<semaphore_mem>>
      %dma_start3A_146 = tpu.memref_slice %arg7[%run_scoped3A_144, %select_n3A, %mul3A_32] : memref<3x8x16384xf32, #tpu.memory_space<hbm>> -> memref<1x1x4096xf32, #tpu.memory_space<hbm>>
      %dma_start3A_147 = tpu.memref_squeeze %dma_start3A_146 : memref<1x1x4096xf32, #tpu.memory_space<hbm>> -> memref<4096xf32, #tpu.memory_space<hbm>>
      %dma_start3A_148 = tpu.memref_slice %arg7[%run_scoped3A_144, %select_n3A, %mul3A_32] : memref<3x8x16384xf32, #tpu.memory_space<hbm>> -> memref<1x1x4096xf32, #tpu.memory_space<hbm>>
      %dma_start3A_149 = tpu.memref_squeeze %dma_start3A_148 : memref<1x1x4096xf32, #tpu.memory_space<hbm>> -> memref<4096xf32, #tpu.memory_space<hbm>>
      tpu.enqueue_dma source(%arg21 : memref<4096xf32, #tpu.memory_space<vmem>>) target(%dma_start3A_149 : memref<4096xf32, #tpu.memory_space<hbm>>) target_semaphore(%run_scoped3A_145 : memref<!tpu.dma_semaphore, #tpu.memory_space<semaphore_mem>>)
      %dma_wait3A_150 = tpu.memref_slice %arg7[%run_scoped3A_144, %select_n3A, %mul3A_32] : memref<3x8x16384xf32, #tpu.memory_space<hbm>> -> memref<1x1x4096xf32, #tpu.memory_space<hbm>>
      %dma_wait3A_151 = tpu.memref_squeeze %dma_wait3A_150 : memref<1x1x4096xf32, #tpu.memory_space<hbm>> -> memref<4096xf32, #tpu.memory_space<hbm>>
      %dma_wait3A_152 = tpu.memref_slice %arg7[%run_scoped3A_144, %select_n3A, %mul3A_32] : memref<3x8x16384xf32, #tpu.memory_space<hbm>> -> memref<1x1x4096xf32, #tpu.memory_space<hbm>>
      %dma_wait3A_153 = tpu.memref_squeeze %dma_wait3A_152 : memref<1x1x4096xf32, #tpu.memory_space<hbm>> -> memref<4096xf32, #tpu.memory_space<hbm>>
      tpu.wait_dma2 semaphore(%run_scoped3A_145 : memref<!tpu.dma_semaphore, #tpu.memory_space<semaphore_mem>>) src(%arg21 : memref<4096xf32, #tpu.memory_space<vmem>>) dst(%dma_wait3A_153 : memref<4096xf32, #tpu.memory_space<hbm>>)
      tpu.yield
    }) : () -> ()
    return
  }
}

</mosaic_0001>

<sc_bundles>
// kernel: kernel.3.cloned.1.call-start
scs
__scs_entry_jumppad:
0x0: {  	(pc) =	sbr.rel $0x88, $3  }
0x1: {  	(tag) =	ssettag $0x0;
	lr =	simm.s32 $0x1  }
0x2: {  	[smem:$0x3F9C] =	sst lr;
	_ =	strace $0xD0000000  }
0x3: {  	_ = 	snop  }
0x4: {  	_ = 	snop  }
0x5: {  	_ = 	snop  }
0x6: {  	_ = 	snop  }
0x7: {  	_ = 	snop  }
__scs_overlays_trampoline_lowered:
0x8: {  	[smem:$0x3FAB] =	sst s0  }
0x9: {  	[smem:$0x3FAC] =	sst s1  }
0xa: {  	[smem:$0x3FAD] =	sst s2  }
0xb: {  	[smem:$0x3FAE] =	sst s3  }
0xc: {  	[smem:$0x3FAF] =	sst s4  }
0xd: {  	[smem:$0x3FB0] =	sst s5  }
0xe: {  	[smem:$0x3FB1] =	sst s6  }
0xf: {  	[smem:$0x3FB2] =	sst s7  }
0x10: {  	[smem:$0x3FB3] =	sst s8  }
0x11: {  	[smem:$0x3FB4] =	sst s9;
	s0 =	simm.s32 @!p0 $0x0  }
0x12: {  	s1 =	sld [smem:$0x3F9A];
	s0 =	simm.s32 @p0 $0x1  }
0x13: {  	[smem:$0x3FB5] =	sst s0;
	s0 =	simm.s32 @!p1 $0x0  }
0x14: {  	s2 =	sld [smem:$0x3F99];
	s0 =	simm.s32 @p1 $0x1  }
0x15: {  	[smem:$0x3FB6] =	sst s0;
	s0 =	simm.s32 @!p2 $0x0  }
0x16: {  	s3 =	sld [smem:$0x3FDB];
	s0 =	simm.s32 @p2 $0x1  }
0x17: {  	s4 =	simm.s32 $0x1BF5;
	[smem:$0x3FB8] =	sst s0  }
0x18: {  	s0 =	sld [smem:$0x3F9B];
	_ =	swait.ge [sflag:s4], $0x0  }
0x19: {  	s7 =	sld [smem:$0x3F9C]  }
0x1a: {  	s8 =	sadd.s32 $0xFFFFE003, lr  }
0x1b: {  	s9 =	sadd.s32 $0xFFFFFEF7, lr;
	s5 =	simm.s32 $0xFFFFFFFF;
	p2 =	slt.u32 s8, $0xFFFFF086  }
0x1c: {  	p1 =	slt.u32 s9, $0xF7A;
	s5 =	simm.s32 @!p2 $0x0  }
0x1d: {  	s5 =	simm.s32 @p1 $0x1;
	p0 =	seq.s32 s7, s2  }
0x1e: {  	s7 =	smul.u32 @!p0 $0xF7A, s2;
	p2 =	seq.s32 @!p0 s5, $0x0  }
0x1f: {  	s9 =	smul.u32 $0xF7A, s1;
	s8 =	simm.s32 @!p0 $0x1BF5;
	p2 =	por !p2, p0  }
0x20: {  	[sflag:s8] =	ssyncset.s32 @!p0 $0xFFFFF086;
	s6 =	sadd.s32 @!p0 s3, s7;
	s7 =	simm.s32 @!p0 $0x108  }
0x21: {  	s3 =	sadd.s32 s3, s9;
	s6 =	sadd.s32 @!p0 $0x88, s6;
	s7 =	simm.s32 @p2 $0x1082  }
0x22: {  	[simem:s7], [sflag:s8] =	dma.local @!p0 [hbm:s6], $0xF7A  }
0x23: {  	s9 =	sor.u32 $0xD0000000, s2;
	s6 =	simm.s32 $0x108;
	_ =	swait.ge @!p0 [sflag:s8], $0x0  }
0x24: {  	s3 =	sadd.s32 $0x88, s3;
	s6 =	simm.s32 @!p1 $0x1082;
	[sflag:s4] =	ssyncset.s32 $0xFFFFF086  }
0x25: {  	[simem:s6], [sflag:s4] =	dma.local [hbm:s3], $0xF7A  }
0x26: {  	[smem:$0x3F9C] =	sst s1;
	(tag) =	ssettag s2;
	_ =	strace s9  }
0x27: {  	s1 =	sld [smem:$0x3FAC]  }
0x28: {  	s2 =	sld [smem:$0x3FAD]  }
0x29: {  	s4 =	sld [smem:$0x3FAF]  }
0x2a: {  	p0 =	seq.s32 s5, $0x0;
	s5 =	sld [smem:$0x3FB0]  }
0x2b: {  	s6 =	sld [smem:$0x3FB1]  }
0x2c: {  	s7 =	sld [smem:$0x3FB2]  }
0x2d: {  	s3 =	simm.s32 $0x108;
	s8 =	sld [smem:$0x3FB3]  }
0x2e: {  	s3 =	simm.s32 @!p0 $0x1082;
	s9 =	sld [smem:$0x3FB4]  }
0x2f: {  	lr =	sadd.s32 s0, s3;
	s0 =	sld [smem:$0x3FAB]  }
0x30: {  	s3 =	sld [smem:$0x3FAE]  }
0x31: {  	[smem:$0x3FB7] =	sst s10  }
0x32: {  	s10 =	sld [smem:$0x3FB5];
	_ =	sdelay $0x3  }
0x33: {  	p0 =	seq.s32 s10, $0x1;
	s10 =	sld [smem:$0x3FB7];
	_ =	sdelay $0x3  }
0x34: {  	[smem:$0x3FB7] =	sst s10  }
0x35: {  	s10 =	sld [smem:$0x3FB6];
	_ =	sdelay $0x3  }
0x36: {  	p1 =	seq.s32 s10, $0x1;
	s10 =	sld [smem:$0x3FB7];
	_ =	sdelay $0x3  }
0x37: {  	[smem:$0x3FB7] =	sst s10  }
0x38: {  	s10 =	sld [smem:$0x3FB8]  }
0x39: {  	_ = 	snop;
	(pc) =	sbr.ind lr, $3  }
0x3a: {  	_ = 	snop  }
0x3b: {  	_ = 	snop  }
0x3c: {  	p2 =	seq.s32 s10, $0x1;
	s10 =	sld [smem:$0x3FB7]  }
0x3d: {  	_ =	shalt  }
0x3e: {  	_ =	shalt  }
0x3f: {  	_ =	shalt  }
0x40: {  	_ =	shalt  }
0x41: {  	_ =	shalt  }
0x42: {  	_ =	shalt  }
0x43: {  	_ =	shalt  }
0x44: {  	_ =	shalt  }
0x45: {  	_ =	shalt  }
0x46: {  	_ =	shalt  }
0x47: {  	_ =	shalt  }
0x48: {  	_ =	shalt  }
0x49: {  	_ =	shalt  }
0x4a: {  	_ =	shalt  }
0x4b: {  	_ =	shalt  }
0x4c: {  	_ =	shalt  }
0x4d: {  	_ =	shalt  }
0x4e: {  	_ =	shalt  }
0x4f: {  	_ =	shalt  }
0x50: {  	_ =	shalt  }
0x51: {  	_ =	shalt  }
0x52: {  	_ =	shalt  }
0x53: {  	_ =	shalt  }
0x54: {  	_ =	shalt  }
0x55: {  	_ =	shalt  }
0x56: {  	_ =	shalt  }
0x57: {  	_ =	shalt  }
0x58: {  	_ =	shalt  }
0x59: {  	_ =	shalt  }
0x5a: {  	_ =	shalt  }
0x5b: {  	_ =	shalt  }
0x5c: {  	_ =	shalt  }
0x5d: {  	_ =	shalt  }
0x5e: {  	_ =	shalt  }
0x5f: {  	_ =	shalt  }
0x60: {  	_ =	shalt  }
0x61: {  	_ =	shalt  }
0x62: {  	_ =	shalt  }
0x63: {  	_ =	shalt  }
0x64: {  	_ =	shalt  }
0x65: {  	_ =	shalt  }
0x66: {  	_ =	shalt  }
0x67: {  	_ =	shalt  }
0x68: {  	_ =	shalt  }
0x69: {  	_ =	shalt  }
0x6a: {  	_ =	shalt  }
0x6b: {  	_ =	shalt  }
0x6c: {  	_ =	shalt  }
0x6d: {  	_ =	shalt  }
0x6e: {  	_ =	shalt  }
0x6f: {  	_ =	shalt  }
0x70: {  	_ =	shalt  }
0x71: {  	_ =	shalt  }
0x72: {  	_ =	shalt  }
0x73: {  	_ =	shalt  }
0x74: {  	_ =	shalt  }
0x75: {  	_ =	shalt  }
0x76: {  	_ =	shalt  }
0x77: {  	_ =	shalt  }
0x78: {  	_ =	shalt  }
0x79: {  	_ =	shalt  }
0x7a: {  	_ =	shalt  }
0x7b: {  	_ =	shalt  }
0x7c: {  	_ =	shalt  }
0x7d: {  	_ =	shalt  }
0x7e: {  	_ =	shalt  }
0x7f: {  	_ =	shalt  }
0x80: {  	_ =	shalt  }
0x81: {  	_ =	shalt  }
0x82: {  	_ =	shalt  }
0x83: {  	_ =	shalt  }
0x84: {  	_ =	shalt  }
0x85: {  	_ =	shalt  }
0x86: {  	_ =	shalt  }
0x87: {  	_ =	shalt  }
.Lfunc_end0:
.L_simem_size_0:
called_computation_lowered:
.L_overlay_start_0:
0x88: {  	s2 =	sld [smem:$0x3FD9]  }
0x89: {  	s3 =	sld [smem:$0x3FFE];
	_ =	sdelay $0x1  }
0x8a: {  	s1 =	srdreg.scid  }
0x8b: {  	s0 =	sand.u32 $0x1, s1  }
0x8c: {  	s17 =	sshll.u32 s0, $0xA;
	s2 =	sadd.s32 s3, s2  }
0x8d: {  	s2 =	sadd.s32 s2, s17  }
0x8e: {  	[smem:$0x3FC3] =	sst s2  }
0x8f: {  	_ = 	snop  }
0x90: {  	s2 =	sld [smem:$0x3FC9]  }
0x91: {  	s18 =	sld [smem:$0x3FC8]  }
0x92: {  	s4 =	sld [smem:$0x3FC6]  }
0x93: {  	s5 =	sld [smem:$0x3FD0];
	(tm) =	ssettm $0x1  }
0x94: {  	s6 =	sld [smem:$0x3FFB];
	_ =	sdelay $0x3  }
0x95: {  	_ =	strace s6  }
0x96: {  	s6 =	sld [smem:$0x3FFC];
	_ =	sdelay $0x3  }
0x97: {  	_ =	strace s6  }
0x98: {  	s6 =	sld [smem:$0x3FFD];
	_ =	sdelay $0x3  }
0x99: {  	_ =	strace s6  }
0x9a: {  	_ =	strace $0x8FFFFFFF  }
0x9b: {  	s19 =	sld [smem:$0x3FDB];
	_ =	sdelay $0x1  }
0x9c: {  	s7 =	simm.s32 $_scs_section_size  }
0x9d: {  	s8 =	simm.s32 $_size__tile_overlayer_lowered;
	s9 =	simm.s32 $_tile_overlayer_lowered  }
0x9e: {  	s22 =	simm.s32 $0x1BFF;
	s21 =	sshll.u32 s9, $0x1;
	s6 =	sadd.s32 s7, s19  }
0x9f: {  	s10 =	simm.s32 $0x0;
	s20 =	sshll.u32 s8, $0x1;
	s8 =	sadd.s32 s21, s6  }
0xa0: {  	[timem:s10], [sflag:s22] =	dma.local [hbm:s8], s20  }
0xa1: {  	_ =	swait.ge [sflag:s22], s20  }
0xa2: {  	s7 =	ssub.s32 $0x0, s20;
	[sflag:s22] =	ssyncset.done $0x0  }
0xa3: {  	[sflag:s22] =	ssyncadd.s32 s7;
	_ =	sdelay $0x1  }
0xa4: {  	s23 =	simm.s32 $0x1B8B  }
0xa5: {  	_ =	swait.ge [sflag:s23], $0x1  }
0xa6: {  	[sflag:s23] =	ssyncset.done $0x0  }
0xa7: {  	s25 =	simm.s32 $0x1B8E;
	s24 =	sld [smem:$0x3FFE];
	[sflag:s23] =	ssyncadd.s32 $0xFFFFFFFF  }
0xa8: {  	s26 =	simm.s32 $execute0_lowered;
	[smem:$0x3FD2] =	sst s25  }
0xa9: {  	s8 =	sshll.u32 s26, $0x1;
	_ =	strace $0x80000046;
	[dreg:$0x1] =	wrdreg $0xFFFFFFFF  }
0xaa: {  	s28 =	simm.s32 $_size_execute0_lowered;
	s6 =	sadd.s32 s6, s8;
	[dreg:$0x0] =	wrdreg $0x0  }
0xab: {  	s8 =	sshll.u32 s28, $0x1;
	[dreg:$0x2] =	wrdreg s6  }
0xac: {  	[dreg:$0x3] =	wrdreg s8  }
0xad: {  	[dreg:$0x4] =	wrdreg $0xC0  }
0xae: {  	_ =	task [dreg:s10], $0x5FFFF  }
0xaf: {  	[dreg:$0x1] =	wrdreg $0xFFFFFFFF  }
0xb0: {  	[dreg:$0x0] =	wrdreg $0x60  }
0xb1: {  	[dreg:$0x2] =	wrdreg s2  }
0xb2: {  	[dreg:$0x3] =	wrdreg s18  }
0xb3: {  	[dreg:$0x4] =	wrdreg s24  }
0xb4: {  	[dreg:$0x5] =	wrdreg s4  }
0xb5: {  	[dreg:$0x6] =	wrdreg s5  }
0xb6: {  	[dreg:$0x7] =	wrdreg $0x9  }
0xb7: {  	_ =	task.clear_ibuf [dreg:s10], $0x8FFFF;
	_ =	strace $0x90000046  }
0xb8: {  	s29 =	simm.s32 $0x9;
	_ =	strace $0x80000048  }
0xb9: {  	_ =	swait.ge [sflag:s29], $0x1  }
0xba: {  	[sflag:s29] =	ssyncadd.s32 $0xFFFFFFFF  }
0xbb: {  	_ =	strace $0x90000048  }
0xbc: {  	_ =	sfence  }
0xbd: {  	s30 =	sld [smem:$0x0];
	_ =	sdelay $0x2  }
0xbe: {  	s31 =	sshll.u32 s1, $0xD;
	s1 =	sshrl.u32 s1, $0x2  }
0xbf: {  	s3 =	sand.u32 $0x4000, s31;
	s1 =	sadd.s32 s1, s30  }
0xc0: {  	s0 =	sor.u32 s3, s0;
	s1 =	sshll.u32 s1, $0x11  }
0xc1: {  	s0 =	sor.u32 s1, s0  }
0xc2: {  	s0 =	sadd.s32 $0x8F2B, s0  }
0xc3: {  	[sflag:s0] =	ssyncadd.remote.s32 $0x1  }
0xc4: {  	_ =	sfence.sel $0xFFFF  }
0xc5: {  	[dreg:$0x0] =	wrdreg $0xFFFFFFFF;
	(pc) =	sbr.abs _section_cstart, $3  }
0xc6: {  	[dreg:$0x1] =	wrdreg $0xFFFFFFFF  }
0xc7: {  	_ =	task.clear_ibuf [dreg:s10], $0x2FFFF;
	_ =	strace $0x9FFFFFFF  }
0xc8: {  	(tm) =	ssettm $0x7FFFFFFF  }
0xc9: {  	_ =	shalt  }
tec
execute0_lowered:
.L_overlay_start_1:
0x0: {  	(tag) =	ssettag $0x1  }
0x1: {  	s0 =	rddreg [dreg:$0x0]  }
0x2: {  	s3 =	rddreg [dreg:$0x1]  }
0x3: {  	s4 =	rddreg [dreg:$0x2]  }
0x4: {  	s1 =	rddreg [dreg:$0x3]  }
0x5: {  	s10 =	rddreg [dreg:$0x4]  }
0x6: {  	s2 =	simm.s32 $0x0;
	s6 =	srdreg.scid;
	s21 =	stileid.u32  }
0x7: {  	s14 =	simm.s32 $0x80;
	s15 =	simm.s32 $0x400;
	s16 =	simm.s32 $0x2  }
0x8: {  	s17 =	simm.s32 $0xA80;
	s18 =	simm.s32 $0x1500;
	s19 =	simm.s32 $0x1F80  }
0x9: {  	s20 =	simm.s32 $0x5B80;
	s31 =	simm.s32 $0x7000;
	[smem:$0x7FF] =	sst s2  }
0xa: {  	s5 =	sadd.s32 $0xE00, s4;
	s4 =	sadd.s32 $0x600, s4;
	s22 =	sand.u32 $0x1, s6  }
0xb: {  	s7 =	sshll.u32 s21, $0x1;
	_ =	strace $0x80000047;
	[dreg:$0x6] =	wrdreg s5  }
0xc: {  	s8 =	sshrl.u32 s21, $0x1;
	[dreg:$0x7] =	wrdreg s4;
	s6 =	ssub.s32 $0x2, s22  }
0xd: {  	s7 =	sand.u32 $0x2, s7;
	s11 =	sshll.u32 s8, $0x4;
	s24 =	sshll.u32 s8, $0xC  }
0xe: {  	s9 =	sshrl.u32 s6, $0x1;
	s4 =	sor.u32 s22, s7;
	s23 =	sadd.s32 s0, s11  }
0xf: {  	s22 =	simm.s32 $0x1;
	s13 =	ssub.s32 s6, s9;
	s0 =	sadd.s32 $0xA80, s23  }
0x10: {  	s25 =	sshll.u32 s4, $0xC;
	s4 =	sshll.u32 s4, $0xA;
	[dreg:$0x8] =	wrdreg s23  }
0x11: {  	s5 =	sadd.s32 $0x1500, s23;
	[dreg:$0x9] =	wrdreg s0;
	s0 =	sadd.s32 s3, s24  }
0x12: {  	s26 =	sor.u32 s11, s25;
	[dreg:$0xa] =	wrdreg s5;
	s30 =	smax.u32 s13, $0x1  }
0x13: {  	v1 =	vlaneseq.u32;
	s0 =	sadd.s32 s4, s0;
	s10 =	sadd.s32 s10, s26;
	[dreg:$0xe] =	wrdreg s30  }
0x14: {  	v1 =	vmul.u32 $0x2, v1;
	s23 =	simm.s32 $0x200;
	[dreg:$0xb] =	wrdreg s0;
	s28 =	sadd.s32 $0x4000, s10  }
0x15: {  	s3 =	simm.s32 $0x8500;
	s29 =	sadd.s32 $0x8000, s10;
	[dreg:$0xc] =	wrdreg s28  }
0x16: {  	v0 =	vimm.s32 $0x0;
	v2 =	vimm.f32 $0.0e+00;
	[tilespmem:$0x1FFF0] =	vst v1;
	s26 =	simm.s32 $0x0;
	s0 =	simm.s32 $0x7A80;
	[dreg:$0xd] =	wrdreg s29  }
.LBB2_1:
0x17: {  	s4 =	rddreg [dreg:$0x8]  }
0x18: {  	[tilespmem:s2], [sflag:$0x2] =	stream.strided.gather [hbm4b:s4+s14], $0xA80, s15, s14, $0x38;
	[tilespmem:$0xFF80] =	vst v63  }
0x19: {  	_ =	swait.ge [sflag:s16], $0xA80  }
0x1a: {  	[sflag:s16] =	ssyncset.done $0x0  }
0x1b: {  	s21 =	rddreg [dreg:$0x9];
	[sflag:s16] =	ssyncadd.s32 $0xFFFFF580  }
0x1c: {  	[tilespmem:s17], [sflag:$0x2] =	stream.strided.gather [hbm4b:s21+s14], $0xA80, s15, s14, $0x38;
	[tilespmem:$0xFF80] =	vst v63  }
0x1d: {  	_ =	swait.ge [sflag:s16], $0xA80  }
0x1e: {  	[sflag:s16] =	ssyncset.done $0x0  }
0x1f: {  	s24 =	rddreg [dreg:$0xa];
	[sflag:s16] =	ssyncadd.s32 $0xFFFFF580  }
0x20: {  	[tilespmem:s18], [sflag:$0x2] =	stream.strided.gather [hbm4b:s24+s14], $0xA80, s15, s14, $0x38;
	[tilespmem:$0xFF80] =	vst v63  }
0x21: {  	_ =	swait.ge [sflag:s16], $0xA80  }
0x22: {  	[sflag:s16] =	ssyncset.done $0x0  }
0x23: {  	s25 =	rddreg [dreg:$0x7];
	[sflag:s16] =	ssyncadd.s32 $0xFFFFF580  }
0x24: {  	[tilespmem:s19], [sflag:$0x2] =	stream.linear.gather [hbm4b:s25+s2], $0x3C00, $0x38;
	[tilespmem:$0xFF80] =	vst v63  }
0x25: {  	s7 =	sand.u32 $0x7, s2;
	_ =	swait.ge [sflag:s16], $0x3C00  }
0x26: {  	s4 =	sshll.u32 s7, $0x4;
	[sflag:s16] =	ssyncset.done $0x0  }
0x27: {  	s4 =	sadd.s32 $0x0, s4;
	s5 =	rddreg [dreg:$0x6];
	[sflag:s16] =	ssyncadd.s32 $0xFFFFC400  }
0x28: {  	[tilespmem:s20], [sflag:$0x2] =	stream.linear.gather [hbm4b:s5+s2], $0x1404, $0x38;
	[tilespmem:$0xFF80] =	vst v63  }
0x29: {  	p0 =	por $0x0, $0x0;
	s28 =	sadd.s32 $0x30, s4;
	_ =	swait.ge [sflag:s16], $0x1404  }
0x2a: {  	s29 =	simm.s32 $0x0;
	s8 =	sor.u32 $0x80, s28;
	[sflag:s16] =	ssyncset.done $0x0  }
0x2b: {  	s5 =	simm.s32 $0x8F80;
	s6 =	rddreg [dreg:$0xb];
	[sflag:s16] =	ssyncadd.s32 $0xFFFFEBFC  }
0x2c: {  	[tilespmem:s5], [sflag:$0x2] =	stream.linear.gather [hbm4b:s6+s2], $0x2000, $0x38;
	[tilespmem:$0xFF80] =	vst v63  }
0x2d: {  	s21 =	simm.s32 $0x30;
	s24 =	sand.u32 $0x1F00, s2;
	_ =	swait.ge [sflag:s16], $0x2000  }
0x2e: {  	s24 =	sadd.s32 $0x8F80, s24;
	s25 =	sand.u32 $0x70, s21;
	[sflag:s16] =	ssyncset.done $0x0  }
0x2f: {  	s28 =	sand.u32 $0x3, s2;
	s25 =	sor.u32 s25, s24;
	[sflag:s16] =	ssyncadd.s32 $0xFFFFE000  }
0x30: {  	s4 =	sadd.s32 $0x10, s4;
	s9 =	sshll.u32 s28, $0x5;
	s28 =	simm.s32 $0x1;
	v3 =	vld [tilespmem:s25+$0x0]  }
0x31: {  	s29 =	sand.u32 $0x40, s29;
	s4 =	sor.u32 $0x80, s4;
	s28 =	simm.s32 @!p0 $0x0;
	v4 =	vld [tilespmem:s8+$0x8F80]  }
0x32: {  	s11 =	sshll.u32 s28, $0x6;
	s28 =	sor.u32 s29, s24;
	s25 =	sadd.s32 $0x0, s9;
	v5 =	vld [tilespmem:s4+$0x8F80]  }
0x33: {  	v7 =	vld [tilespmem:s28+$0x0];
	s25 =	sadd.s32 $0x20, s25  }
0x34: {  	s12 =	simm.s32 $0x10;
	s4 =	sadd.s32 $0x0, s11;
	s25 =	sor.u32 $0x80, s25  }
0x35: {  	s13 =	simm.s32 $0x20;
	s4 =	sor.u32 $0x80, s4;
	v6 =	vld [tilespmem:s25+$0x8F80];
	s25 =	sand.u32 $0x50, s12  }
0x36: {  	v10 =	vld [tilespmem:s4+$0x8F80];
	s4 =	sand.u32 $0x60, s13;
	s25 =	sor.u32 s25, s24  }
0x37: {  	s4 =	sor.u32 s4, s24;
	v3 =	vmul.f32 $1.023000000e+03, v3;
	v4 =	vmul.f32 $1.023000000e+03, v4;
	v13 =	vld [tilespmem:s25+$0x0]  }
0x38: {  	v11 =	vmul.f32 $1.023000000e+03, v5;
	v15 =	vmul.f32 $1.023000000e+03, v7;
	v7 =	vld [tilespmem:s4+$0x0]  }
0x39: {  	v8 =	vtrunc.f32 v3;
	v9 =	vtrunc.f32 v4  }
0x3a: {  	v8 =	vcvt.f32.s32 v8;
	v9 =	vcvt.f32.s32 v9  }
0x3b: {  	v10 =	vmul.f32 $1.023000000e+03, v10;
	v14 =	vmul.f32 $1.023000000e+03, v6  }
0x3c: {  	v5 =	vcvt.s32.f32 v8;
	v12 =	vcvt.s32.f32 v9  }
0x3d: {  	v6 =	vand.u32 $0x1, v8;
	v55 =	vmul.f32 $1.023000000e+03, v13;
	v56 =	vmul.f32 $1.023000000e+03, v7  }
0x3e: {  	vm0 =	veq.s32 v6, $0x1;
	v6 =	vtrunc.f32 v14;
	v3 =	vsub.f32 v3, v5  }
0x3f: {  	v4 =	vsub.f32 v4, v12;
	v5 =	vand.u32 $0x1, v9;
	v16 =	vtrunc.f32 v55  }
0x40: {  	v17 =	vtrunc.f32 v56;
	v6 =	vcvt.f32.s32 v6;
	vm1 =	veq.s32 v5, $0x1  }
0x41: {  	v5 =	vtrunc.f32 v11;
	vm2 =	vgt.f32 v3, $5.000000000e-01;
	vm3 =	veq.f32 v3, $5.000000000e-01  }
0x42: {  	vm4 =	veq.f32 v4, $5.000000000e-01;
	v58 =	vand.u32 $0x1, v6;
	v21 =	vcvt.s32.f32 v6  }
0x43: {  	vm0 =	vmand vm3, vm0;
	vm3 =	vgt.f32 v4, $5.000000000e-01;
	vm1 =	vmand vm4, vm1  }
0x44: {  	vm6 =	veq.s32 v58, $0x1;
	vm0 =	vmor vm2, vm0;
	vm1 =	vmor vm3, vm1  }
0x45: {  	v14 =	vsub.f32 v14, v21;
	v3 =	vsel vm0, $0x1, v0;
	v4 =	vsel vm1, $0x1, v0  }
0x46: {  	v3 =	vadd.s32 v8, v3;
	v4 =	vadd.s32 v9, v4;
	v9 =	vtrunc.f32 v10  }
0x47: {  	vm3 =	veq.f32 v14, $5.000000000e-01;
	v7 =	vshll.u32 v4, $0xA;
	v8 =	vshll.u32 v3, $0x3  }
0x48: {  	v4 =	vshll.u32 v4, $0x7;
	v7 =	vand.u32 $0xFFFFE000, v7;
	v8 =	vand.u32 $0xFFFFFC00, v8  }
0x49: {  	v4 =	vand.u32 $0x380, v4;
	v7 =	vadd.s32 v8, v7;
	v8 =	vtrunc.f32 v15  }
0x4a: {  	v4 =	vor.u32 v4, v7;
	v7 =	vand.u32 $0x7F, v3;
	v3 =	vcvt.f32.s32 v5  }
0x4b: {  	v5 =	vcvt.f32.s32 v16;
	v18 =	vor.u32 v7, v4;
	v7 =	vcvt.f32.s32 v9  }
0x4c: {  	vm3 =	vmand vm3, vm6;
	v4 =	vcvt.f32.s32 v8;
	v8 =	vcvt.f32.s32 v17  }
0x4d: {  	v9 =	vand.u32 $0x1, v3;
	v57 =	vcvt.s32.f32 v3;
	v59 =	vcvt.s32.f32 v5  }
0x4e: {  	v62 =	vand.u32 $0x1, v5;
	v19 =	vcvt.s32.f32 v7;
	v20 =	vand.u32 $0x1, v7  }
0x4f: {  	v22 =	vcvt.s32.f32 v4;
	v60 =	vcvt.s32.f32 v8;
	v61 =	vand.u32 $0x1, v4  }
0x50: {  	v63 =	vand.u32 $0x1, v8;
	vm10 =	veq.s32 v62, $0x1;
	v11 =	vsub.f32 v11, v57  }
0x51: {  	v12 =	vsub.f32 v55, v59;
	vm2 =	veq.s32 v20, $0x1;
	vm7 =	veq.s32 v61, $0x1  }
0x52: {  	vm11 =	veq.s32 v63, $0x1;
	v10 =	vsub.f32 v10, v19;
	v15 =	vsub.f32 v15, v22  }
0x53: {  	v13 =	vsub.f32 v56, v60;
	vm1 =	veq.f32 v11, $5.000000000e-01;
	vm5 =	veq.f32 v12, $5.000000000e-01  }
0x54: {  	vm6 =	vgt.f32 v11, $5.000000000e-01;
	vm0 =	veq.f32 v10, $5.000000000e-01;
	vm4 =	veq.f32 v15, $5.000000000e-01  }
0x55: {  	vm9 =	veq.f32 v13, $5.000000000e-01;
	vm0 =	vmand vm0, vm2;
	vm2 =	veq.s32 v9, $0x1  }
0x56: {  	s30 =	simm.s32 $0x0;
	vm8 =	vgt.f32 v10, $5.000000000e-01;
	vm2 =	vmand vm1, vm2;
	vm1 =	vmand vm4, vm7  }
0x57: {  	p0 =	por !p0, !p0;
	s29 =	simm.s32 $0x0;
	s24 =	simm.s32 $0xAFA0;
	vm7 =	vgt.f32 v14, $5.000000000e-01;
	vm4 =	vmand vm5, vm10;
	vm5 =	vmand vm9, vm11  }
0x58: {  	s28 =	simm.s32 $0x0;
	s4 =	simm.s32 $0x0;
	s25 =	simm.s32 $0xAFA0;
	[tilespmem:s24+$0x10] =	vst v18;
	vm9 =	vgt.f32 v15, $5.000000000e-01;
	vm10 =	vgt.f32 v12, $5.000000000e-01;
	vm11 =	vgt.f32 v13, $5.000000000e-01  }
.LBB2_2:
0x59: {  	s5 =	simm.s32 $0x1  }
0x5a: {  	vm0 =	vmor vm8, vm0;
	vm2 =	vmor vm6, vm2;
	vm3 =	vmor vm7, vm3;
	s29 =	sadd.s32 $0x2, s29;
	s5 =	simm.s32 @!p0 $0x0  }
0x5b: {  	vm1 =	vmor vm9, vm1;
	vm4 =	vmor vm10, vm4;
	vm5 =	vmor vm11, vm5;
	s7 =	sand.u32 $0x3, s29;
	s5 =	sshll.u32 s5, $0x6  }
0x5c: {  	s30 =	sadd.s32 $0x80, s30;
	s4 =	sadd.s32 $0x4, s4;
	v9 =	vsel vm0, $0x1, v0;
	v10 =	vsel vm2, $0x1, v0;
	v11 =	vsel vm3, $0x1, v0;
	s7 =	sshll.u32 s7, $0x5  }
0x5d: {  	s28 =	sadd.s32 $0x4, s28;
	s21 =	sadd.s32 $0x40, s21;
	s8 =	sand.u32 $0x7, s4;
	v12 =	vsel vm1, $0x1, v0;
	v13 =	vsel vm4, $0x1, v0;
	v14 =	vsel vm5, $0x1, v0  }
0x5e: {  	s9 =	sand.u32 $0x1F00, s30;
	p1 =	slt.u32 s28, $0xFC;
	s8 =	sshll.u32 s8, $0x4;
	v7 =	vadd.s32 v7, v9;
	v3 =	vadd.s32 v3, v10;
	v6 =	vadd.s32 v6, v11  }
0x5f: {  	s11 =	sand.u32 $0x70, s21;
	s9 =	sadd.s32 $0x8F80, s9;
	v4 =	vadd.s32 v4, v12;
	v5 =	vadd.s32 v5, v13;
	v8 =	vadd.s32 v8, v14;
	s8 =	sadd.s32 s8, s30  }
0x60: {  	s7 =	sadd.s32 s30, s7;
	s11 =	sor.u32 s11, s9;
	v9 =	vshll.u32 v7, $0xA;
	v10 =	vshll.u32 v3, $0xA;
	v11 =	vshll.u32 v6, $0xA;
	s12 =	sadd.s32 $0x30, s8  }
0x61: {  	s13 =	sadd.s32 $0xFFFFFFD0, s21;
	s6 =	sadd.s32 $0xFFFFFFE0, s21;
	v13 =	vshll.u32 v4, $0x3;
	v14 =	vshll.u32 v5, $0x3;
	v15 =	vshll.u32 v8, $0x3;
	v12 =	vld [tilespmem:s11+$0x0];
	s11 =	sor.u32 $0x80, s12  }
0x62: {  	s8 =	sadd.s32 $0x10, s8;
	s7 =	sadd.s32 $0x20, s7;
	v9 =	vand.u32 $0xFFFFE000, v9;
	v10 =	vand.u32 $0xFFFFE000, v10;
	v11 =	vand.u32 $0xFFFFE000, v11;
	s12 =	sadd.s32 $0xFFFFFFF0, s21;
	v16 =	vld [tilespmem:s11+$0x8F80]  }
0x63: {  	s6 =	sand.u32 $0x50, s6;
	s5 =	sadd.s32 s5, s30;
	v3 =	vshll.u32 v3, $0x7;
	v6 =	vshll.u32 v6, $0x7;
	v13 =	vand.u32 $0xFFFFFC00, v13;
	s11 =	sand.u32 $0x40, s13  }
0x64: {  	v7 =	vshll.u32 v7, $0x7;
	v14 =	vand.u32 $0xFFFFFC00, v14;
	v15 =	vand.u32 $0xFFFFFC00, v15;
	s8 =	sor.u32 $0x80, s8;
	s7 =	sor.u32 $0x80, s7;
	s12 =	sand.u32 $0x60, s12  }
0x65: {  	s6 =	sor.u32 s6, s9;
	s5 =	sor.u32 $0x80, s5;
	v9 =	vadd.s32 v13, v9;
	v10 =	vadd.s32 v14, v10;
	v11 =	vadd.s32 v15, v11;
	s11 =	sor.u32 s11, s9;
	v17 =	vld [tilespmem:s8+$0x8F80]  }
0x66: {  	v7 =	vand.u32 $0x380, v7;
	v3 =	vand.u32 $0x380, v3;
	v6 =	vand.u32 $0x380, v6;
	s8 =	sor.u32 s12, s9;
	v13 =	vld [tilespmem:s7+$0x8F80]  }
0x67: {  	v3 =	vor.u32 v3, v10;
	v12 =	vmul.f32 $1.023000000e+03, v12;
	v14 =	vld [tilespmem:s5+$0x8F80];
	v15 =	vmul.f32 $1.023000000e+03, v16  }
0x68: {  	v4 =	vand.u32 $0x7F, v4;
	v9 =	vor.u32 v7, v9;
	v6 =	vor.u32 v6, v11;
	v10 =	vld [tilespmem:s11+$0x0]  }
0x69: {  	v5 =	vand.u32 $0x7F, v5;
	v11 =	vtrunc.f32 v12;
	v7 =	vld [tilespmem:s6+$0x0];
	v16 =	vtrunc.f32 v15  }
0x6a: {  	v8 =	vand.u32 $0x7F, v8;
	v11 =	vcvt.f32.s32 v11;
	v18 =	vld [tilespmem:s8+$0x0];
	v16 =	vcvt.f32.s32 v16  }
0x6b: {  	v3 =	vor.u32 v5, v3;
	v17 =	vmul.f32 $1.023000000e+03, v17;
	v13 =	vmul.f32 $1.023000000e+03, v13  }
0x6c: {  	v5 =	vcvt.s32.f32 v11;
	v19 =	vcvt.s32.f32 v16;
	[tilespmem:s24+$0xFFFFFFF0] =	vst v3;
	v3 =	vor.u32 v8, v6  }
0x6d: {  	v14 =	vmul.f32 $1.023000000e+03, v14;
	v6 =	vand.u32 $0x1, v11;
	v10 =	vmul.f32 $1.023000000e+03, v10;
	[tilespmem:s24+$0x0] =	vst v3  }
0x6e: {  	v8 =	vand.u32 $0x1, v16;
	v3 =	vsub.f32 v12, v5;
	v5 =	vsub.f32 v15, v19  }
0x6f: {  	vm0 =	veq.s32 v6, $0x1;
	vm1 =	veq.s32 v8, $0x1;
	v12 =	vmul.f32 $1.023000000e+03, v7  }
0x70: {  	vm2 =	vgt.f32 v3, $5.000000000e-01;
	vm3 =	veq.f32 v3, $5.000000000e-01;
	vm4 =	veq.f32 v5, $5.000000000e-01  }
0x71: {  	vm0 =	vmand vm3, vm0;
	vm3 =	vgt.f32 v5, $5.000000000e-01;
	vm1 =	vmand vm4, vm1  }
0x72: {  	v15 =	vmul.f32 $1.023000000e+03, v18;
	vm0 =	vmor vm2, vm0;
	vm1 =	vmor vm3, vm1  }
0x73: {  	v3 =	vtrunc.f32 v17;
	v5 =	vsel vm0, $0x1, v0;
	v6 =	vsel vm1, $0x1, v0  }
0x74: {  	v8 =	vtrunc.f32 v13;
	v5 =	vadd.s32 v11, v5;
	v6 =	vadd.s32 v16, v6  }
0x75: {  	v7 =	vtrunc.f32 v14;
	v16 =	vshll.u32 v5, $0x3;
	v11 =	vshll.u32 v6, $0xA  }
0x76: {  	v16 =	vand.u32 $0xFFFFFC00, v16;
	v6 =	vshll.u32 v6, $0x7;
	v11 =	vand.u32 $0xFFFFE000, v11  }
0x77: {  	v18 =	vtrunc.f32 v10;
	v6 =	vand.u32 $0x380, v6;
	v11 =	vadd.s32 v16, v11  }
0x78: {  	v5 =	vand.u32 $0x7F, v5;
	v16 =	vtrunc.f32 v12;
	v6 =	vor.u32 v6, v11  }
0x79: {  	s24 =	sadd.s32 $0x40, s24;
	v3 =	vcvt.f32.s32 v3;
	v11 =	vtrunc.f32 v15;
	v5 =	vor.u32 v5, v6  }
0x7a: {  	v7 =	vcvt.f32.s32 v7;
	v6 =	vcvt.f32.s32 v8;
	v8 =	vor.u32 v4, v9;
	[tilespmem:s24+$0x10] =	vst v5  }
0x7b: {  	v4 =	vcvt.f32.s32 v18;
	v9 =	vand.u32 $0x1, v3;
	v5 =	vcvt.f32.s32 v16;
	[tilespmem:s25+$0xFFFFFFE0] =	vst v8;
	s25 =	smov.u32 s24  }
0x7c: {  	v16 =	vcvt.s32.f32 v3;
	v8 =	vcvt.f32.s32 v11;
	v11 =	vand.u32 $0x1, v6  }
0x7d: {  	v19 =	vand.u32 $0x1, v7;
	v18 =	vcvt.s32.f32 v7;
	v20 =	vcvt.s32.f32 v6  }
0x7e: {  	v21 =	vcvt.s32.f32 v4;
	v22 =	vcvt.s32.f32 v5;
	v16 =	vsub.f32 v17, v16  }
0x7f: {  	v14 =	vsub.f32 v14, v18;
	v17 =	vcvt.s32.f32 v8;
	v13 =	vsub.f32 v13, v20  }
0x80: {  	v18 =	vand.u32 $0x1, v4;
	v10 =	vsub.f32 v10, v21;
	v12 =	vsub.f32 v12, v22  }
0x81: {  	v20 =	vand.u32 $0x1, v5;
	v15 =	vsub.f32 v15, v17;
	v17 =	vand.u32 $0x1, v8  }
0x82: {  	vm0 =	veq.f32 v14, $5.000000000e-01;
	vm1 =	veq.f32 v16, $5.000000000e-01;
	vm3 =	veq.f32 v13, $5.000000000e-01  }
0x83: {  	vm4 =	veq.f32 v10, $5.000000000e-01;
	vm5 =	veq.f32 v12, $5.000000000e-01;
	vm9 =	veq.f32 v15, $5.000000000e-01  }
0x84: {  	vm2 =	veq.s32 v19, $0x1;
	vm6 =	veq.s32 v9, $0x1;
	vm7 =	veq.s32 v11, $0x1  }
.Ltmp0:
0x85: {  	vm8 =	veq.s32 v18, $0x1;
	vm10 =	veq.s32 v20, $0x1;
	vm11 =	veq.s32 v17, $0x1;
	(pc) =	sbr.rel @p1 .LBB2_2-.Ltmp0, $4  }
0x86: {  	vm0 =	vmand vm0, vm2;
	vm2 =	vmand vm1, vm6;
	vm3 =	vmand vm3, vm7  }
0x87: {  	vm6 =	vgt.f32 v16, $5.000000000e-01;
	vm1 =	vmand vm4, vm8;
	vm7 =	vgt.f32 v13, $5.000000000e-01  }
0x88: {  	vm8 =	vgt.f32 v14, $5.000000000e-01;
	vm4 =	vmand vm5, vm10;
	vm5 =	vmand vm9, vm11  }
0x89: {  	p0 =	por !p0, !p0;
	vm10 =	vgt.f32 v12, $5.000000000e-01;
	vm9 =	vgt.f32 v10, $5.000000000e-01;
	vm11 =	vgt.f32 v15, $5.000000000e-01  }
0x8a: {  	vm0 =	vmor vm8, vm0;
	vm2 =	vmor vm6, vm2  }
0x8b: {  	vm3 =	vmor vm7, vm3;
	vm1 =	vmor vm9, vm1;
	vm4 =	vmor vm10, vm4  }
0x8c: {  	vm5 =	vmor vm11, vm5;
	v9 =	vsel vm0, $0x1, v0;
	v10 =	vsel vm2, $0x1, v0  }
0x8d: {  	v11 =	vsel vm3, $0x1, v0;
	v12 =	vsel vm1, $0x1, v0;
	v13 =	vsel vm4, $0x1, v0  }
0x8e: {  	v14 =	vsel vm5, $0x1, v0;
	v7 =	vadd.s32 v7, v9;
	v3 =	vadd.s32 v3, v10  }
0x8f: {  	v6 =	vadd.s32 v6, v11;
	v4 =	vadd.s32 v4, v12;
	v5 =	vadd.s32 v5, v13  }
0x90: {  	v8 =	vadd.s32 v8, v14;
	v9 =	vshll.u32 v7, $0xA;
	v10 =	vshll.u32 v3, $0xA  }
0x91: {  	v11 =	vshll.u32 v6, $0xA;
	v12 =	vshll.u32 v4, $0x3;
	v13 =	vshll.u32 v5, $0x3  }
0x92: {  	v14 =	vshll.u32 v8, $0x3;
	v3 =	vshll.u32 v3, $0x7;
	v6 =	vshll.u32 v6, $0x7  }
0x93: {  	v7 =	vshll.u32 v7, $0x7;
	v5 =	vand.u32 $0x7F, v5;
	v8 =	vand.u32 $0x7F, v8  }
0x94: {  	v9 =	vand.u32 $0xFFFFE000, v9;
	v10 =	vand.u32 $0xFFFFE000, v10;
	v11 =	vand.u32 $0xFFFFE000, v11  }
0x95: {  	v12 =	vand.u32 $0xFFFFFC00, v12;
	v13 =	vand.u32 $0xFFFFFC00, v13;
	v14 =	vand.u32 $0xFFFFFC00, v14  }
0x96: {  	v7 =	vand.u32 $0x380, v7;
	v3 =	vand.u32 $0x380, v3;
	v10 =	vadd.s32 v13, v10  }
0x97: {  	v6 =	vand.u32 $0x380, v6;
	v11 =	vadd.s32 v14, v11;
	v3 =	vor.u32 v3, v10  }
0x98: {  	v9 =	vadd.s32 v12, v9;
	v6 =	vor.u32 v6, v11;
	v3 =	vor.u32 v5, v3  }
0x99: {  	v4 =	vand.u32 $0x7F, v4;
	v5 =	vor.u32 v7, v9;
	[tilespmem:s24+$0xFFFFFFF0] =	vst v3;
	v3 =	vor.u32 v8, v6  }
0x9a: {  	[tilespmem:s24+$0x0] =	vst v3;
	v3 =	vor.u32 v4, v5  }
0x9b: {  	s4 =	simm.s32 $0xAF80;
	s5 =	simm.s32 $0xBF80;
	[tilespmem:s25+$0xFFFFFFE0] =	vst v3  }
0x9c: {  	[tilespmem:s5], [sflag:$0x1] =	stream.indirect.gather [hbm4b:s1+s23], $0x1, s4, s23, $0xb8;
	[tilespmem:$0xFF80] =	vst v63  }
0x9d: {  	s12 =	simm.s32 $0xB180;
	s13 =	simm.s32 $0xC180  }
0x9e: {  	[tilespmem:s13], [sflag:$0x1] =	stream.indirect.gather [hbm4b:s1+s23], $0x1, s12, s23, $0xb8;
	[tilespmem:$0xFF80] =	vst v63  }
0x9f: {  	s21 =	simm.s32 $0xB380;
	s30 =	simm.s32 $0xC580;
	s24 =	simm.s32 $0xC380  }
0xa0: {  	[tilespmem:s24], [sflag:$0x1] =	stream.indirect.gather [hbm4b:s1+s23], $0x1, s21, s23, $0xb8;
	[tilespmem:$0xFF80] =	vst v63  }
0xa1: {  	s6 =	simm.s32 $0xC780;
	s7 =	simm.s32 $0xB980;
	s25 =	simm.s32 $0xB580  }
0xa2: {  	[tilespmem:s30], [sflag:$0x1] =	stream.indirect.gather [hbm4b:s1+s23], $0x1, s25, s23, $0xb8;
	[tilespmem:$0xFF80] =	vst v63  }
0xa3: {  	s9 =	simm.s32 $0x30;
	s11 =	simm.s32 $0x10;
	s5 =	simm.s32 $0xB780  }
0xa4: {  	v3 =	vmov s9;
	[tilespmem:s6], [sflag:$0x1] =	stream.indirect.gather [hbm4b:s1+s23], $0x1, s5, s23, $0xb8;
	[tilespmem:$0xFF80] =	vst v63  }
0xa5: {  	s8 =	simm.s32 $0xC980;
	v4 =	vmov s11;
	v3 =	vshll.u32 v3, $0x1;
	s12 =	simm.s32 $0x20;
	s13 =	simm.s32 $0x0  }
0xa6: {  	v4 =	vshll.u32 v4, $0x1;
	v3 =	vor.u32 v1, v3;
	v5 =	vmov s12;
	[tilespmem:s8], [sflag:$0x1] =	stream.indirect.gather [hbm4b:s1+s23], $0x1, s7, s23, $0xb8;
	[tilespmem:$0xFF80] =	vst v63  }
0xa7: {  	v4 =	vor.u32 v1, v4;
	v6 =	vmov s13;
	v5 =	vshll.u32 v5, $0x1;
	s21 =	simm.s32 $0xBB80;
	s24 =	simm.s32 $0xCB80  }
0xa8: {  	v6 =	vshll.u32 v6, $0x1;
	v5 =	vor.u32 v1, v5;
	[tilespmem:s24], [sflag:$0x1] =	stream.indirect.gather [hbm4b:s1+s23], $0x1, s21, s23, $0xb8;
	[tilespmem:$0xFF80] =	vst v63  }
0xa9: {  	v6 =	vor.u32 v1, v6;
	s25 =	simm.s32 $0xBD80;
	s30 =	simm.s32 $0xCD80  }
0xaa: {  	[tilespmem:s30], [sflag:$0x1] =	stream.indirect.gather [hbm4b:s1+s23], $0x1, s25, s23, $0xb8;
	[tilespmem:$0xFF80] =	vst v63  }
0xab: {  	v7 =	vld.idx.msk [tilespmem:v3+s20+$0x0], $0xffff  }
0xac: {  	v8 =	vld.idx.msk [tilespmem:v4+s20+$0x0], $0xffff  }
0xad: {  	v9 =	vld.idx.msk [tilespmem:v5+s20+$0x0], $0xffff  }
0xae: {  	v10 =	vld.idx.msk [tilespmem:v6+s20+$0x0], $0xffff  }
0xaf: {  	v3 =	vor.u32 $0x1, v3  }
0xb0: {  	v7 =	vadd.f32 $-5.000000000e-01, v7;
	_ =	sdelay $0x1  }
0xb1: {  	v4 =	vor.u32 $0x1, v4;
	v8 =	vadd.f32 $-5.000000000e-01, v8;
	v11 =	vadd.f32 v7, v7  }
0xb2: {  	v5 =	vor.u32 $0x1, v5;
	v9 =	vadd.f32 $-5.000000000e-01, v9;
	v13 =	vadd.f32 $-5.000000000e-01, v10  }
0xb3: {  	v3 =	vld.idx.msk [tilespmem:v3+s20+$0x0], $0xffff;
	v10 =	vadd.f32 v8, v8;
	v8 =	vmul.f32 $6.283185480e+00, v8;
	vm8 =	vlt.f32 v11, $-5.000000000e-01  }
0xb4: {  	v12 =	vadd.f32 v9, v9;
	vm9 =	vgt.f32 v11, $5.000000000e-01;
	v11 =	vsel vm8, $0xBF800000, v2  }
0xb5: {  	v15 =	vmul.f32 $6.283185480e+00, v9;
	v9 =	vadd.f32 v13, v13;
	v16 =	vsel vm9, $0x3F800000, v11  }
0xb6: {  	v6 =	vor.u32 $0x1, v6;
	v7 =	vmul.f32 $6.283185480e+00, v7;
	v11 =	vmul.f32 $3.141592740e+00, v16  }
0xb7: {  	vm10 =	vlt.f32 v10, $-5.000000000e-01;
	vm11 =	vlt.f32 v12, $-5.000000000e-01;
	vm12 =	vlt.f32 v9, $-5.000000000e-01  }
0xb8: {  	v4 =	vld.idx.msk [tilespmem:v4+s20+$0x0], $0xffff;
	vm13 =	vgt.f32 v10, $5.000000000e-01;
	v3 =	vadd.f32 $-5.000000000e-01, v3;
	v7 =	vsub.f32 v7, v11  }
0xb9: {  	vm14 =	vgt.f32 v12, $5.000000000e-01;
	vm15 =	vgt.f32 v9, $5.000000000e-01;
	v14 =	vsel vm10, $0xBF800000, v2  }
0xba: {  	v5 =	vld.idx.msk [tilespmem:v5+s20+$0x0], $0xffff;
	v17 =	vsel vm11, $0xBF800000, v2;
	v19 =	vmul.f32 $3.141592740e+00, v3;
	v18 =	vmul.f32 v7, v7  }
0xbb: {  	v10 =	vsel vm13, $0x3F800000, v14;
	v9 =	vsel vm14, $0x3F800000, v17;
	v11 =	vsel vm12, $0xBF800000, v2  }
0xbc: {  	v6 =	vld.idx.msk [tilespmem:v6+s20+$0x0], $0xffff;
	v17 =	vmul.f32 v19, v19;
	v12 =	vsel vm15, $0x3F800000, v11;
	v11 =	vmul.f32 $2.315317400e-05, v18  }
0xbd: {  	v13 =	vmul.f32 $6.283185480e+00, v13;
	v4 =	vadd.f32 $-5.000000000e-01, v4;
	v3 =	vmul.f32 $3.141592740e+00, v10  }
0xbe: {  	v20 =	vmul.f32 $3.141592740e+00, v9;
	v23 =	vmul.f32 $2.315317400e-05, v17;
	v22 =	vadd.f32 $-1.385366660e-03, v11  }
0xbf: {  	v5 =	vadd.f32 $-5.000000000e-01, v5;
	v14 =	vsub.f32 v8, v3;
	v3 =	vmul.f32 $1.836274900e-04, v18  }
0xc0: {  	v11 =	vsub.f32 v15, v20;
	v15 =	vadd.f32 $-1.385366660e-03, v23;
	v8 =	vmul.f32 v22, v18  }
0xc1: {  	v6 =	vadd.f32 $-5.000000000e-01, v6;
	v21 =	vmul.f32 $3.141592740e+00, v12;
	v24 =	vmul.f32 $1.836274900e-04, v17  }
0xc2: {  	v22 =	vsub.f32 $8.306286300e-03, v3;
	v15 =	vmul.f32 v15, v17;
	v8 =	vadd.f32 $4.166357960e-02, v8  }
0xc3: {  	v13 =	vsub.f32 v13, v21;
	v3 =	vmul.f32 $3.141592740e+00, v4;
	v4 =	vmul.f32 $3.141592740e+00, v5  }
0xc4: {  	v5 =	vadd.f32 v16, v16;
	v22 =	vmul.f32 v22, v18;
	v8 =	vmul.f32 v8, v18  }
0xc5: {  	v20 =	vmul.f32 v14, v14;
	v23 =	vmul.f32 v13, v13;
	v15 =	vadd.f32 $4.166357960e-02, v15  }
0xc6: {  	v16 =	vmul.f32 v5, v16;
	v22 =	vadd.f32 $-1.666482390e-01, v22;
	v8 =	vadd.f32 $-4.999990460e-01, v8  }
0xc7: {  	v24 =	vsub.f32 $8.306286300e-03, v24;
	v5 =	vmul.f32 $3.141592740e+00, v6;
	v15 =	vmul.f32 v15, v17  }
0xc8: {  	v22 =	vmul.f32 v22, v18;
	v8 =	vmul.f32 v8, v18  }
0xc9: {  	v6 =	vsub.f32 $1.000000000e+00, v16;
	v15 =	vadd.f32 $-4.999990460e-01, v15;
	v18 =	vmul.f32 v24, v17  }
0xca: {  	v21 =	vmul.f32 v11, v11;
	v16 =	vadd.f32 $9.999966020e-01, v22;
	v8 =	vadd.f32 $9.999999400e-01, v8  }
0xcb: {  	v15 =	vmul.f32 v15, v17;
	v24 =	vmul.f32 $2.315317400e-05, v20;
	v18 =	vadd.f32 $-1.666482390e-01, v18  }
0xcc: {  	v7 =	vmul.f32 v16, v7;
	v8 =	vmul.f32 v8, v6  }
0xcd: {  	v15 =	vadd.f32 $9.999999400e-01, v15;
	v16 =	vmul.f32 v18, v17;
	v17 =	vmul.f32 $2.315317400e-05, v21  }
0xce: {  	v26 =	vadd.f32 v9, v9;
	v6 =	vmul.f32 v7, v6;
	v18 =	vmul.f32 $2.315317400e-05, v23  }
0xcf: {  	v28 =	vadd.f32 v12, v12;
	v7 =	vmul.f32 v3, v3;
	v27 =	vmul.f32 v8, v15  }
0xd0: {  	v16 =	vadd.f32 $9.999966020e-01, v16;
	v29 =	vmul.f32 v6, v15;
	v8 =	vmul.f32 v4, v4  }
0xd1: {  	v15 =	vadd.f32 $-1.385366660e-03, v24;
	v6 =	vmul.f32 v5, v5;
	v24 =	vmul.f32 $1.836274900e-04, v21  }
0xd2: {  	v22 =	vadd.f32 v10, v10;
	v25 =	vmul.f32 $2.315317400e-05, v7;
	v33 =	vmul.f32 $1.836274900e-04, v7  }
0xd3: {  	v30 =	vmul.f32 v16, v19;
	v16 =	vadd.f32 $-1.385366660e-03, v17;
	v17 =	vmul.f32 $1.836274900e-04, v20  }
0xd4: {  	v18 =	vadd.f32 $-1.385366660e-03, v18;
	v19 =	vmul.f32 $1.836274900e-04, v23;
	v31 =	vmul.f32 $2.315317400e-05, v8  }
0xd5: {  	v32 =	vmul.f32 $2.315317400e-05, v6;
	v15 =	vmul.f32 v15, v20;
	v24 =	vsub.f32 $8.306286300e-03, v24  }
0xd6: {  	v18 =	vmul.f32 v18, v23;
	v25 =	vadd.f32 $-1.385366660e-03, v25;
	v60 =	vsub.f32 $8.306286300e-03, v33  }
0xd7: {  	v17 =	vsub.f32 $8.306286300e-03, v17;
	v19 =	vsub.f32 $8.306286300e-03, v19;
	v16 =	vmul.f32 v16, v21  }
0xd8: {  	v15 =	vadd.f32 $4.166357960e-02, v15;
	v31 =	vadd.f32 $-1.385366660e-03, v31;
	v24 =	vmul.f32 v24, v21  }
0xd9: {  	v32 =	vadd.f32 $-1.385366660e-03, v32;
	v25 =	vmul.f32 v25, v7;
	v62 =	vmul.f32 v60, v7  }
0xda: {  	v18 =	vadd.f32 $4.166357960e-02, v18;
	v17 =	vmul.f32 v17, v20;
	v19 =	vmul.f32 v19, v23  }
0xdb: {  	v16 =	vadd.f32 $4.166357960e-02, v16;
	v15 =	vmul.f32 v15, v20;
	v31 =	vmul.f32 v31, v8  }
0xdc: {  	v32 =	vmul.f32 v32, v6;
	v24 =	vadd.f32 $-1.666482390e-01, v24;
	v18 =	vmul.f32 v18, v23  }
0xdd: {  	v25 =	vadd.f32 $4.166357960e-02, v25;
	v17 =	vadd.f32 $-1.666482390e-01, v17;
	v16 =	vmul.f32 v16, v21  }
0xde: {  	v15 =	vadd.f32 $-4.999990460e-01, v15;
	v24 =	vmul.f32 v24, v21;
	v18 =	vadd.f32 $-4.999990460e-01, v18  }
0xdf: {  	v31 =	vadd.f32 $4.166357960e-02, v31;
	v17 =	vmul.f32 v17, v20;
	v16 =	vadd.f32 $-4.999990460e-01, v16  }
0xe0: {  	v20 =	vmul.f32 v15, v20;
	v15 =	vadd.f32 $-1.666482390e-01, v19;
	v19 =	vmul.f32 $1.836274900e-04, v6  }
0xe1: {  	v61 =	vmul.f32 v18, v23;
	v63 =	vadd.f32 $9.999966020e-01, v24;
	v34 =	vmul.f32 v16, v21  }
0xe2: {  	v16 =	vmul.f32 $1.836274900e-04, v8;
	v21 =	vadd.f32 $4.166357960e-02, v32;
	v15 =	vmul.f32 v15, v23  }
0xe3: {  	v18 =	vsub.f32 $8.306286300e-03, v19;
	v19 =	vadd.f32 $9.999966020e-01, v17;
	v17 =	vmul.f32 v25, v7  }
0xe4: {  	v23 =	vmul.f32 v31, v8;
	v11 =	vmul.f32 v63, v11;
	v16 =	vsub.f32 $8.306286300e-03, v16  }
0xe5: {  	v21 =	vmul.f32 v21, v6;
	v35 =	vadd.f32 $9.999966020e-01, v15;
	v24 =	vadd.f32 $-4.999990460e-01, v17  }
0xe6: {  	v36 =	vmul.f32 v18, v6;
	v25 =	vadd.f32 $-4.999990460e-01, v23;
	v18 =	vadd.f32 $-1.666482390e-01, v62  }
0xe7: {  	s21 =	simm.s32 $0x7020;
	v19 =	vmul.f32 v19, v14;
	v23 =	vadd.f32 $9.999999400e-01, v20;
	v20 =	vadd.f32 $9.999999400e-01, v34  }
0xe8: {  	s24 =	simm.s32 $0x7AA0;
	[tilespmem:s21+$0x10] =	vst v27;
	v15 =	vmul.f32 v16, v8;
	v16 =	vadd.f32 $-4.999990460e-01, v21;
	v21 =	vmul.f32 v22, v10  }
0xe9: {  	s25 =	simm.s32 $0x8520;
	[tilespmem:s24+$0x10] =	vst v29;
	v10 =	vadd.f32 $-1.666482390e-01, v36;
	v22 =	vmul.f32 v26, v9;
	v9 =	vmul.f32 v35, v13  }
0xea: {  	s28 =	simm.s32 $0x0;
	s29 =	simm.s32 $0x40;
	[tilespmem:s25+$0x10] =	vst v30;
	v13 =	vadd.f32 $9.999999400e-01, v61;
	v17 =	vadd.f32 $-1.666482390e-01, v15;
	v15 =	vmul.f32 v28, v12  }
.LBB2_4:
0xeb: {  	v12 =	vmov s29;
	s4 =	sadd.s32 $0x10, s29;
	s5 =	sadd.s32 $0x20, s29;
	s6 =	sadd.s32 $0x30, s29;
	v14 =	vmul.f32 v24, v7;
	v24 =	vmul.f32 v25, v8  }
0xec: {  	v25 =	vmov s4;
	v26 =	vmov s5;
	v27 =	vmov s6  }
0xed: {  	s28 =	sadd.s32 $0x4, s28;
	v25 =	vshll.u32 v25, $0x1;
	v26 =	vshll.u32 v26, $0x1;
	v27 =	vshll.u32 v27, $0x1  }
0xee: {  	v12 =	vshll.u32 v12, $0x1;
	p0 =	slt.u32 s28, $0x9C;
	v25 =	vor.u32 v1, v25;
	v27 =	vor.u32 v1, v27  }
0xef: {  	v12 =	vor.u32 v1, v12;
	v26 =	vor.u32 v1, v26;
	v28 =	vor.u32 $0x1, v25  }
0xf0: {  	v16 =	vmul.f32 v16, v6;
	v29 =	vor.u32 $0x1, v12;
	v30 =	vor.u32 $0x1, v26  }
0xf1: {  	v21 =	vsub.f32 $1.000000000e+00, v21;
	v7 =	vmul.f32 v18, v7;
	v8 =	vmul.f32 v17, v8  }
0xf2: {  	v15 =	vsub.f32 $1.000000000e+00, v15;
	v6 =	vmul.f32 v10, v6;
	v10 =	vsub.f32 $1.000000000e+00, v22  }
0xf3: {  	v18 =	vmul.f32 v19, v21;
	v19 =	vmul.f32 v23, v21;
	v14 =	vadd.f32 $9.999999400e-01, v14;
	v17 =	vld.idx.msk [tilespmem:v27+s20+$0x0], $0xffff  }
0xf4: {  	v13 =	vmul.f32 v13, v15;
	v20 =	vmul.f32 v20, v10;
	v22 =	vadd.f32 $9.999999400e-01, v24;
	v21 =	vld.idx.msk [tilespmem:v25+s20+$0x0], $0xffff  }
0xf5: {  	v9 =	vmul.f32 v9, v15;
	v15 =	vadd.f32 $9.999999400e-01, v16;
	v10 =	vmul.f32 v11, v10;
	v23 =	vld.idx.msk [tilespmem:v26+s20+$0x0], $0xffff  }
0xf6: {  	v7 =	vadd.f32 $9.999966020e-01, v7;
	v8 =	vadd.f32 $9.999966020e-01, v8;
	v11 =	vld.idx.msk [tilespmem:v12+s20+$0x0], $0xffff;
	v12 =	vmul.f32 v19, v14  }
0xf7: {  	v6 =	vadd.f32 $9.999966020e-01, v6;
	v20 =	vmul.f32 v20, v22;
	v19 =	vor.u32 $0x1, v27;
	v16 =	vld.idx.msk [tilespmem:v28+s20+$0x0], $0xffff  }
0xf8: {  	v13 =	vmul.f32 v13, v15;
	v14 =	vmul.f32 v18, v14;
	v24 =	vld.idx.msk [tilespmem:v30+s20+$0x0], $0xffff;
	[tilespmem:s21+$0xFFFFFFF0] =	vst v12  }
0xf9: {  	v9 =	vmul.f32 v9, v15;
	v10 =	vmul.f32 v10, v22;
	v12 =	vadd.f32 $-5.000000000e-01, v17;
	v18 =	vld.idx.msk [tilespmem:v29+s20+$0x0], $0xffff;
	[tilespmem:s21+$0x0] =	vst v20  }
0xfa: {  	v3 =	vmul.f32 v7, v3;
	v4 =	vmul.f32 v8, v4;
	v15 =	vadd.f32 $-5.000000000e-01, v21;
	[tilespmem:s24+$0xFFFFFFF0] =	vst v14  }
0xfb: {  	v5 =	vmul.f32 v6, v5;
	v7 =	vadd.f32 $-5.000000000e-01, v23;
	v8 =	vadd.f32 v12, v12;
	[tilespmem:s24+$0x0] =	vst v10  }
0xfc: {  	v6 =	vadd.f32 $-5.000000000e-01, v11;
	v10 =	vadd.f32 v15, v15;
	v14 =	vmul.f32 $6.283185480e+00, v15;
	v11 =	vld.idx.msk [tilespmem:v19+s20+$0x0], $0xffff;
	[tilespmem:s25+$0xFFFFFFF0] =	vst v3  }
0xfd: {  	v3 =	vadd.f32 v7, v7;
	v7 =	vmul.f32 $6.283185480e+00, v7;
	vm0 =	vlt.f32 v8, $-5.000000000e-01;
	[tilespmem:s25+$0x0] =	vst v4  }
0xfe: {  	vm1 =	vgt.f32 v8, $5.000000000e-01;
	v4 =	vadd.f32 v6, v6;
	v8 =	vsel vm0, $0xBF800000, v2;
	[tilespmem:s21+$0xFFFFFFE0] =	vst v13  }
0xff: {  	vm0 =	vlt.f32 v10, $-5.000000000e-01;
	vm2 =	vlt.f32 v3, $-5.000000000e-01;
	v8 =	vsel vm1, $0x3F800000, v8;
	[tilespmem:s24+$0xFFFFFFE0] =	vst v9  }
0x100: {  	vm1 =	vlt.f32 v4, $-5.000000000e-01;
	v9 =	vmul.f32 $6.283185480e+00, v12;
	v12 =	vmul.f32 $3.141592740e+00, v8;
	[tilespmem:s25+$0xFFFFFFE0] =	vst v5  }
0x101: {  	v13 =	vsel vm0, $0xBF800000, v2;
	v15 =	vsel vm2, $0xBF800000, v2;
	v5 =	vsel vm1, $0xBF800000, v2  }
0x102: {  	vm0 =	vgt.f32 v10, $5.000000000e-01;
	v20 =	vsub.f32 v9, v12;
	v11 =	vadd.f32 $-5.000000000e-01, v11  }
0x103: {  	v10 =	vsel vm0, $0x3F800000, v13;
	vm0 =	vgt.f32 v3, $5.000000000e-01;
	vm1 =	vgt.f32 v4, $5.000000000e-01  }
0x104: {  	v9 =	vsel vm0, $0x3F800000, v15;
	v21 =	vmul.f32 v20, v20;
	v22 =	vmul.f32 $3.141592740e+00, v11  }
0x105: {  	v3 =	vmul.f32 $3.141592740e+00, v10;
	v4 =	vmul.f32 $3.141592740e+00, v9;
	v11 =	vsel vm1, $0x3F800000, v5  }
0x106: {  	v5 =	vadd.f32 $-5.000000000e-01, v16;
	v15 =	vmul.f32 $2.315317400e-05, v21;
	v23 =	vmul.f32 v22, v22  }
0x107: {  	v6 =	vmul.f32 $6.283185480e+00, v6;
	v13 =	vsub.f32 v14, v3;
	v16 =	vmul.f32 $3.141592740e+00, v11  }
0x108: {  	v12 =	vsub.f32 v7, v4;
	v3 =	vadd.f32 $-1.385366660e-03, v15;
	v4 =	vmul.f32 $2.315317400e-05, v23  }
0x109: {  	v7 =	vmul.f32 $1.836274900e-04, v21;
	v14 =	vsub.f32 v6, v16;
	v6 =	vadd.f32 $-5.000000000e-01, v24  }
0x10a: {  	v24 =	vadd.f32 $-5.000000000e-01, v18;
	v3 =	vmul.f32 v3, v21;
	v4 =	vadd.f32 $-1.385366660e-03, v4  }
0x10b: {  	v18 =	vmul.f32 v13, v13;
	v15 =	vmul.f32 v12, v12;
	v7 =	vsub.f32 $8.306286300e-03, v7  }
0x10c: {  	v16 =	vmul.f32 v14, v14;
	v19 =	vadd.f32 $4.166357960e-02, v3;
	v4 =	vmul.f32 v4, v23  }
0x10d: {  	v17 =	vadd.f32 v10, v10;
	v3 =	vmul.f32 $3.141592740e+00, v5;
	v5 =	vmul.f32 v7, v21  }
0x10e: {  	v7 =	vmul.f32 v19, v21;
	v19 =	vmul.f32 $1.836274900e-04, v23;
	v25 =	vadd.f32 $4.166357960e-02, v4  }
0x10f: {  	v4 =	vmul.f32 $3.141592740e+00, v6;
	v6 =	vadd.f32 v8, v8;
	v5 =	vadd.f32 $-1.666482390e-01, v5  }
0x110: {  	v7 =	vadd.f32 $-4.999990460e-01, v7;
	v26 =	vsub.f32 $8.306286300e-03, v19;
	v25 =	vmul.f32 v25, v23  }
0x111: {  	v19 =	vadd.f32 v9, v9;
	v6 =	vmul.f32 v6, v8;
	v8 =	vmul.f32 v5, v21  }
0x112: {  	v7 =	vmul.f32 v7, v21;
	v21 =	vmul.f32 v26, v23;
	v25 =	vadd.f32 $-4.999990460e-01, v25  }
0x113: {  	v5 =	vmul.f32 $3.141592740e+00, v24;
	v6 =	vsub.f32 $1.000000000e+00, v6;
	v8 =	vadd.f32 $9.999966020e-01, v8  }
0x114: {  	v7 =	vadd.f32 $9.999999400e-01, v7;
	v21 =	vadd.f32 $-1.666482390e-01, v21;
	v24 =	vmul.f32 v25, v23  }
0x115: {  	v26 =	vadd.f32 v11, v11;
	v25 =	vmul.f32 $2.315317400e-05, v18;
	v8 =	vmul.f32 v8, v20  }
0x116: {  	v7 =	vmul.f32 v7, v6;
	v20 =	vmul.f32 v21, v23;
	v21 =	vadd.f32 $9.999999400e-01, v24  }
0x117: {  	v23 =	vadd.f32 $-1.385366660e-03, v25;
	v24 =	vmul.f32 $2.315317400e-05, v15;
	v6 =	vmul.f32 v8, v6  }
0x118: {  	v8 =	vmul.f32 $2.315317400e-05, v16;
	v20 =	vadd.f32 $9.999966020e-01, v20;
	v25 =	vmul.f32 v7, v21  }
0x119: {  	s21 =	sadd.s32 $0x40, s21;
	v7 =	vmul.f32 v3, v3;
	v24 =	vadd.f32 $-1.385366660e-03, v24;
	v21 =	vmul.f32 v6, v21  }
0x11a: {  	s24 =	sadd.s32 $0x40, s24;
	v27 =	vadd.f32 $-1.385366660e-03, v8;
	v8 =	vmul.f32 v4, v4;
	v20 =	vmul.f32 v20, v22;
	[tilespmem:s21+$0x10] =	vst v25  }
0x11b: {  	s25 =	sadd.s32 $0x40, s25;
	v6 =	vmul.f32 v5, v5;
	v22 =	vmul.f32 $1.836274900e-04, v18;
	[tilespmem:s24+$0x10] =	vst v21  }
0x11c: {  	v25 =	vmul.f32 $1.836274900e-04, v15;
	v21 =	vmul.f32 $1.836274900e-04, v16;
	[tilespmem:s25+$0x10] =	vst v20  }
0x11d: {  	v28 =	vmul.f32 $2.315317400e-05, v8;
	v20 =	vsub.f32 $8.306286300e-03, v22;
	v22 =	vmul.f32 $2.315317400e-05, v7  }
0x11e: {  	v23 =	vmul.f32 v23, v18;
	v29 =	vmul.f32 $2.315317400e-05, v6;
	v25 =	vsub.f32 $8.306286300e-03, v25  }
0x11f: {  	v27 =	vmul.f32 v27, v16;
	v24 =	vmul.f32 v24, v15;
	v21 =	vsub.f32 $8.306286300e-03, v21  }
0x120: {  	v28 =	vadd.f32 $-1.385366660e-03, v28;
	v20 =	vmul.f32 v20, v18;
	v22 =	vadd.f32 $-1.385366660e-03, v22  }
0x121: {  	v23 =	vadd.f32 $4.166357960e-02, v23;
	v29 =	vadd.f32 $-1.385366660e-03, v29;
	v25 =	vmul.f32 v25, v15  }
0x122: {  	v27 =	vadd.f32 $4.166357960e-02, v27;
	v24 =	vadd.f32 $4.166357960e-02, v24;
	v21 =	vmul.f32 v21, v16  }
0x123: {  	v28 =	vmul.f32 v28, v8;
	v20 =	vadd.f32 $-1.666482390e-01, v20;
	v22 =	vmul.f32 v22, v7  }
0x124: {  	v30 =	vmul.f32 $1.836274900e-04, v7;
	v29 =	vmul.f32 v29, v6;
	v25 =	vadd.f32 $-1.666482390e-01, v25  }
0x125: {  	v31 =	vmul.f32 $1.836274900e-04, v6;
	v32 =	vmul.f32 $1.836274900e-04, v8;
	v21 =	vadd.f32 $-1.666482390e-01, v21  }
0x126: {  	v23 =	vmul.f32 v23, v18;
	v24 =	vmul.f32 v24, v15;
	v22 =	vadd.f32 $4.166357960e-02, v22  }
0x127: {  	v27 =	vmul.f32 v27, v16;
	v29 =	vadd.f32 $4.166357960e-02, v29;
	v28 =	vadd.f32 $4.166357960e-02, v28  }
0x128: {  	v30 =	vsub.f32 $8.306286300e-03, v30;
	v32 =	vsub.f32 $8.306286300e-03, v32;
	v20 =	vmul.f32 v20, v18  }
0x129: {  	v31 =	vsub.f32 $8.306286300e-03, v31;
	v23 =	vadd.f32 $-4.999990460e-01, v23;
	v25 =	vmul.f32 v25, v15  }
0x12a: {  	v27 =	vadd.f32 $-4.999990460e-01, v27;
	v33 =	vadd.f32 $-4.999990460e-01, v24;
	v21 =	vmul.f32 v21, v16  }
0x12b: {  	v28 =	vmul.f32 v28, v8;
	v20 =	vadd.f32 $9.999966020e-01, v20;
	v22 =	vmul.f32 v22, v7  }
0x12c: {  	v30 =	vmul.f32 v30, v7;
	v29 =	vmul.f32 v29, v6;
	v34 =	vadd.f32 $9.999966020e-01, v25  }
0x12d: {  	v31 =	vmul.f32 v31, v6;
	v32 =	vmul.f32 v32, v8;
	v35 =	vadd.f32 $9.999966020e-01, v21  }
0x12e: {  	v23 =	vmul.f32 v23, v18;
	v33 =	vmul.f32 v33, v15;
	v24 =	vadd.f32 $-4.999990460e-01, v22  }
.Ltmp1:
0x12f: {  	v27 =	vmul.f32 v27, v16;
	v16 =	vadd.f32 $-4.999990460e-01, v29;
	v25 =	vadd.f32 $-4.999990460e-01, v28;
	(pc) =	sbr.rel @p0 .LBB2_4-.Ltmp1, $4  }
0x130: {  	v18 =	vadd.f32 $-1.666482390e-01, v30;
	v21 =	vmul.f32 v17, v10;
	v17 =	vadd.f32 $-1.666482390e-01, v32  }
0x131: {  	v15 =	vmul.f32 v26, v11;
	v10 =	vadd.f32 $-1.666482390e-01, v31;
	v22 =	vmul.f32 v19, v9  }
0x132: {  	v23 =	vadd.f32 $9.999999400e-01, v23;
	v19 =	vmul.f32 v20, v13;
	v20 =	vadd.f32 $9.999999400e-01, v33  }
0x133: {  	s29 =	sadd.s32 $0x40, s29;
	v13 =	vadd.f32 $9.999999400e-01, v27;
	v11 =	vmul.f32 v34, v12;
	v9 =	vmul.f32 v35, v14  }
0x134: {  	v12 =	vmul.f32 v24, v7;
	v14 =	vsub.f32 $1.000000000e+00, v21;
	v38 =	vmul.f32 v25, v8  }
0x135: {  	v16 =	vmul.f32 v16, v6;
	v22 =	vsub.f32 $1.000000000e+00, v22;
	v39 =	vmul.f32 v18, v7  }
0x136: {  	v15 =	vsub.f32 $1.000000000e+00, v15;
	v40 =	vmul.f32 v23, v14;
	v12 =	vadd.f32 $9.999999400e-01, v12  }
0x137: {  	v41 =	vmul.f32 v17, v8;
	v42 =	vmul.f32 v20, v22;
	v43 =	vadd.f32 $9.999999400e-01, v38  }
0x138: {  	v46 =	vmul.f32 v13, v15;
	v47 =	vadd.f32 $9.999999400e-01, v16;
	v18 =	vmul.f32 v40, v12  }
0x139: {  	v14 =	vmul.f32 v19, v14;
	v17 =	vmul.f32 v42, v43  }
0x13a: {  	v44 =	vmul.f32 v10, v6;
	v7 =	vadd.f32 $9.999966020e-01, v39;
	v49 =	vmul.f32 v46, v47;
	[tilespmem:s21+$0xFFFFFFF0] =	vst v18  }
0x13b: {  	v11 =	vmul.f32 v11, v22;
	v12 =	vmul.f32 v14, v12;
	[tilespmem:s21+$0x0] =	vst v17  }
0x13c: {  	v48 =	vmul.f32 v9, v15;
	v3 =	vmul.f32 v7, v3;
	[tilespmem:s21+$0xFFFFFFE0] =	vst v49  }
0x13d: {  	v8 =	vadd.f32 $9.999966020e-01, v41;
	v45 =	vmul.f32 v11, v43;
	[tilespmem:s24+$0xFFFFFFF0] =	vst v12  }
0x13e: {  	v6 =	vadd.f32 $9.999966020e-01, v44;
	v7 =	vmul.f32 v48, v47;
	[tilespmem:s25+$0xFFFFFFF0] =	vst v3;
	v3 =	vor.u32 $0x1400, v1  }
0x13f: {  	v4 =	vmul.f32 v8, v4;
	[tilespmem:s24+$0x0] =	vst v45  }
0x140: {  	v50 =	vmul.f32 v6, v5;
	[tilespmem:s24+$0xFFFFFFE0] =	vst v7  }
0x141: {  	[tilespmem:s25+$0x0] =	vst v4  }
0x142: {  	[tilespmem:s25+$0xFFFFFFE0] =	vst v50  }
0x143: {  	v3 =	vld.idx.msk [tilespmem:v3+s20+$0x0], $0xffff;
	_ =	sdelay $0x2  }
0x144: {  	v51 =	vor.u32 $0x1401, v1;
	_ =	sdelay $0x1  }
0x145: {  	v3 =	vadd.f32 $-5.000000000e-01, v3;
	_ =	sdelay $0x1  }
0x146: {  	v52 =	vadd.f32 v3, v3  }
0x147: {  	v4 =	vld.idx.msk [tilespmem:v51+s20+$0x0], $0xffff  }
0x148: {  	vm0 =	vlt.f32 v52, $-5.000000000e-01  }
0x149: {  	vm1 =	vgt.f32 v52, $5.000000000e-01;
	v53 =	vsel vm0, $0xBF800000, v2  }
0x14a: {  	v5 =	vsel vm1, $0x3F800000, v53  }
0x14b: {  	v3 =	vmul.f32 $6.283185480e+00, v3;
	v54 =	vmul.f32 $3.141592740e+00, v5  }
0x14c: {  	v4 =	vadd.f32 $-5.000000000e-01, v4  }
0x14d: {  	v3 =	vsub.f32 v3, v54  }
0x14e: {  	v4 =	vmul.f32 $3.141592740e+00, v4  }
0x14f: {  	v6 =	vmul.f32 v3, v3  }
0x150: {  	v56 =	vmul.f32 v4, v4  }
0x151: {  	v55 =	vmul.f32 $2.315317400e-05, v6  }
0x152: {  	v57 =	vmul.f32 $2.315317400e-05, v56;
	v58 =	vmul.f32 $1.836274900e-04, v6  }
0x153: {  	v7 =	vadd.f32 $-1.385366660e-03, v55  }
0x154: {  	v9 =	vadd.f32 $-1.385366660e-03, v57;
	v10 =	vsub.f32 $8.306286300e-03, v58  }
0x155: {  	v7 =	vmul.f32 v7, v6  }
0x156: {  	v9 =	vmul.f32 v9, v56;
	v10 =	vmul.f32 v10, v6  }
0x157: {  	v7 =	vadd.f32 $4.166357960e-02, v7  }
0x158: {  	v59 =	vmul.f32 $1.836274900e-04, v56;
	v9 =	vadd.f32 $4.166357960e-02, v9;
	v10 =	vadd.f32 $-1.666482390e-01, v10  }
0x159: {  	v60 =	vadd.f32 v5, v5;
	v7 =	vmul.f32 v7, v6  }
0x15a: {  	v11 =	vsub.f32 $8.306286300e-03, v59;
	v9 =	vmul.f32 v9, v56;
	v10 =	vmul.f32 v10, v6  }
0x15b: {  	v5 =	vmul.f32 v60, v5;
	v7 =	vadd.f32 $-4.999990460e-01, v7  }
0x15c: {  	v61 =	vmul.f32 v11, v56;
	v9 =	vadd.f32 $-4.999990460e-01, v9;
	v10 =	vadd.f32 $9.999966020e-01, v10  }
0x15d: {  	v5 =	vsub.f32 $1.000000000e+00, v5;
	v6 =	vmul.f32 v7, v6  }
0x15e: {  	v9 =	vmul.f32 v9, v56;
	v7 =	vadd.f32 $-1.666482390e-01, v61;
	v3 =	vmul.f32 v10, v3  }
0x15f: {  	v6 =	vadd.f32 $9.999999400e-01, v6  }
0x160: {  	v62 =	vadd.f32 $9.999999400e-01, v9;
	v7 =	vmul.f32 v7, v56;
	v3 =	vmul.f32 v3, v5  }
0x161: {  	v6 =	vmul.f32 v6, v5  }
0x162: {  	v63 =	vadd.f32 $9.999966020e-01, v7;
	v3 =	vmul.f32 v3, v62  }
0x163: {  	v6 =	vmul.f32 v6, v62  }
0x164: {  	v4 =	vmul.f32 v63, v4;
	[tilespmem:$0x8480] =	vst v3  }
0x165: {  	[tilespmem:$0x7A00] =	vst v6  }
0x166: {  	[tilespmem:$0x8F00] =	vst v4  }
0x167: {  	_ =	swait.ge [sflag:s22], $0x200  }
0x168: {  	[sflag:s22] =	ssyncset.done $0x0  }
0x169: {  	[sflag:s22] =	ssyncadd.s32 $0xFFFFFE00  }
0x16a: {  	_ =	swait.ge [sflag:s22], $0x200  }
0x16b: {  	[sflag:s22] =	ssyncset.done $0x0  }
0x16c: {  	[sflag:s22] =	ssyncadd.s32 $0xFFFFFE00  }
0x16d: {  	_ =	swait.ge [sflag:s22], $0x200  }
0x16e: {  	[sflag:s22] =	ssyncset.done $0x0  }
0x16f: {  	[sflag:s22] =	ssyncadd.s32 $0xFFFFFE00  }
0x170: {  	_ =	swait.ge [sflag:s22], $0x200  }
0x171: {  	[sflag:s22] =	ssyncset.done $0x0  }
0x172: {  	[sflag:s22] =	ssyncadd.s32 $0xFFFFFE00  }
0x173: {  	_ =	swait.ge [sflag:s22], $0x200  }
0x174: {  	[sflag:s22] =	ssyncset.done $0x0  }
0x175: {  	[sflag:s22] =	ssyncadd.s32 $0xFFFFFE00  }
0x176: {  	_ =	swait.ge [sflag:s22], $0x200  }
0x177: {  	[sflag:s22] =	ssyncset.done $0x0  }
0x178: {  	[sflag:s22] =	ssyncadd.s32 $0xFFFFFE00  }
0x179: {  	_ =	swait.ge [sflag:s22], $0x200  }
0x17a: {  	[sflag:s22] =	ssyncset.done $0x0  }
0x17b: {  	[sflag:s22] =	ssyncadd.s32 $0xFFFFFE00  }
0x17c: {  	s28 =	simm.s32 $0xFFFFFFF8;
	s29 =	simm.s32 $0x9000;
	_ =	swait.ge [sflag:s22], $0x200  }
0x17d: {  	s30 =	simm.s32 $0xCFC0;
	s21 =	simm.s32 $0xDFC0;
	[sflag:s22] =	ssyncset.done $0x0  }
0x17e: {  	s24 =	simm.s32 $0xEFC0;
	s25 =	simm.s32 $0xBFC0;
	[sflag:s22] =	ssyncadd.s32 $0xFFFFFE00  }
.LBB2_6:
0x17f: {  	v3 =	vld [tilespmem:s25+$0xFFFFFFC0];
	_ =	sdelay $0x4  }
0x180: {  	v4 =	vld [tilespmem:s29+$0xFFFFFF80];
	v3 =	vmul.u32 $0x3, v3;
	_ =	sdelay $0x3  }
0x181: {  	v6 =	vadd.s32 $0x1, v3  }
0x182: {  	v7 =	vadd.f32 $-5.000000000e-01, v4  }
0x183: {  	v59 =	vld.idx.msk [tilespmem:v3+s19+$0x0], $0xffff  }
0x184: {  	v61 =	vld [tilespmem:s29+$0x0];
	v8 =	vadd.f32 v7, v7;
	v3 =	vadd.s32 $0x2, v3;
	_ =	sdelay $0x1  }
0x185: {  	vm0 =	vlt.f32 v8, $-5.000000000e-01;
	v0 =	vld.idx.msk [tilespmem:v6+s19+$0x0], $0xffff  }
0x186: {  	vm1 =	vgt.f32 v8, $5.000000000e-01;
	v60 =	vsel vm0, $0xBF800000, v2  }
0x187: {  	v6 =	vsel vm1, $0x3F800000, v60  }
0x188: {  	v7 =	vmul.f32 $6.283185480e+00, v7;
	v8 =	vadd.f32 $-5.000000000e-01, v61;
	v9 =	vmul.f32 $3.141592740e+00, v6;
	v1 =	vld.idx.msk [tilespmem:v3+s19+$0x0], $0xffff;
	_ =	sdelay $0x1  }
0x189: {  	v8 =	vmul.f32 $3.141592740e+00, v8;
	v7 =	vsub.f32 v7, v9;
	v62 =	vld.idx.msk [tilespmem:v59+s31+$0x0], $0xffff  }
0x18a: {  	v10 =	vld.idx.msk [tilespmem:v59+s0+$0x0], $0xffff  }
0x18b: {  	v20 =	vmul.f32 v8, v8;
	v11 =	vmul.f32 v7, v7;
	v12 =	vld.idx.msk [tilespmem:v59+s3+$0x0], $0xffff  }
0x18c: {  	v13 =	vld.idx.msk [tilespmem:v0+s31+$0x0], $0xffff  }
0x18d: {  	v22 =	vmul.f32 $2.315317400e-05, v20;
	v16 =	vmul.f32 $2.315317400e-05, v11;
	v15 =	vld.idx.msk [tilespmem:v0+s0+$0x0], $0xffff  }
0x18e: {  	v17 =	vld.idx.msk [tilespmem:v0+s3+$0x0], $0xffff  }
0x18f: {  	v22 =	vadd.f32 $-1.385366660e-03, v22;
	v16 =	vadd.f32 $-1.385366660e-03, v16;
	v19 =	vld.idx.msk [tilespmem:v1+s0+$0x0], $0xffff  }
0x190: {  	v18 =	vadd.f32 v6, v6;
	v14 =	vmul.f32 $1.836274900e-04, v11;
	v21 =	vld.idx.msk [tilespmem:v1+s3+$0x0], $0xffff  }
0x191: {  	v22 =	vmul.f32 v22, v20;
	v16 =	vmul.f32 v16, v11;
	v63 =	vld.idx.msk [tilespmem:v1+s31+$0x0], $0xffff  }
0x192: {  	v6 =	vmul.f32 v18, v6;
	v14 =	vsub.f32 $8.306286300e-03, v14  }
0x193: {  	v33 =	vmul.f32 $1.836274900e-04, v20;
	v22 =	vadd.f32 $4.166357960e-02, v22;
	v16 =	vadd.f32 $4.166357960e-02, v16  }
0x194: {  	v14 =	vmul.f32 v14, v11;
	v23 =	vsub.f32 v15, v10;
	v24 =	vsub.f32 v17, v12  }
0x195: {  	v22 =	vmul.f32 v22, v20;
	v25 =	vsub.f32 v19, v10;
	v26 =	vsub.f32 v21, v12  }
0x196: {  	v27 =	vsub.f32 v13, v62;
	v16 =	vmul.f32 v16, v11;
	v28 =	vsub.f32 v63, v62  }
0x197: {  	v6 =	vsub.f32 $1.000000000e+00, v6;
	v29 =	vmul.f32 v26, v23;
	v30 =	vmul.f32 v25, v24  }
0x198: {  	v39 =	vsub.f32 $8.306286300e-03, v33;
	v31 =	vmul.f32 v28, v24;
	v32 =	vmul.f32 v26, v27  }
0x199: {  	v14 =	vadd.f32 $-1.666482390e-01, v14;
	v16 =	vadd.f32 $-4.999990460e-01, v16;
	v37 =	vmul.f32 v25, v27  }
0x19a: {  	v38 =	vmul.f32 v28, v23;
	v29 =	vsub.f32 v29, v30;
	v36 =	vsub.f32 v31, v32  }
0x19b: {  	v22 =	vadd.f32 $-4.999990460e-01, v22;
	v14 =	vmul.f32 v14, v11;
	v11 =	vmul.f32 v16, v11  }
0x19c: {  	v31 =	vsub.f32 v37, v38;
	v40 =	vmul.f32 v29, v29;
	v41 =	vmul.f32 v36, v36  }
0x19d: {  	v22 =	vmul.f32 v22, v20;
	v14 =	vadd.f32 $9.999966020e-01, v14;
	v16 =	vmul.f32 v39, v20  }
0x19e: {  	v11 =	vadd.f32 $9.999999400e-01, v11;
	v42 =	vmul.f32 v31, v31;
	v32 =	vadd.f32 v41, v40  }
0x19f: {  	v7 =	vmul.f32 v14, v7;
	v43 =	vadd.f32 $-1.666482390e-01, v16  }
0x1a0: {  	v44 =	vadd.f32 $9.999999400e-01, v22;
	v11 =	vmul.f32 v11, v6;
	v45 =	vadd.f32 v32, v42  }
0x1a1: {  	v6 =	vmul.f32 v7, v6;
	v46 =	vmul.f32 v43, v20  }
0x1a2: {  	v11 =	vmul.f32 v11, v44;
	v47 =	vmax.f32 v45, $1.000000020e-24  }
0x1a3: {  	v7 =	vadd.f32 $9.999966020e-01, v46;
	v6 =	vmul.f32 v6, v44;
	(erf) = vrcp.f32 v47;
	_ =	sdelay $0x1  }
0x1a4: {  	v7 =	vmul.f32 v7, v8;
	v48 =	vsub.f32 v11, v62;
	v6 =	vsub.f32 v6, v10;
	_ =	sdelay $0x1  }
0x1a5: {  	v7 =	vsub.f32 v7, v12;
	v11 =	vmul.f32 v48, v29;
	v49 =	vmul.f32 v6, v36;
	_ =	sdelay $0x1  }
0x1a6: {  	v11 =	vadd.f32 v11, v49;
	v50 =	vmul.f32 v7, v31;
	_ =	sdelay $0x1  }
0x1a7: {  	v11 =	vadd.f32 v11, v50  }
0x1a8: {  	v51 =	vpop (erf)  }
0x1a9: {  	v11 =	vmul.f32 v11, v51;
	_ =	sdelay $0x1  }
0x1aa: {  	v52 =	vmul.f32 v11, v31  }
0x1ab: {  	v14 =	vmul.f32 v11, v36;
	v11 =	vmul.f32 v11, v29  }
0x1ac: {  	v7 =	vsub.f32 v7, v52  }
0x1ad: {  	v6 =	vsub.f32 v6, v14;
	v8 =	vsub.f32 v48, v11  }
0x1ae: {  	v7 =	vadd.f32 v7, v12  }
0x1af: {  	v6 =	vadd.f32 v6, v10;
	v8 =	vadd.f32 v8, v62  }
0x1b0: {  	v53 =	vsub.f32 v7, v12  }
0x1b1: {  	v10 =	vsub.f32 v6, v10;
	v9 =	vsub.f32 v8, v62  }
0x1b2: {  	v54 =	vsub.f32 v63, v13;
	v55 =	vmul.f32 v53, v23  }
0x1b3: {  	v57 =	vsub.f32 v19, v15;
	v56 =	vmul.f32 v10, v24;
	v58 =	vmul.f32 v9, v24  }
0x1b4: {  	[tilespmem:$0x1FE30] =	vst v59;
	v21 =	vsub.f32 v21, v17;
	v47 =	vld [tilespmem:s29+$0x10];
	v59 =	vmul.f32 v53, v27;
	v62 =	vmul.f32 v10, v27  }
0x1b5: {  	v8 =	vsub.f32 v8, v13;
	v63 =	vmul.f32 v9, v23;
	v4 =	vmul.f32 v53, v25  }
0x1b6: {  	v7 =	vsub.f32 v7, v17;
	v5 =	vmul.f32 v10, v26;
	v20 =	vmul.f32 v9, v26  }
0x1b7: {  	v6 =	vsub.f32 v6, v15;
	v11 =	vmul.f32 v53, v28;
	v10 =	vmul.f32 v10, v28  }
0x1b8: {  	v9 =	vmul.f32 v9, v25;
	v22 =	vmul.f32 v7, v57  }
0x1b9: {  	v52 =	vadd.f32 $-5.000000000e-01, v47;
	v23 =	vmul.f32 v6, v21;
	v24 =	vmul.f32 v8, v21  }
0x1ba: {  	v7 =	vmul.f32 v7, v54;
	v60 =	vsub.f32 v55, v56;
	v61 =	vsub.f32 v58, v59  }
0x1bb: {  	v6 =	vmul.f32 v6, v54;
	v15 =	vsub.f32 v62, v63;
	v16 =	vsub.f32 v4, v5  }
0x1bc: {  	v8 =	vmul.f32 v8, v57;
	v27 =	vld [tilespmem:s25+$0xFFFFFFD0];
	v11 =	vsub.f32 v20, v11;
	v9 =	vsub.f32 v10, v9  }
0x1bd: {  	v7 =	vsub.f32 v24, v7;
	v13 =	vmul.f32 v60, v60;
	v14 =	vmul.f32 v61, v61  }
0x1be: {  	v37 =	vld [tilespmem:s29+$0xFFFFFF90];
	v6 =	vsub.f32 v6, v8;
	v16 =	vmul.f32 v16, v16;
	v11 =	vmul.f32 v11, v11  }
0x1bf: {  	v13 =	vadd.f32 v14, v13;
	v14 =	vsub.f32 v22, v23  }
0x1c0: {  	v25 =	vmul.f32 v15, v15;
	v9 =	vmul.f32 v9, v9;
	v11 =	vadd.f32 v11, v16  }
0x1c1: {  	v7 =	vmul.f32 v7, v7;
	v39 =	vmul.u32 $0x3, v27;
	v26 =	vmul.f32 v14, v14  }
0x1c2: {  	v6 =	vmul.f32 v6, v6;
	v10 =	vadd.f32 v13, v25;
	v9 =	vadd.f32 v11, v9  }
0x1c3: {  	v15 =	vadd.f32 $-5.000000000e-01, v37;
	v43 =	vadd.s32 $0x1, v39;
	v7 =	vadd.f32 v7, v26  }
0x1c4: {  	v17 =	vadd.s32 $0x2, v39;
	v28 =	vmax.f32 v10, $1.000000000e-30;
	v30 =	vmax.f32 v9, $1.000000000e-30  }
0x1c5: {  	v34 =	vshra.s32 v30, $0x1;
	v35 =	vmul.f32 $5.000000000e-01, v30;
	v31 =	vadd.f32 v7, v6  }
0x1c6: {  	v29 =	vshra.s32 v28, $0x1;
	v33 =	vmul.f32 $5.000000000e-01, v28;
	v11 =	vsub.s32 $0x5F3759DF, v34  }
0x1c7: {  	[tilespmem:$0x1FE60] =	vst v1;
	v1 =	vld.idx.msk [tilespmem:v39+s19+$0x0], $0xffff;
	v32 =	vsub.s32 $0x5F3759DF, v29;
	v41 =	vmul.f32 v11, v35;
	v36 =	vmax.f32 v31, $1.000000000e-30  }
0x1c8: {  	v3 =	vld.idx.msk [tilespmem:v43+s19+$0x0], $0xffff;
	v40 =	vmul.f32 v32, v33;
	v38 =	vshra.s32 v36, $0x1;
	v13 =	vmul.f32 $5.000000000e-01, v36  }
0x1c9: {  	[tilespmem:$0x1FE50] =	vst v0;
	v55 =	vmul.f32 $3.141592740e+00, v52;
	v18 =	vmul.f32 v11, v41;
	v16 =	vsub.s32 $0x5F3759DF, v38  }
0x1ca: {  	v45 =	vadd.f32 v15, v15;
	v0 =	vld.idx.msk [tilespmem:v17+s19+$0x0], $0xffff;
	v8 =	vmul.f32 v32, v40;
	v42 =	vmul.f32 v16, v13  }
0x1cb: {  	v58 =	vmul.f32 v55, v55;
	v15 =	vmul.f32 $6.283185480e+00, v15;
	v18 =	vsub.f32 $1.500000000e+00, v18  }
0x1cc: {  	vm14 =	vlt.f32 v45, $-5.000000000e-01;
	v44 =	vsub.f32 $1.500000000e+00, v8;
	v19 =	vmul.f32 v16, v42  }
0x1cd: {  	vm15 =	vgt.f32 v45, $5.000000000e-01;
	v46 =	vsel vm14, $0xBF800000, v2;
	v11 =	vmul.f32 v11, v18  }
0x1ce: {  	v21 =	vmul.f32 v32, v44;
	v18 =	vsel vm15, $0x3F800000, v46;
	v19 =	vsub.f32 $1.500000000e+00, v19  }
0x1cf: {  	v22 =	vld.idx.msk [tilespmem:v1+s0+$0x0], $0xffff;
	v48 =	vmul.f32 $3.141592740e+00, v18;
	v12 =	vmul.f32 v11, v35  }
0x1d0: {  	v24 =	vld.idx.msk [tilespmem:v3+s0+$0x0], $0xffff;
	v7 =	vmul.f32 v21, v33;
	v16 =	vmul.f32 v16, v19  }
0x1d1: {  	v63 =	vmul.f32 $2.315317400e-05, v58;
	v20 =	vld.idx.msk [tilespmem:v1+s31+$0x0], $0xffff;
	v15 =	vsub.f32 v15, v48;
	v12 =	vmul.f32 v12, v11  }
0x1d2: {  	v61 =	vld.idx.msk [tilespmem:v0+s31+$0x0], $0xffff;
	v49 =	vmul.f32 v7, v21;
	v13 =	vmul.f32 v16, v13  }
0x1d3: {  	v5 =	vadd.f32 $-1.385366660e-03, v63;
	v51 =	vmul.f32 v15, v15;
	v12 =	vsub.f32 $1.500000000e+00, v12  }
0x1d4: {  	v40 =	vmul.f32 $1.836274900e-04, v58;
	v27 =	vld.idx.msk [tilespmem:v0+s0+$0x0], $0xffff;
	v50 =	vsub.f32 $1.500000000e+00, v49;
	v13 =	vmul.f32 v13, v16  }
0x1d5: {  	v28 =	vld.idx.msk [tilespmem:v0+s3+$0x0], $0xffff;
	v30 =	vsub.f32 v24, v22;
	v54 =	vmul.f32 $2.315317400e-05, v51;
	v11 =	vmul.f32 v12, v11  }
0x1d6: {  	v53 =	vmul.f32 $1.836274900e-04, v51;
	v17 =	vmul.f32 v50, v21;
	v21 =	vld.idx.msk [tilespmem:v1+s3+$0x0], $0xffff;
	v13 =	vsub.f32 $1.500000000e+00, v13  }
0x1d7: {  	[tilespmem:$0x1FE70] =	vst v1;
	v35 =	vsub.f32 v61, v20;
	v57 =	vadd.f32 $-1.385366660e-03, v54;
	v1 =	vmul.f32 v11, v9;
	v9 =	vld.idx.msk [tilespmem:v3+s3+$0x0], $0xffff  }
0x1d8: {  	v56 =	vadd.f32 v18, v18;
	v19 =	vsub.f32 $8.306286300e-03, v53;
	v13 =	vmul.f32 v13, v16;
	v16 =	vld.idx.msk [tilespmem:v3+s31+$0x0], $0xffff  }
0x1d9: {  	v44 =	vsub.f32 $8.306286300e-03, v40;
	v43 =	vmul.f32 v35, v30;
	v62 =	vmul.f32 v57, v51  }
0x1da: {  	v32 =	vsub.f32 v27, v22;
	v11 =	vmul.f32 v56, v18;
	v59 =	vmul.f32 v19, v51  }
0x1db: {  	v4 =	vadd.f32 $4.166357960e-02, v62;
	v33 =	vsub.f32 v28, v21;
	v14 =	vmul.f32 v13, v31  }
0x1dc: {  	v13 =	vmul.f32 v17, v10;
	v17 =	vmul.f32 v5, v58;
	v6 =	vsub.f32 v9, v21  }
0x1dd: {  	v18 =	vadd.f32 $-1.666482390e-01, v59;
	v10 =	vmul.f32 v4, v51;
	v34 =	vsub.f32 v16, v20  }
0x1de: {  	v36 =	vmul.f32 v33, v30;
	v17 =	vadd.f32 $4.166357960e-02, v17;
	v37 =	vmul.f32 v32, v6  }
0x1df: {  	v11 =	vsub.f32 $1.000000000e+00, v11;
	v38 =	vmul.f32 v35, v6;
	v39 =	vmul.f32 v33, v34  }
0x1e0: {  	v18 =	vmul.f32 v18, v51;
	v10 =	vadd.f32 $-4.999990460e-01, v10;
	v17 =	vmul.f32 v17, v58  }
0x1e1: {  	v36 =	vsub.f32 v36, v37;
	v42 =	vmul.f32 v32, v34;
	v7 =	vsub.f32 v38, v39  }
0x1e2: {  	v60 =	vadd.f32 v1, v14;
	v10 =	vmul.f32 v10, v51;
	v17 =	vadd.f32 $-4.999990460e-01, v17  }
0x1e3: {  	v38 =	vsub.f32 v42, v43;
	v45 =	vmul.f32 v36, v36;
	v46 =	vmul.f32 v7, v7  }
0x1e4: {  	v23 =	vmul.f32 v44, v58;
	v18 =	vadd.f32 $9.999966020e-01, v18;
	v10 =	vadd.f32 $9.999999400e-01, v10  }
0x1e5: {  	v17 =	vmul.f32 v17, v58;
	v47 =	vmul.f32 v38, v38;
	v39 =	vadd.f32 v46, v45  }
0x1e6: {  	v48 =	vadd.f32 $-1.666482390e-01, v23;
	v19 =	vadd.f32 v60, v13;
	v15 =	vmul.f32 v18, v15  }
0x1e7: {  	v10 =	vmul.f32 v10, v11;
	v17 =	vadd.f32 $9.999999400e-01, v17;
	v49 =	vadd.f32 v39, v47  }
0x1e8: {  	v50 =	vmul.f32 v48, v58;
	v19 =	vmax.f32 v19, $1.000000000e-30;
	v11 =	vmul.f32 v15, v11  }
0x1e9: {  	(erf) = vrcp.f32 v19;
	v10 =	vmul.f32 v10, v17;
	v51 =	vmax.f32 v49, $1.000000020e-24  }
0x1ea: {  	v15 =	vadd.f32 $9.999966020e-01, v50;
	v11 =	vmul.f32 v11, v17;
	(erf) = vrcp.f32 v51;
	_ =	sdelay $0x1  }
0x1eb: {  	v15 =	vmul.f32 v15, v55;
	v10 =	vsub.f32 v10, v20;
	v11 =	vsub.f32 v11, v22;
	_ =	sdelay $0x1  }
0x1ec: {  	v15 =	vsub.f32 v15, v21;
	v52 =	vmul.f32 v10, v36;
	v53 =	vmul.f32 v11, v7;
	_ =	sdelay $0x1  }
0x1ed: {  	v54 =	vmul.f32 v15, v38;
	v17 =	vadd.f32 v52, v53;
	_ =	sdelay $0x1  }
0x1ee: {  	v18 =	vpop (erf);
	v17 =	vadd.f32 v17, v54  }
0x1ef: {  	v55 =	vpop (erf)  }
0x1f0: {  	v17 =	vmul.f32 v17, v55;
	_ =	sdelay $0x1  }
0x1f1: {  	v56 =	vmul.f32 v17, v38  }
0x1f2: {  	v19 =	vmul.f32 v17, v7;
	v17 =	vmul.f32 v17, v36  }
0x1f3: {  	v15 =	vsub.f32 v15, v56  }
0x1f4: {  	v11 =	vsub.f32 v11, v19;
	v10 =	vsub.f32 v10, v17  }
0x1f5: {  	v15 =	vadd.f32 v15, v21  }
0x1f6: {  	v11 =	vadd.f32 v11, v22;
	v10 =	vadd.f32 v10, v20  }
0x1f7: {  	v58 =	vsub.f32 v15, v21  }
0x1f8: {  	v57 =	vsub.f32 v11, v22;
	v20 =	vsub.f32 v10, v20  }
0x1f9: {  	v62 =	vsub.f32 v27, v24;
	v60 =	vmul.f32 v58, v30  }
0x1fa: {  	v59 =	vsub.f32 v61, v16;
	v61 =	vmul.f32 v57, v6;
	v63 =	vmul.f32 v20, v6  }
0x1fb: {  	v28 =	vsub.f32 v28, v9;
	v4 =	vmul.f32 v58, v34;
	v7 =	vmul.f32 v57, v34  }
0x1fc: {  	v10 =	vsub.f32 v10, v16;
	v29 =	vmul.f32 v20, v30;
	v36 =	vmul.f32 v58, v32  }
0x1fd: {  	v9 =	vsub.f32 v15, v9;
	v37 =	vmul.f32 v57, v33;
	v38 =	vmul.f32 v20, v33  }
0x1fe: {  	v11 =	vsub.f32 v11, v24;
	v19 =	vmul.f32 v58, v35;
	v17 =	vmul.f32 v57, v35  }
0x1ff: {  	v20 =	vmul.f32 v20, v32;
	v39 =	vmul.f32 v9, v62  }
0x200: {  	v40 =	vmul.f32 v11, v28;
	v41 =	vmul.f32 v10, v28  }
0x201: {  	v50 =	vld [tilespmem:s25+$0xFFFFFFE0];
	v9 =	vmul.f32 v9, v59;
	v5 =	vsub.f32 v60, v61;
	v6 =	vsub.f32 v63, v4  }
0x202: {  	v11 =	vmul.f32 v11, v59;
	v34 =	vsub.f32 v7, v29;
	v23 =	vsub.f32 v36, v37  }
0x203: {  	v10 =	vmul.f32 v10, v62;
	v16 =	vsub.f32 v38, v19;
	v17 =	vsub.f32 v17, v20  }
0x204: {  	v19 =	vsub.f32 v39, v40;
	v9 =	vsub.f32 v41, v9;
	v30 =	vmul.f32 v5, v5  }
0x205: {  	v10 =	vsub.f32 v11, v10;
	v31 =	vmul.f32 v6, v6;
	v23 =	vmul.f32 v23, v23  }
0x206: {  	v59 =	vld [tilespmem:s29+$0xFFFFFFA0];
	v11 =	vmul.u32 $0x3, v50;
	v16 =	vmul.f32 v16, v16;
	v42 =	vmul.f32 v34, v34  }
0x207: {  	v43 =	vmul.f32 v19, v19;
	v9 =	vmul.f32 v9, v9  }
0x208: {  	v17 =	vmul.f32 v17, v17;
	v15 =	vadd.f32 v31, v30;
	v16 =	vadd.f32 v16, v23  }
0x209: {  	v10 =	vmul.f32 v10, v10;
	v9 =	vadd.f32 v9, v43  }
0x20a: {  	v44 =	vadd.f32 v15, v42;
	v45 =	vadd.f32 v16, v17  }
0x20b: {  	v5 =	vadd.s32 $0x1, v11;
	v22 =	vadd.f32 $-5.000000000e-01, v59;
	v54 =	vadd.f32 v9, v10  }
0x20c: {  	[tilespmem:$0x1FEC0] =	vst v0;
	v0 =	vld.idx.msk [tilespmem:v11+s19+$0x0], $0xffff;
	v11 =	vadd.s32 $0x2, v11;
	v51 =	vmax.f32 v44, $1.000000000e-30;
	v53 =	vmax.f32 v45, $1.000000000e-30  }
0x20d: {  	v58 =	vmax.f32 v54, $1.000000000e-30;
	v52 =	vshra.s32 v51, $0x1;
	v16 =	vmul.f32 $5.000000000e-01, v51  }
0x20e: {  	v56 =	vshra.s32 v53, $0x1;
	v20 =	vmul.f32 $5.000000000e-01, v53;
	v60 =	vshra.s32 v58, $0x1  }
0x20f: {  	v61 =	vmul.f32 $5.000000000e-01, v58;
	v55 =	vsub.s32 $0x5F3759DF, v52;
	v57 =	vsub.s32 $0x5F3759DF, v56  }
0x210: {  	[tilespmem:$0x1FE80] =	vst v3;
	v23 =	vsub.s32 $0x5F3759DF, v60;
	v62 =	vmul.f32 v55, v16;
	v63 =	vmul.f32 v57, v20  }
0x211: {  	[tilespmem:$0x1FE40] =	vst v1;
	v1 =	vld.idx.msk [tilespmem:v5+s19+$0x0], $0xffff;
	v4 =	vmul.f32 v23, v61  }
0x212: {  	v7 =	vadd.f32 v22, v22;
	v3 =	vld.idx.msk [tilespmem:v11+s19+$0x0], $0xffff;
	v9 =	vmul.f32 v55, v62;
	v25 =	vmul.f32 v57, v63  }
0x213: {  	v22 =	vmul.f32 $6.283185480e+00, v22;
	v26 =	vmul.f32 v23, v4  }
0x214: {  	vm4 =	vlt.f32 v7, $-5.000000000e-01;
	v6 =	vsub.f32 $1.500000000e+00, v9;
	v25 =	vsub.f32 $1.500000000e+00, v25  }
0x215: {  	vm5 =	vgt.f32 v7, $5.000000000e-01;
	v8 =	vsel vm4, $0xBF800000, v2;
	v26 =	vsub.f32 $1.500000000e+00, v26;
	v9 =	vld [tilespmem:s29+$0x20]  }
0x216: {  	v28 =	vmul.f32 v55, v6;
	v17 =	vmul.f32 v57, v25;
	v25 =	vsel vm5, $0x3F800000, v8  }
0x217: {  	v23 =	vmul.f32 v23, v26;
	v10 =	vmul.f32 $3.141592740e+00, v25  }
0x218: {  	v29 =	vld.idx.msk [tilespmem:v0+s0+$0x0], $0xffff;
	v16 =	vmul.f32 v28, v16;
	v20 =	vmul.f32 v17, v20  }
0x219: {  	v31 =	vld.idx.msk [tilespmem:v1+s0+$0x0], $0xffff;
	v24 =	vmul.f32 v23, v61;
	v22 =	vsub.f32 v22, v10  }
0x21a: {  	v21 =	vld.idx.msk [tilespmem:v3+s0+$0x0], $0xffff;
	v47 =	vadd.f32 $-5.000000000e-01, v9;
	v16 =	vmul.f32 v16, v28;
	v20 =	vmul.f32 v20, v17  }
0x21b: {  	v27 =	vld.idx.msk [tilespmem:v0+s31+$0x0], $0xffff;
	v51 =	vadd.f32 v25, v25;
	v24 =	vmul.f32 v24, v23;
	v12 =	vmul.f32 v22, v22  }
0x21c: {  	v56 =	vld.idx.msk [tilespmem:v3+s31+$0x0], $0xffff;
	v50 =	vmul.f32 $3.141592740e+00, v47;
	v16 =	vsub.f32 $1.500000000e+00, v16;
	v20 =	vsub.f32 $1.500000000e+00, v20  }
0x21d: {  	v24 =	vsub.f32 $1.500000000e+00, v24;
	v48 =	vmul.f32 $1.836274900e-04, v12;
	v49 =	vmul.f32 $2.315317400e-05, v12  }
0x21e: {  	v34 =	vld.idx.msk [tilespmem:v1+s3+$0x0], $0xffff;
	v61 =	vsub.f32 v31, v29;
	v53 =	vmul.f32 v50, v50;
	v28 =	vmul.f32 v16, v28  }
0x21f: {  	v35 =	vld.idx.msk [tilespmem:v3+s3+$0x0], $0xffff;
	v63 =	vsub.f32 v21, v29;
	v46 =	vmul.f32 v20, v17;
	v23 =	vmul.f32 v24, v23  }
0x220: {  	v20 =	vld.idx.msk [tilespmem:v0+s3+$0x0], $0xffff;
	v17 =	vmul.f32 v51, v25;
	v52 =	vadd.f32 $-1.385366660e-03, v49;
	v57 =	vmul.f32 $2.315317400e-05, v53  }
0x221: {  	[tilespmem:$0x1FEE0] =	vst v0;
	v42 =	vsub.f32 v56, v27;
	v24 =	vld.idx.msk [tilespmem:v1+s31+$0x0], $0xffff;
	v47 =	vmul.f32 $1.836274900e-04, v53;
	v0 =	vmul.f32 v46, v45  }
0x222: {  	[tilespmem:$0x1FEF0] =	vst v1;
	v26 =	vsub.f32 $8.306286300e-03, v48;
	v1 =	vmul.f32 v23, v54;
	v23 =	vmul.f32 v52, v12  }
0x223: {  	v7 =	vmul.f32 v42, v61;
	v58 =	vsub.f32 $1.000000000e+00, v17;
	v60 =	vadd.f32 $-1.385366660e-03, v57  }
0x224: {  	v54 =	vmul.f32 v26, v12;
	v55 =	vadd.f32 v0, v1;
	v59 =	vadd.f32 $4.166357960e-02, v23  }
0x225: {  	[tilespmem:$0x1FEB0] =	vst v0;
	v0 =	vmul.f32 v28, v44;
	v62 =	vsub.f32 v34, v20;
	v4 =	vsub.f32 v35, v20  }
0x226: {  	v23 =	vmul.f32 v60, v53;
	v41 =	vsub.f32 v24, v27;
	v19 =	vmul.f32 v59, v12  }
0x227: {  	v8 =	vsub.f32 $8.306286300e-03, v47;
	v43 =	vmul.f32 v4, v61;
	v44 =	vmul.f32 v63, v62  }
0x228: {  	v23 =	vadd.f32 $4.166357960e-02, v23;
	v45 =	vmul.f32 v42, v62;
	v46 =	vmul.f32 v4, v41  }
0x229: {  	v25 =	vadd.f32 $-1.666482390e-01, v54;
	v6 =	vmul.f32 v63, v41;
	v19 =	vadd.f32 $-4.999990460e-01, v19  }
0x22a: {  	v23 =	vmul.f32 v23, v53;
	v43 =	vsub.f32 v43, v44;
	v5 =	vsub.f32 v45, v46  }
0x22b: {  	v25 =	vmul.f32 v25, v12;
	v45 =	vsub.f32 v6, v7;
	v19 =	vmul.f32 v19, v12  }
0x22c: {  	v23 =	vadd.f32 $-4.999990460e-01, v23;
	v9 =	vmul.f32 v43, v43;
	v10 =	vmul.f32 v5, v5  }
0x22d: {  	v30 =	vmul.f32 v8, v53;
	v25 =	vadd.f32 $9.999966020e-01, v25;
	v11 =	vmul.f32 v45, v45  }
0x22e: {  	v19 =	vadd.f32 $9.999999400e-01, v19;
	v23 =	vmul.f32 v23, v53;
	v46 =	vadd.f32 v10, v9  }
0x22f: {  	v26 =	vadd.f32 v55, v0;
	v22 =	vmul.f32 v25, v22;
	v12 =	vadd.f32 $-1.666482390e-01, v30  }
0x230: {  	v19 =	vmul.f32 v19, v58;
	v23 =	vadd.f32 $9.999999400e-01, v23;
	v15 =	vadd.f32 v46, v11  }
0x231: {  	v26 =	vmax.f32 v26, $1.000000000e-30;
	v22 =	vmul.f32 v22, v58;
	v25 =	vmul.f32 v12, v53  }
0x232: {  	(erf) = vrcp.f32 v26;
	v19 =	vmul.f32 v19, v23;
	v32 =	vmax.f32 v15, $1.000000020e-24  }
0x233: {  	v25 =	vadd.f32 $9.999966020e-01, v25;
	v22 =	vmul.f32 v22, v23;
	(erf) = vrcp.f32 v32;
	_ =	sdelay $0x1  }
0x234: {  	v33 =	vmul.f32 v25, v50;
	v19 =	vsub.f32 v19, v27;
	v38 =	vsub.f32 v22, v29;
	_ =	sdelay $0x1  }
0x235: {  	v23 =	vsub.f32 v33, v20;
	v46 =	vmul.f32 v19, v43;
	v47 =	vmul.f32 v38, v5;
	_ =	sdelay $0x1  }
0x236: {  	v48 =	vmul.f32 v23, v45;
	v26 =	vadd.f32 v46, v47;
	_ =	sdelay $0x1  }
0x237: {  	[tilespmem:$0x1FED0] =	vst v0;
	v0 =	vpop (erf);
	v26 =	vadd.f32 v26, v48  }
0x238: {  	v49 =	vpop (erf)  }
0x239: {  	v26 =	vmul.f32 v26, v49;
	_ =	sdelay $0x1  }
0x23a: {  	v50 =	vmul.f32 v26, v45  }
0x23b: {  	v30 =	vmul.f32 v26, v5;
	v26 =	vmul.f32 v26, v43  }
0x23c: {  	v23 =	vsub.f32 v23, v50  }
0x23d: {  	v25 =	vsub.f32 v38, v30;
	v19 =	vsub.f32 v19, v26  }
0x23e: {  	v23 =	vadd.f32 v23, v20  }
0x23f: {  	v10 =	vld [tilespmem:s25+$0xFFFFFFF0];
	v25 =	vadd.f32 v25, v29;
	v19 =	vadd.f32 v19, v27  }
0x240: {  	v20 =	vsub.f32 v23, v20  }
0x241: {  	v51 =	vsub.f32 v25, v29;
	v27 =	vsub.f32 v19, v27  }
0x242: {  	v21 =	vsub.f32 v21, v31;
	v52 =	vsub.f32 v56, v24;
	v53 =	vmul.f32 v20, v61  }
0x243: {  	v35 =	vsub.f32 v35, v34;
	v46 =	vld [tilespmem:s29+$0xFFFFFFB0];
	v54 =	vmul.f32 v51, v62;
	v55 =	vmul.f32 v27, v62  }
0x244: {  	v48 =	vmul.u32 $0x3, v10;
	v56 =	vmul.f32 v20, v41;
	v59 =	vmul.f32 v51, v41  }
0x245: {  	v19 =	vsub.f32 v19, v24;
	v28 =	vmul.f32 v27, v61;
	v60 =	vmul.f32 v20, v63  }
0x246: {  	v23 =	vsub.f32 v23, v34;
	v61 =	vmul.f32 v51, v4;
	v62 =	vmul.f32 v27, v4  }
0x247: {  	v25 =	vsub.f32 v25, v31;
	v20 =	vmul.f32 v20, v42;
	v26 =	vmul.f32 v51, v42  }
0x248: {  	v29 =	vadd.f32 $-5.000000000e-01, v46;
	v27 =	vmul.f32 v27, v63;
	v63 =	vmul.f32 v23, v21  }
0x249: {  	v4 =	vmul.f32 v25, v35;
	v5 =	vmul.f32 v19, v35;
	v57 =	vsub.f32 v53, v54  }
0x24a: {  	v23 =	vmul.f32 v23, v52;
	v58 =	vsub.f32 v55, v56;
	v28 =	vsub.f32 v59, v28  }
0x24b: {  	v25 =	vmul.f32 v25, v52;
	v31 =	vsub.f32 v60, v61;
	v20 =	vsub.f32 v62, v20  }
0x24c: {  	v26 =	vsub.f32 v26, v27;
	v24 =	vmul.f32 v57, v57;
	v30 =	vmul.f32 v58, v58  }
0x24d: {  	v23 =	vsub.f32 v5, v23;
	v31 =	vmul.f32 v31, v31;
	v20 =	vmul.f32 v20, v20  }
0x24e: {  	v19 =	vmul.f32 v19, v21;
	v24 =	vadd.f32 v30, v24;
	v30 =	vsub.f32 v63, v4  }
0x24f: {  	v6 =	vmul.f32 v28, v28;
	v26 =	vmul.f32 v26, v26;
	v20 =	vadd.f32 v20, v31  }
0x250: {  	v19 =	vsub.f32 v25, v19;
	v23 =	vmul.f32 v23, v23;
	v7 =	vmul.f32 v30, v30  }
0x251: {  	v27 =	vadd.f32 v24, v6;
	v8 =	vadd.f32 v20, v26  }
0x252: {  	v52 =	vadd.s32 $0x1, v48;
	v19 =	vmul.f32 v19, v19;
	v9 =	vadd.f32 v23, v7  }
0x253: {  	v55 =	vadd.s32 $0x2, v48;
	v11 =	vmax.f32 v27, $1.000000000e-30;
	v26 =	vmax.f32 v8, $1.000000000e-30  }
0x254: {  	v12 =	vshra.s32 v11, $0x1;
	v42 =	vmul.f32 $5.000000000e-01, v11;
	v15 =	vadd.f32 v9, v19  }
0x255: {  	v43 =	vshra.s32 v26, $0x1;
	v44 =	vmul.f32 $5.000000000e-01, v26;
	v41 =	vsub.s32 $0x5F3759DF, v12  }
0x256: {  	v23 =	vsub.s32 $0x5F3759DF, v43;
	v49 =	vmul.f32 v41, v42;
	v45 =	vmax.f32 v15, $1.000000000e-30  }
0x257: {  	v50 =	vmul.f32 v23, v44;
	v47 =	vshra.s32 v45, $0x1;
	v26 =	vmul.f32 $5.000000000e-01, v45  }
0x258: {  	[tilespmem:$0x1FE90] =	vst v1;
	v1 =	vld.idx.msk [tilespmem:v48+s19+$0x0], $0xffff;
	v21 =	vmul.f32 v41, v49;
	v30 =	vsub.s32 $0x5F3759DF, v47  }
0x259: {  	v54 =	vadd.f32 v29, v29;
	v58 =	vld [tilespmem:s29+$0x30];
	v32 =	vmul.f32 v23, v50;
	v51 =	vmul.f32 v30, v26  }
0x25a: {  	v53 =	vsub.f32 $1.500000000e+00, v21  }
0x25b: {  	[tilespmem:$0x1FEA0] =	vst v0;
	vm6 =	vlt.f32 v54, $-5.000000000e-01;
	v0 =	vld.idx.msk [tilespmem:v55+s19+$0x0], $0xffff;
	v32 =	vsub.f32 $1.500000000e+00, v32;
	v33 =	vmul.f32 v30, v51  }
0x25c: {  	[tilespmem:$0x1FF40] =	vst v3;
	vm7 =	vgt.f32 v54, $5.000000000e-01;
	v3 =	vld.idx.msk [tilespmem:v52+s19+$0x0], $0xffff;
	v57 =	vsel vm6, $0xBF800000, v2;
	v35 =	vmul.f32 v41, v53  }
0x25d: {  	v23 =	vmul.f32 v23, v32;
	v32 =	vsel vm7, $0x3F800000, v57;
	v33 =	vsub.f32 $1.500000000e+00, v33  }
0x25e: {  	v29 =	vmul.f32 $6.283185480e+00, v29;
	v61 =	vadd.f32 $-5.000000000e-01, v58;
	v59 =	vmul.f32 $3.141592740e+00, v32  }
0x25f: {  	v56 =	vmul.f32 v35, v42;
	v30 =	vmul.f32 v30, v33  }
0x260: {  	v6 =	vmul.f32 $3.141592740e+00, v61;
	v25 =	vmul.f32 v23, v44;
	v29 =	vsub.f32 v29, v59  }
0x261: {  	v34 =	vld.idx.msk [tilespmem:v1+s31+$0x0], $0xffff;
	v31 =	vmul.f32 v56, v35;
	v26 =	vmul.f32 v30, v26  }
0x262: {  	v36 =	vld.idx.msk [tilespmem:v1+s0+$0x0], $0xffff;
	v25 =	vmul.f32 v25, v23;
	v60 =	vmul.f32 v29, v29  }
0x263: {  	v9 =	vmul.f32 v6, v6;
	v12 =	vld.idx.msk [tilespmem:v0+s31+$0x0], $0xffff;
	v26 =	vmul.f32 v26, v30  }
0x264: {  	v41 =	vld.idx.msk [tilespmem:v3+s3+$0x0], $0xffff;
	v31 =	vsub.f32 $1.500000000e+00, v31;
	v25 =	vsub.f32 $1.500000000e+00, v25;
	v62 =	vmul.f32 $1.836274900e-04, v60  }
0x265: {  	v54 =	vmul.f32 $1.836274900e-04, v9;
	v42 =	vld.idx.msk [tilespmem:v0+s3+$0x0], $0xffff;
	v63 =	vmul.f32 $2.315317400e-05, v60;
	v26 =	vsub.f32 $1.500000000e+00, v26  }
0x266: {  	v31 =	vmul.f32 v31, v35;
	v23 =	vmul.f32 v25, v23;
	v35 =	vld.idx.msk [tilespmem:v1+s3+$0x0], $0xffff;
	v33 =	vsub.f32 $8.306286300e-03, v62  }
0x267: {  	[tilespmem:$0x1FF50] =	vst v1;
	v38 =	vld.idx.msk [tilespmem:v3+s0+$0x0], $0xffff;
	v57 =	vsub.f32 $8.306286300e-03, v54;
	v7 =	vadd.f32 v32, v32;
	v26 =	vmul.f32 v26, v30  }
0x268: {  	[tilespmem:$0x1FF60] =	vst v3;
	v1 =	vmul.f32 v23, v8;
	v8 =	vadd.f32 $-1.385366660e-03, v63;
	v10 =	vmul.f32 v33, v60;
	v30 =	vld.idx.msk [tilespmem:v3+s31+$0x0], $0xffff  }
0x269: {  	v49 =	vsub.f32 v12, v34;
	v23 =	vmul.f32 v7, v32;
	v3 =	vmul.f32 v26, v15;
	v26 =	vld.idx.msk [tilespmem:v0+s0+$0x0], $0xffff  }
0x26a: {  	v28 =	vmul.f32 v8, v60;
	v32 =	vadd.f32 $-1.666482390e-01, v10;
	v15 =	vmul.f32 $2.315317400e-05, v9  }
0x26b: {  	v21 =	vsub.f32 v41, v35;
	v47 =	vsub.f32 v42, v35  }
0x26c: {  	[tilespmem:$0x1FF70] =	vst v0;
	v0 =	vmul.f32 v31, v27;
	v17 =	vadd.f32 $4.166357960e-02, v28;
	v19 =	vadd.f32 $-1.385366660e-03, v15  }
0x26d: {  	v20 =	vmul.f32 v32, v60;
	v32 =	vsub.f32 v38, v36;
	v52 =	vmul.f32 v49, v21  }
0x26e: {  	v48 =	vsub.f32 v30, v34;
	v28 =	vmul.f32 v19, v9;
	v46 =	vsub.f32 v26, v36  }
0x26f: {  	v16 =	vsub.f32 $1.000000000e+00, v23;
	v27 =	vmul.f32 v17, v60;
	v50 =	vmul.f32 v47, v32  }
0x270: {  	v53 =	vmul.f32 v47, v48;
	v28 =	vadd.f32 $4.166357960e-02, v28;
	v51 =	vmul.f32 v46, v21  }
0x271: {  	v56 =	vmul.f32 v49, v32;
	v27 =	vadd.f32 $-4.999990460e-01, v27;
	v23 =	vmul.f32 v46, v48  }
0x272: {  	v22 =	vsub.f32 v52, v53;
	v28 =	vmul.f32 v28, v9;
	v50 =	vsub.f32 v50, v51  }
0x273: {  	v11 =	vadd.f32 v1, v3;
	v27 =	vmul.f32 v27, v60;
	v52 =	vsub.f32 v23, v56  }
0x274: {  	v59 =	vmul.f32 v22, v22;
	v28 =	vadd.f32 $-4.999990460e-01, v28;
	v58 =	vmul.f32 v50, v50  }
0x275: {  	v37 =	vmul.f32 v57, v9;
	v31 =	vadd.f32 $9.999966020e-01, v20;
	v27 =	vadd.f32 $9.999999400e-01, v27  }
0x276: {  	v60 =	vmul.f32 v52, v52;
	v28 =	vmul.f32 v28, v9;
	v53 =	vadd.f32 v59, v58  }
0x277: {  	v61 =	vadd.f32 $-1.666482390e-01, v37;
	v33 =	vadd.f32 v11, v0;
	v29 =	vmul.f32 v31, v29  }
0x278: {  	v27 =	vmul.f32 v27, v16;
	v28 =	vadd.f32 $9.999999400e-01, v28;
	v62 =	vadd.f32 v53, v60  }
0x279: {  	v31 =	vmul.f32 v61, v9;
	v33 =	vmax.f32 v33, $1.000000000e-30;
	v29 =	vmul.f32 v29, v16  }
0x27a: {  	(erf) = vrcp.f32 v33;
	v27 =	vmul.f32 v27, v28;
	v63 =	vmax.f32 v62, $1.000000020e-24  }
0x27b: {  	v31 =	vadd.f32 $9.999966020e-01, v31;
	v28 =	vmul.f32 v29, v28;
	(erf) = vrcp.f32 v63;
	_ =	sdelay $0x1  }
0x27c: {  	v4 =	vmul.f32 v31, v6;
	v27 =	vsub.f32 v27, v34;
	v28 =	vsub.f32 v28, v36;
	_ =	sdelay $0x1  }
0x27d: {  	v31 =	vsub.f32 v4, v35;
	v5 =	vmul.f32 v27, v50;
	v6 =	vmul.f32 v28, v22;
	_ =	sdelay $0x1  }
0x27e: {  	v7 =	vmul.f32 v31, v52;
	v33 =	vadd.f32 v5, v6;
	_ =	sdelay $0x1  }
0x27f: {  	[tilespmem:$0x1FF30] =	vst v0;
	v0 =	vpop (erf);
	v33 =	vadd.f32 v33, v7  }
0x280: {  	v8 =	vpop (erf)  }
0x281: {  	v33 =	vmul.f32 v33, v8;
	_ =	sdelay $0x1  }
0x282: {  	v37 =	vmul.f32 v33, v22;
	v9 =	vmul.f32 v33, v52  }
0x283: {  	v33 =	vmul.f32 v33, v50  }
0x284: {  	v28 =	vsub.f32 v28, v37;
	v31 =	vsub.f32 v31, v9  }
0x285: {  	v27 =	vsub.f32 v27, v33  }
0x286: {  	v28 =	vadd.f32 v28, v36;
	v31 =	vadd.f32 v31, v35  }
0x287: {  	v27 =	vadd.f32 v27, v34  }
0x288: {  	v10 =	vsub.f32 v28, v36;
	v35 =	vsub.f32 v31, v35  }
0x289: {  	v34 =	vsub.f32 v27, v34  }
0x28a: {  	v11 =	vsub.f32 v12, v30;
	v12 =	vmul.f32 v35, v32;
	v15 =	vmul.f32 v10, v21  }
0x28b: {  	v42 =	vsub.f32 v42, v41;
	v50 =	vld [tilespmem:s25+$0x0];
	v16 =	vmul.f32 v34, v21;
	v17 =	vmul.f32 v35, v48  }
0x28c: {  	v26 =	vsub.f32 v26, v38;
	v59 =	vld [tilespmem:s29+$0xFFFFFFC0];
	v21 =	vmul.f32 v10, v48;
	v32 =	vmul.f32 v34, v32  }
0x28d: {  	v28 =	vsub.f32 v28, v38;
	v22 =	vmul.f32 v35, v46;
	v23 =	vmul.f32 v10, v47  }
0x28e: {  	v31 =	vsub.f32 v31, v41;
	v24 =	vmul.f32 v34, v47;
	v35 =	vmul.f32 v35, v49  }
0x28f: {  	v27 =	vsub.f32 v27, v30;
	v33 =	vmul.f32 v10, v49;
	v34 =	vmul.f32 v34, v46  }
0x290: {  	v61 =	vmul.u32 $0x3, v50;
	v25 =	vmul.f32 v31, v26;
	v43 =	vmul.f32 v28, v42  }
0x291: {  	v36 =	vadd.f32 $-5.000000000e-01, v59;
	v44 =	vmul.f32 v27, v42;
	v31 =	vmul.f32 v31, v11  }
0x292: {  	v28 =	vmul.f32 v28, v11;
	v19 =	vsub.f32 v12, v15;
	v20 =	vsub.f32 v16, v17  }
0x293: {  	v26 =	vmul.f32 v27, v26;
	v38 =	vsub.f32 v22, v23;
	v35 =	vsub.f32 v24, v35  }
0x294: {  	v32 =	vsub.f32 v21, v32;
	v30 =	vmul.f32 v19, v19;
	v37 =	vmul.f32 v20, v20  }
0x295: {  	v33 =	vsub.f32 v33, v34;
	v38 =	vmul.f32 v38, v38;
	v35 =	vmul.f32 v35, v35  }
0x296: {  	v31 =	vsub.f32 v44, v31;
	v45 =	vmul.f32 v32, v32;
	v30 =	vadd.f32 v37, v30  }
0x297: {  	v33 =	vmul.f32 v33, v33;
	v37 =	vsub.f32 v25, v43;
	v46 =	vadd.f32 v35, v38  }
0x298: {  	v5 =	vadd.s32 $0x1, v61;
	v26 =	vsub.f32 v28, v26;
	v31 =	vmul.f32 v31, v31  }
0x299: {  	v47 =	vmul.f32 v37, v37;
	v34 =	vadd.f32 v30, v45;
	v48 =	vadd.f32 v46, v33  }
0x29a: {  	v8 =	vadd.s32 $0x2, v61;
	v7 =	vadd.f32 v36, v36;
	v26 =	vmul.f32 v26, v26  }
0x29b: {  	v49 =	vadd.f32 v31, v47;
	v51 =	vmax.f32 v34, $1.000000000e-30;
	v33 =	vmax.f32 v48, $1.000000000e-30  }
0x29c: {  	v11 =	vld [tilespmem:s29+$0x40];
	v52 =	vshra.s32 v51, $0x1;
	v56 =	vshra.s32 v33, $0x1;
	v57 =	vmul.f32 $5.000000000e-01, v33  }
0x29d: {  	v55 =	vmul.f32 $5.000000000e-01, v51;
	v53 =	vadd.f32 v49, v26;
	v31 =	vsub.s32 $0x5F3759DF, v56  }
0x29e: {  	v36 =	vmul.f32 $6.283185480e+00, v36;
	v54 =	vsub.s32 $0x5F3759DF, v52;
	v63 =	vmul.f32 v31, v57  }
0x29f: {  	vm8 =	vlt.f32 v7, $-5.000000000e-01;
	v62 =	vmul.f32 v54, v55;
	v58 =	vmax.f32 v53, $1.000000000e-30  }
0x2a0: {  	[tilespmem:$0x1FF20] =	vst v1;
	v1 =	vld.idx.msk [tilespmem:v61+s19+$0x0], $0xffff;
	v60 =	vshra.s32 v58, $0x1;
	v33 =	vmul.f32 $5.000000000e-01, v58;
	v39 =	vmul.f32 v31, v63  }
0x2a1: {  	v16 =	vadd.f32 $-5.000000000e-01, v11;
	v28 =	vmul.f32 v54, v62;
	v37 =	vsub.s32 $0x5F3759DF, v60  }
0x2a2: {  	[tilespmem:$0x1FF00] =	vst v3;
	vm9 =	vgt.f32 v7, $5.000000000e-01;
	v3 =	vld.idx.msk [tilespmem:v5+s19+$0x0], $0xffff;
	v4 =	vmul.f32 v37, v33;
	v39 =	vsub.f32 $1.500000000e+00, v39  }
0x2a3: {  	[tilespmem:$0x1FF10] =	vst v0;
	v10 =	vsel vm8, $0xBF800000, v2;
	v0 =	vld.idx.msk [tilespmem:v8+s19+$0x0], $0xffff;
	v20 =	vmul.f32 $3.141592740e+00, v16;
	v6 =	vsub.f32 $1.500000000e+00, v28  }
0x2a4: {  	v40 =	vmul.f32 v37, v4;
	v31 =	vmul.f32 v31, v39;
	v39 =	vsel vm9, $0x3F800000, v10  }
0x2a5: {  	v42 =	vmul.f32 v54, v6;
	v12 =	vmul.f32 $3.141592740e+00, v39  }
0x2a6: {  	v40 =	vsub.f32 $1.500000000e+00, v40;
	v32 =	vmul.f32 v31, v57  }
0x2a7: {  	v23 =	vmul.f32 v20, v20;
	v9 =	vmul.f32 v42, v55;
	v36 =	vsub.f32 v36, v12  }
0x2a8: {  	v41 =	vld.idx.msk [tilespmem:v1+s31+$0x0], $0xffff;
	v37 =	vmul.f32 v37, v40;
	v32 =	vmul.f32 v32, v31  }
0x2a9: {  	v43 =	vld.idx.msk [tilespmem:v1+s0+$0x0], $0xffff;
	v38 =	vmul.f32 v9, v42;
	v15 =	vmul.f32 v36, v36  }
0x2aa: {  	v45 =	vld.idx.msk [tilespmem:v3+s0+$0x0], $0xffff;
	v33 =	vmul.f32 v37, v33;
	v32 =	vsub.f32 $1.500000000e+00, v32  }
0x2ab: {  	v50 =	vld.idx.msk [tilespmem:v0+s31+$0x0], $0xffff;
	v26 =	vmul.f32 $2.315317400e-05, v23;
	v38 =	vsub.f32 $1.500000000e+00, v38;
	v17 =	vmul.f32 $1.836274900e-04, v15  }
0x2ac: {  	v49 =	vld.idx.msk [tilespmem:v0+s3+$0x0], $0xffff;
	v33 =	vmul.f32 v33, v37;
	v31 =	vmul.f32 v32, v31  }
0x2ad: {  	v21 =	vadd.f32 v39, v39;
	v38 =	vmul.f32 v38, v42;
	v42 =	vld.idx.msk [tilespmem:v1+s3+$0x0], $0xffff;
	v40 =	vsub.f32 $8.306286300e-03, v17  }
0x2ae: {  	[tilespmem:$0x1FF90] =	vst v1;
	v35 =	vld.idx.msk [tilespmem:v0+s0+$0x0], $0xffff;
	v19 =	vmul.f32 $2.315317400e-05, v15;
	v33 =	vsub.f32 $1.500000000e+00, v33;
	v1 =	vmul.f32 v31, v48  }
0x2af: {  	v28 =	vadd.f32 $-1.385366660e-03, v26;
	v48 =	vld.idx.msk [tilespmem:v3+s3+$0x0], $0xffff;
	v31 =	vmul.f32 v21, v39;
	v24 =	vmul.f32 v40, v15  }
0x2b0: {  	v56 =	vsub.f32 v50, v41;
	v22 =	vadd.f32 $-1.385366660e-03, v19;
	v33 =	vmul.f32 v33, v37;
	v37 =	vld.idx.msk [tilespmem:v3+s31+$0x0], $0xffff  }
0x2b1: {  	v61 =	vmul.f32 $1.836274900e-04, v23;
	v27 =	vsub.f32 $1.000000000e+00, v31;
	v39 =	vadd.f32 $-1.666482390e-01, v24  }
0x2b2: {  	v31 =	vmul.f32 v38, v34;
	v4 =	vsub.f32 v49, v42;
	v32 =	vmul.f32 v33, v53  }
0x2b3: {  	v33 =	vmul.f32 v22, v15;
	v29 =	vmul.f32 v39, v15;
	v39 =	vsub.f32 v45, v43  }
0x2b4: {  	v34 =	vmul.f32 v28, v23;
	v53 =	vsub.f32 v35, v43;
	v30 =	vsub.f32 v48, v42  }
0x2b5: {  	v33 =	vadd.f32 $4.166357960e-02, v33;
	v55 =	vsub.f32 v37, v41;
	v57 =	vmul.f32 v4, v39  }
0x2b6: {  	v34 =	vadd.f32 $4.166357960e-02, v34;
	v58 =	vmul.f32 v53, v30;
	v59 =	vmul.f32 v56, v30  }
0x2b7: {  	v8 =	vsub.f32 $8.306286300e-03, v61;
	v33 =	vmul.f32 v33, v15;
	v60 =	vmul.f32 v4, v55  }
0x2b8: {  	v34 =	vmul.f32 v34, v23;
	v7 =	vmul.f32 v56, v39;
	v57 =	vsub.f32 v57, v58  }
0x2b9: {  	v6 =	vmul.f32 v53, v55;
	v33 =	vadd.f32 $-4.999990460e-01, v33;
	v5 =	vsub.f32 v59, v60  }
0x2ba: {  	v44 =	vmul.f32 v8, v23;
	v34 =	vadd.f32 $-4.999990460e-01, v34;
	v9 =	vmul.f32 v57, v57  }
0x2bb: {  	v59 =	vsub.f32 v6, v7;
	v33 =	vmul.f32 v33, v15;
	v10 =	vmul.f32 v5, v5  }
0x2bc: {  	v25 =	vadd.f32 v1, v32;
	v38 =	vadd.f32 $9.999966020e-01, v29;
	v34 =	vmul.f32 v34, v23  }
0x2bd: {  	v11 =	vmul.f32 v59, v59;
	v33 =	vadd.f32 $9.999999400e-01, v33;
	v60 =	vadd.f32 v10, v9  }
0x2be: {  	v12 =	vadd.f32 $-1.666482390e-01, v44;
	v40 =	vadd.f32 v25, v31;
	v36 =	vmul.f32 v38, v36  }
0x2bf: {  	v34 =	vadd.f32 $9.999999400e-01, v34;
	v33 =	vmul.f32 v33, v27;
	v15 =	vadd.f32 v60, v11  }
0x2c0: {  	v38 =	vmul.f32 v12, v23;
	v40 =	vmax.f32 v40, $1.000000000e-30;
	v36 =	vmul.f32 v36, v27  }
0x2c1: {  	(erf) = vrcp.f32 v40;
	v33 =	vmul.f32 v33, v34;
	v16 =	vmax.f32 v15, $1.000000020e-24  }
0x2c2: {  	v38 =	vadd.f32 $9.999966020e-01, v38;
	v34 =	vmul.f32 v36, v34;
	(erf) = vrcp.f32 v16;
	_ =	sdelay $0x1  }
0x2c3: {  	v17 =	vmul.f32 v38, v20;
	v19 =	vsub.f32 v33, v41;
	v34 =	vsub.f32 v34, v43;
	_ =	sdelay $0x1  }
0x2c4: {  	v36 =	vsub.f32 v17, v42;
	v33 =	vmul.f32 v19, v57;
	v20 =	vmul.f32 v34, v5;
	_ =	sdelay $0x1  }
0x2c5: {  	v21 =	vmul.f32 v36, v59;
	v40 =	vadd.f32 v33, v20;
	_ =	sdelay $0x1  }
0x2c6: {  	v33 =	vpop (erf);
	v40 =	vadd.f32 v40, v21  }
0x2c7: {  	v22 =	vpop (erf)  }
0x2c8: {  	v40 =	vmul.f32 v40, v22;
	_ =	sdelay $0x1  }
0x2c9: {  	v44 =	vmul.f32 v40, v5;
	v23 =	vmul.f32 v40, v59  }
0x2ca: {  	v40 =	vmul.f32 v40, v57  }
0x2cb: {  	v34 =	vsub.f32 v34, v44;
	v36 =	vsub.f32 v36, v23  }
0x2cc: {  	v38 =	vsub.f32 v19, v40  }
0x2cd: {  	v34 =	vadd.f32 v34, v43;
	v36 =	vadd.f32 v36, v42  }
0x2ce: {  	v63 =	vld [tilespmem:s25+$0x10];
	v38 =	vadd.f32 v38, v41  }
0x2cf: {  	v24 =	vsub.f32 v34, v43;
	v42 =	vsub.f32 v36, v42  }
0x2d0: {  	v35 =	vsub.f32 v35, v45;
	v41 =	vsub.f32 v38, v41  }
0x2d1: {  	v52 =	vsub.f32 v49, v48;
	v25 =	vmul.f32 v42, v39;
	v26 =	vmul.f32 v24, v30  }
0x2d2: {  	v51 =	vsub.f32 v50, v37;
	v27 =	vmul.f32 v41, v30;
	v28 =	vmul.f32 v42, v55  }
0x2d3: {  	v7 =	vmul.u32 $0x3, v63;
	v30 =	vmul.f32 v24, v55;
	v39 =	vmul.f32 v41, v39  }
0x2d4: {  	v34 =	vsub.f32 v34, v45;
	v55 =	vmul.f32 v42, v53;
	v57 =	vmul.f32 v24, v4  }
0x2d5: {  	v59 =	vmul.f32 v41, v4;
	v43 =	vsub.f32 v25, v26;
	v29 =	vsub.f32 v27, v28  }
0x2d6: {  	v36 =	vsub.f32 v36, v48;
	v42 =	vmul.f32 v42, v56;
	v40 =	vmul.f32 v24, v56  }
0x2d7: {  	v39 =	vsub.f32 v30, v39;
	v43 =	vmul.f32 v43, v43;
	v44 =	vmul.f32 v29, v29  }
0x2d8: {  	v37 =	vsub.f32 v38, v37;
	v41 =	vmul.f32 v41, v53;
	v60 =	vmul.f32 v36, v35  }
0x2d9: {  	v61 =	vmul.f32 v34, v52;
	v39 =	vmul.f32 v39, v39;
	v43 =	vadd.f32 v44, v43  }
0x2da: {  	v62 =	vmul.f32 v37, v52;
	v36 =	vmul.f32 v36, v51;
	v42 =	vsub.f32 v59, v42  }
0x2db: {  	v34 =	vmul.f32 v34, v51;
	v38 =	vadd.f32 v43, v39;
	v39 =	vsub.f32 v55, v57  }
0x2dc: {  	v35 =	vmul.f32 v37, v35;
	v40 =	vsub.f32 v40, v41;
	v36 =	vsub.f32 v62, v36  }
0x2dd: {  	v42 =	vmul.f32 v42, v42;
	v43 =	vsub.f32 v60, v61;
	v39 =	vmul.f32 v39, v39  }
0x2de: {  	v34 =	vsub.f32 v34, v35;
	v40 =	vmul.f32 v40, v40;
	v36 =	vmul.f32 v36, v36  }
0x2df: {  	v58 =	vmax.f32 v38, $1.000000000e-30;
	v5 =	vmul.f32 v43, v43;
	v39 =	vadd.f32 v42, v39  }
0x2e0: {  	v8 =	vld [tilespmem:s29+$0xFFFFFFD0];
	v34 =	vmul.f32 v34, v34;
	v4 =	vshra.s32 v58, $0x1;
	v6 =	vmul.f32 $5.000000000e-01, v58  }
0x2e1: {  	v37 =	vsub.s32 $0x5F3759DF, v4;
	v35 =	vadd.f32 v36, v5;
	v39 =	vadd.f32 v39, v40  }
0x2e2: {  	v9 =	vmul.f32 v37, v6  }
0x2e3: {  	v12 =	vadd.f32 v35, v34;
	v40 =	vadd.s32 $0x2, v7;
	v10 =	vmax.f32 v39, $1.000000000e-30  }
0x2e4: {  	v15 =	vmul.f32 v37, v9;
	v11 =	vshra.s32 v10, $0x1;
	v43 =	vmul.f32 $5.000000000e-01, v10  }
0x2e5: {  	v19 =	vadd.s32 $0x1, v7;
	v36 =	vld.idx.msk [tilespmem:v7+s19+$0x0], $0xffff;
	v42 =	vadd.f32 $-5.000000000e-01, v8;
	v44 =	vsub.s32 $0x5F3759DF, v11  }
0x2e6: {  	v17 =	vmax.f32 v12, $1.000000000e-30;
	v34 =	vsub.f32 $1.500000000e+00, v15;
	v16 =	vmul.f32 v44, v43  }
0x2e7: {  	v23 =	vadd.f32 v42, v42;
	v20 =	vshra.s32 v17, $0x1;
	v21 =	vmul.f32 $5.000000000e-01, v17  }
0x2e8: {  	v47 =	vsub.s32 $0x5F3759DF, v20;
	v37 =	vmul.f32 v37, v34;
	v34 =	vld.idx.msk [tilespmem:v40+s19+$0x0], $0xffff;
	v35 =	vmul.f32 v44, v16  }
0x2e9: {  	v29 =	vld [tilespmem:s29+$0x50];
	vm10 =	vlt.f32 v23, $-5.000000000e-01;
	v22 =	vmul.f32 v47, v21  }
0x2ea: {  	vm11 =	vgt.f32 v23, $5.000000000e-01;
	v25 =	vsel vm10, $0xBF800000, v2;
	v24 =	vsub.f32 $1.500000000e+00, v35;
	v35 =	vld.idx.msk [tilespmem:v19+s19+$0x0], $0xffff  }
0x2eb: {  	v46 =	vsel vm11, $0x3F800000, v25;
	v49 =	vmul.f32 v47, v22  }
0x2ec: {  	v26 =	vmul.f32 $6.283185480e+00, v42;
	v27 =	vmul.f32 $3.141592740e+00, v46  }
0x2ed: {  	v50 =	vld.idx.msk [tilespmem:v36+s0+$0x0], $0xffff;
	v49 =	vsub.f32 $1.500000000e+00, v49;
	v44 =	vmul.f32 v44, v24  }
0x2ee: {  	v51 =	vld.idx.msk [tilespmem:v36+s3+$0x0], $0xffff;
	v41 =	vmul.f32 v37, v6;
	v40 =	vsub.f32 v26, v27  }
0x2ef: {  	v48 =	vadd.f32 $-5.000000000e-01, v29;
	v47 =	vmul.f32 v47, v49;
	v49 =	vld.idx.msk [tilespmem:v36+s31+$0x0], $0xffff;
	v43 =	vmul.f32 v44, v43  }
0x2f0: {  	v41 =	vmul.f32 v41, v37;
	v30 =	vmul.f32 v40, v40;
	v55 =	vld.idx.msk [tilespmem:v34+s3+$0x0], $0xffff  }
0x2f1: {  	v48 =	vmul.f32 $3.141592740e+00, v48;
	v57 =	vld.idx.msk [tilespmem:v34+s31+$0x0], $0xffff;
	v43 =	vmul.f32 v43, v44  }
0x2f2: {  	v41 =	vsub.f32 $1.500000000e+00, v41;
	v63 =	vmul.f32 $2.315317400e-05, v30;
	v28 =	vmul.f32 v47, v21;
	v42 =	vld.idx.msk [tilespmem:v35+s31+$0x0], $0xffff  }
0x2f3: {  	v10 =	vmul.f32 $1.836274900e-04, v30;
	v21 =	vmul.f32 v48, v48;
	v43 =	vsub.f32 $1.500000000e+00, v43;
	v53 =	vld.idx.msk [tilespmem:v35+s0+$0x0], $0xffff  }
0x2f4: {  	v37 =	vmul.f32 v41, v37;
	v54 =	vadd.f32 $-1.385366660e-03, v63;
	v62 =	vmul.f32 v28, v47;
	v41 =	vld.idx.msk [tilespmem:v35+s3+$0x0], $0xffff  }
0x2f5: {  	v19 =	vsub.f32 $8.306286300e-03, v10;
	v24 =	vmul.f32 $2.315317400e-05, v21;
	v43 =	vmul.f32 v43, v44;
	v44 =	vld.idx.msk [tilespmem:v34+s0+$0x0], $0xffff  }
0x2f6: {  	v6 =	vmul.f32 v37, v38;
	v54 =	vmul.f32 v54, v30  }
0x2f7: {  	v45 =	vmul.f32 v19, v30;
	v9 =	vsub.f32 $1.500000000e+00, v62;
	v58 =	vadd.f32 $-1.385366660e-03, v24  }
0x2f8: {  	v26 =	vmul.f32 $1.836274900e-04, v21;
	v60 =	vsub.f32 v55, v51;
	v62 =	vsub.f32 v57, v49  }
0x2f9: {  	v47 =	vmul.f32 v9, v47;
	v22 =	vsub.f32 v53, v50;
	v23 =	vsub.f32 v41, v51  }
0x2fa: {  	v58 =	vmul.f32 v58, v21;
	v25 =	vsub.f32 v42, v49;
	v59 =	vsub.f32 v44, v50  }
0x2fb: {  	[tilespmem:$0x1FFB0] =	vst v0;
	v17 =	vadd.f32 v46, v46;
	v63 =	vmul.f32 v60, v22;
	v0 =	vmul.f32 v62, v23  }
0x2fc: {  	[tilespmem:$0x1FF80] =	vst v1;
	v20 =	vadd.f32 $4.166357960e-02, v54;
	v1 =	vmul.f32 v60, v25;
	v2 =	vmul.f32 v59, v23  }
0x2fd: {  	[tilespmem:$0x1FFA0] =	vst v3;
	v11 =	vmul.f32 v43, v39;
	v38 =	vmul.f32 v47, v12;
	v3 =	vadd.f32 $4.166357960e-02, v58  }
0x2fe: {  	v43 =	vmul.f32 v17, v46;
	v27 =	vsub.f32 v0, v1;
	v5 =	vsub.f32 v63, v2  }
0x2ff: {  	v45 =	vadd.f32 $-1.666482390e-01, v45;
	v47 =	vmul.f32 v20, v30;
	v3 =	vmul.f32 v3, v21  }
0x300: {  	v29 =	vsub.f32 $8.306286300e-03, v26;
	v1 =	vmul.f32 v27, v27;
	v2 =	vmul.f32 v5, v5  }
0x301: {  	v47 =	vadd.f32 $-4.999990460e-01, v47;
	v28 =	vmul.f32 v59, v25;
	v0 =	vmul.f32 v62, v22  }
0x302: {  	v43 =	vsub.f32 $1.000000000e+00, v43;
	v1 =	vadd.f32 v1, v2;
	v2 =	vmul.f32 v45, v30  }
0x303: {  	v47 =	vmul.f32 v47, v30;
	v3 =	vadd.f32 $-4.999990460e-01, v3;
	v0 =	vsub.f32 v28, v0  }
0x304: {  	v45 =	vmul.f32 v29, v21;
	v30 =	vadd.f32 v11, v38;
	v2 =	vadd.f32 $9.999966020e-01, v2  }
0x305: {  	v47 =	vadd.f32 $9.999999400e-01, v47;
	v3 =	vmul.f32 v3, v21;
	v58 =	vmul.f32 v0, v0  }
0x306: {  	v37 =	vadd.f32 v30, v6;
	v45 =	vadd.f32 $-1.666482390e-01, v45;
	v2 =	vmul.f32 v2, v40  }
0x307: {  	v47 =	vmul.f32 v47, v43;
	v3 =	vadd.f32 $9.999999400e-01, v3;
	v1 =	vadd.f32 v1, v58  }
0x308: {  	v40 =	vmax.f32 v37, $1.000000000e-30;
	v45 =	vmul.f32 v45, v21;
	v2 =	vmul.f32 v2, v43  }
0x309: {  	v52 =	vmul.f32 v47, v3;
	v1 =	vmax.f32 v1, $1.000000020e-24;
	(erf) = vrcp.f32 v40  }
0x30a: {  	v43 =	vadd.f32 $9.999966020e-01, v45;
	(erf) = vrcp.f32 v1;
	v2 =	vmul.f32 v2, v3;
	_ =	sdelay $0x1  }
0x30b: {  	v1 =	vmul.f32 v43, v48;
	v3 =	vsub.f32 v52, v49;
	v2 =	vsub.f32 v2, v50;
	_ =	sdelay $0x1  }
0x30c: {  	v1 =	vsub.f32 v1, v51;
	v40 =	vmul.f32 v3, v5;
	v54 =	vmul.f32 v2, v27;
	_ =	sdelay $0x1  }
0x30d: {  	v58 =	vmul.f32 v1, v0;
	v43 =	vadd.f32 v40, v54;
	_ =	sdelay $0x1  }
0x30e: {  	v63 =	vpop (erf);
	v43 =	vadd.f32 v43, v58  }
0x30f: {  	v7 =	vpop (erf)  }
0x310: {  	v43 =	vmul.f32 v43, v7;
	_ =	sdelay $0x1  }
0x311: {  	v4 =	vmul.f32 v43, v27;
	v0 =	vmul.f32 v43, v0  }
0x312: {  	v5 =	vmul.f32 v43, v5  }
0x313: {  	v2 =	vsub.f32 v2, v4;
	v0 =	vsub.f32 v1, v0  }
0x314: {  	v1 =	vsub.f32 v3, v5  }
0x315: {  	v2 =	vadd.f32 v2, v50;
	v0 =	vadd.f32 v0, v51  }
0x316: {  	v1 =	vadd.f32 v1, v49  }
0x317: {  	v3 =	vsub.f32 v2, v50;
	v8 =	vsub.f32 v0, v51  }
0x318: {  	v9 =	vsub.f32 v1, v49  }
0x319: {  	v17 =	vsub.f32 v57, v42;
	[tilespmem:$0x1FFD0] =	vst v11;
	v10 =	vmul.f32 v8, v22;
	v11 =	vmul.f32 v3, v23  }
0x31a: {  	v20 =	vsub.f32 v55, v41;
	v12 =	vmul.f32 v9, v23;
	v16 =	vmul.f32 v8, v25  }
0x31b: {  	v44 =	vsub.f32 v44, v53;
	v50 =	vmul.f32 v3, v25;
	v46 =	vmul.f32 v9, v22  }
0x31c: {  	v2 =	vsub.f32 v2, v53;
	v24 =	vmul.f32 v8, v59;
	v25 =	vmul.f32 v3, v60  }
0x31d: {  	v0 =	vsub.f32 v0, v41;
	v26 =	vmul.f32 v9, v60;
	v4 =	vmul.f32 v8, v62  }
0x31e: {  	v1 =	vsub.f32 v1, v42;
	v3 =	vmul.f32 v3, v62;
	v5 =	vmul.f32 v9, v59  }
0x31f: {  	v27 =	vmul.f32 v0, v44;
	v28 =	vmul.f32 v2, v20  }
0x320: {  	v29 =	vmul.f32 v1, v20;
	v0 =	vmul.f32 v0, v17;
	v43 =	vsub.f32 v10, v11  }
0x321: {  	v2 =	vmul.f32 v2, v17;
	v19 =	vsub.f32 v12, v16;
	v46 =	vsub.f32 v50, v46  }
0x322: {  	v1 =	vmul.f32 v1, v44;
	v41 =	vsub.f32 v24, v25;
	v4 =	vsub.f32 v26, v4  }
0x323: {  	v30 =	vld [tilespmem:s25+$0x20];
	v3 =	vsub.f32 v3, v5;
	v21 =	vmul.f32 v43, v43;
	v22 =	vmul.f32 v19, v19  }
0x324: {  	v0 =	vsub.f32 v29, v0;
	v23 =	vmul.f32 v46, v46;
	v43 =	vsub.f32 v27, v28  }
0x325: {  	v41 =	vmul.f32 v41, v41;
	v4 =	vmul.f32 v4, v4;
	v42 =	vadd.f32 v22, v21  }
0x326: {  	v60 =	vld [tilespmem:s29+$0xFFFFFFE0];
	v1 =	vsub.f32 v2, v1;
	v0 =	vmul.f32 v0, v0;
	v2 =	vmul.f32 v43, v43  }
0x327: {  	v3 =	vmul.f32 v3, v3;
	v4 =	vadd.f32 v4, v41;
	v37 =	vadd.f32 v42, v23  }
0x328: {  	v1 =	vmul.f32 v1, v1;
	v0 =	vadd.f32 v0, v2;
	v2 =	vmul.u32 $0x3, v30  }
0x329: {  	v3 =	vadd.f32 v4, v3;
	v53 =	vmax.f32 v37, $1.000000000e-30  }
0x32a: {  	v0 =	vadd.f32 v0, v1;
	v54 =	vshra.s32 v53, $0x1;
	v41 =	vmul.f32 $5.000000000e-01, v53  }
0x32b: {  	v46 =	vadd.f32 $-5.000000000e-01, v60;
	v55 =	vmax.f32 v3, $1.000000000e-30;
	v4 =	vsub.s32 $0x5F3759DF, v54  }
0x32c: {  	[tilespmem:$0x1FFC0] =	vst v63;
	v63 =	vadd.s32 $0x1, v2;
	v59 =	vmax.f32 v0, $1.000000000e-30;
	v1 =	vmul.f32 v4, v41  }
0x32d: {  	v21 =	vld [tilespmem:s29+$0x60];
	v56 =	vshra.s32 v55, $0x1;
	v61 =	vshra.s32 v59, $0x1;
	v62 =	vmul.f32 $5.000000000e-01, v59  }
0x32e: {  	v58 =	vmul.f32 $5.000000000e-01, v55;
	v9 =	vsub.s32 $0x5F3759DF, v61;
	v43 =	vld.idx.msk [tilespmem:v2+s19+$0x0], $0xffff;
	v1 =	vmul.f32 v4, v1  }
0x32f: {  	v57 =	vsub.s32 $0x5F3759DF, v56;
	v2 =	vadd.s32 $0x2, v2;
	v10 =	vmul.f32 v9, v62  }
0x330: {  	v16 =	vadd.f32 v46, v46;
	v8 =	vmul.f32 v57, v58;
	v1 =	vsub.f32 $1.500000000e+00, v1  }
0x331: {  	v15 =	vimm.f32 $0.0e+00;
	v22 =	vmul.f32 $6.283185480e+00, v46;
	v42 =	vld.idx.msk [tilespmem:v63+s19+$0x0], $0xffff;
	v50 =	vmul.f32 v9, v10  }
0x332: {  	vm12 =	vlt.f32 v16, $-5.000000000e-01;
	v48 =	vmul.f32 v57, v8;
	v1 =	vmul.f32 v4, v1  }
0x333: {  	vm13 =	vgt.f32 v16, $5.000000000e-01;
	v26 =	vadd.f32 $-5.000000000e-01, v21;
	v12 =	vsub.f32 $1.500000000e+00, v50  }
0x334: {  	v19 =	vsel vm12, $0xBF800000, v15;
	v11 =	vsub.f32 $1.500000000e+00, v48;
	v17 =	vmul.f32 v1, v41;
	v41 =	vld.idx.msk [tilespmem:v2+s19+$0x0], $0xffff  }
0x335: {  	v20 =	vsel vm13, $0x3F800000, v19;
	v30 =	vmul.f32 $3.141592740e+00, v26;
	v48 =	vmul.f32 v9, v12  }
0x336: {  	v23 =	vmul.f32 $3.141592740e+00, v20;
	v4 =	vmul.f32 v57, v11;
	v49 =	vld.idx.msk [tilespmem:v43+s31+$0x0], $0xffff  }
0x337: {  	v39 =	vmul.f32 v30, v30;
	v50 =	vld.idx.msk [tilespmem:v43+s0+$0x0], $0xffff;
	v47 =	vmul.f32 v48, v62  }
0x338: {  	v45 =	vmul.f32 v4, v58;
	v53 =	vld.idx.msk [tilespmem:v43+s3+$0x0], $0xffff;
	v2 =	vmul.f32 v17, v1  }
0x339: {  	v9 =	vmul.f32 $2.315317400e-05, v39;
	v54 =	vld.idx.msk [tilespmem:v42+s31+$0x0], $0xffff;
	v47 =	vmul.f32 v47, v48  }
0x33a: {  	v55 =	vsub.f32 v22, v23;
	v45 =	vmul.f32 v45, v4;
	v56 =	vld.idx.msk [tilespmem:v42+s0+$0x0], $0xffff;
	v2 =	vsub.f32 $1.500000000e+00, v2  }
0x33b: {  	v57 =	vld.idx.msk [tilespmem:v42+s3+$0x0], $0xffff;
	v59 =	vadd.f32 $-1.385366660e-03, v9;
	v24 =	vsub.f32 $1.500000000e+00, v47  }
0x33c: {  	v25 =	vmul.f32 v55, v55;
	v1 =	vmul.f32 v2, v1;
	v2 =	vsub.f32 $1.500000000e+00, v45;
	v12 =	vld.idx.msk [tilespmem:v41+s0+$0x0], $0xffff  }
0x33d: {  	v19 =	vmul.f32 v59, v39;
	v27 =	vmul.f32 v24, v48;
	v48 =	vld.idx.msk [tilespmem:v41+s3+$0x0], $0xffff  }
0x33e: {  	v44 =	vmul.f32 v1, v37;
	v1 =	vmul.f32 v2, v4;
	v58 =	vld.idx.msk [tilespmem:v41+s31+$0x0], $0xffff  }
0x33f: {  	[tilespmem:$0x1FFE0] =	vst v6;
	v29 =	vmul.f32 $2.315317400e-05, v25;
	v6 =	vadd.f32 $4.166357960e-02, v19;
	v51 =	vsub.f32 v56, v50  }
0x340: {  	v52 =	vsub.f32 v57, v53;
	v62 =	vsub.f32 v54, v49;
	v45 =	vmul.f32 v1, v3  }
0x341: {  	v46 =	vmul.f32 v27, v0;
	v0 =	vadd.f32 v20, v20;
	v3 =	vadd.f32 $-1.385366660e-03, v29  }
0x342: {  	v28 =	vmul.f32 $1.836274900e-04, v25;
	v60 =	vsub.f32 v12, v50;
	v61 =	vsub.f32 v48, v53  }
0x343: {  	v40 =	vmul.f32 v0, v20;
	v1 =	vmul.f32 v3, v25;
	v63 =	vsub.f32 v58, v49  }
0x344: {  	v37 =	vsub.f32 $8.306286300e-03, v28;
	v3 =	vmul.f32 v61, v51;
	v0 =	vmul.f32 v60, v52  }
0x345: {  	v16 =	vadd.f32 $4.166357960e-02, v1;
	v2 =	vmul.f32 v63, v52;
	v1 =	vmul.f32 v61, v62  }
0x346: {  	v6 =	vmul.f32 v6, v39  }
0x347: {  	v17 =	vsub.f32 v3, v0;
	v3 =	vmul.f32 v37, v25;
	v20 =	vsub.f32 v2, v1  }
0x348: {  	v21 =	vmul.f32 $1.836274900e-04, v39;
	v6 =	vadd.f32 $-4.999990460e-01, v6;
	v4 =	vmul.f32 v16, v25  }
0x349: {  	v3 =	vadd.f32 $-1.666482390e-01, v3;
	v2 =	vmul.f32 v17, v17;
	v1 =	vmul.f32 v20, v20  }
0x34a: {  	v22 =	vmul.f32 v60, v62;
	v0 =	vmul.f32 v63, v51;
	v4 =	vadd.f32 $-4.999990460e-01, v4  }
0x34b: {  	v1 =	vadd.f32 v1, v2;
	v2 =	vmul.f32 v3, v25;
	v3 =	vsub.f32 $8.306286300e-03, v21  }
0x34c: {  	v24 =	vadd.f32 v45, v46;
	v0 =	vsub.f32 v22, v0;
	v4 =	vmul.f32 v4, v25  }
0x34d: {  	v6 =	vmul.f32 v6, v39;
	v2 =	vadd.f32 $9.999966020e-01, v2;
	v3 =	vmul.f32 v3, v39  }
0x34e: {  	v23 =	vsub.f32 $1.000000000e+00, v40;
	v25 =	vmul.f32 v0, v0;
	v4 =	vadd.f32 $9.999999400e-01, v4  }
0x34f: {  	v10 =	vadd.f32 v24, v44;
	v2 =	vmul.f32 v2, v55;
	v3 =	vadd.f32 $-1.666482390e-01, v3  }
0x350: {  	v6 =	vadd.f32 $9.999999400e-01, v6;
	v1 =	vadd.f32 v1, v25;
	v4 =	vmul.f32 v4, v23  }
0x351: {  	v26 =	vmax.f32 v10, $1.000000000e-30;
	v2 =	vmul.f32 v2, v23;
	v3 =	vmul.f32 v3, v39  }
0x352: {  	(erf) = vrcp.f32 v26;
	v1 =	vmax.f32 v1, $1.000000020e-24;
	v4 =	vmul.f32 v4, v6  }
0x353: {  	(erf) = vrcp.f32 v1;
	v2 =	vmul.f32 v2, v6;
	v1 =	vadd.f32 $9.999966020e-01, v3;
	_ =	sdelay $0x1  }
0x354: {  	v3 =	vsub.f32 v4, v49;
	v1 =	vmul.f32 v1, v30;
	v2 =	vsub.f32 v2, v50;
	_ =	sdelay $0x1  }
0x355: {  	v4 =	vmul.f32 v3, v17;
	v1 =	vsub.f32 v1, v53;
	v27 =	vmul.f32 v2, v20;
	_ =	sdelay $0x1  }
0x356: {  	v4 =	vadd.f32 v4, v27;
	v28 =	vmul.f32 v1, v0;
	_ =	sdelay $0x1  }
0x357: {  	v47 =	vpop (erf);
	v4 =	vadd.f32 v4, v28  }
0x358: {  	v29 =	vpop (erf)  }
0x359: {  	v4 =	vmul.f32 v4, v29;
	_ =	sdelay $0x1  }
0x35a: {  	v0 =	vmul.f32 v4, v0  }
0x35b: {  	v5 =	vmul.f32 v4, v20;
	v4 =	vmul.f32 v4, v17  }
0x35c: {  	v0 =	vsub.f32 v1, v0  }
0x35d: {  	v2 =	vsub.f32 v2, v5;
	v1 =	vsub.f32 v3, v4  }
0x35e: {  	v0 =	vadd.f32 v0, v53  }
0x35f: {  	v2 =	vadd.f32 v2, v50;
	v1 =	vadd.f32 v1, v49  }
0x360: {  	v30 =	vsub.f32 v0, v53  }
0x361: {  	v3 =	vsub.f32 v2, v50;
	v37 =	vsub.f32 v1, v49  }
0x362: {  	v39 =	vmul.f32 v30, v51  }
0x363: {  	v59 =	vsub.f32 v58, v54;
	v40 =	vmul.f32 v3, v52;
	v49 =	vmul.f32 v37, v52  }
0x364: {  	v16 =	vsub.f32 v48, v57;
	v50 =	vmul.f32 v30, v62;
	v53 =	vmul.f32 v3, v62  }
0x365: {  	v1 =	vsub.f32 v1, v54;
	v55 =	vmul.f32 v37, v51;
	v17 =	vmul.f32 v30, v60  }
0x366: {  	v2 =	vsub.f32 v2, v56;
	v19 =	vmul.f32 v3, v61;
	v21 =	vmul.f32 v37, v61  }
0x367: {  	v27 =	vld [tilespmem:$0x1FE30];
	v0 =	vsub.f32 v0, v57;
	v4 =	vmul.f32 v30, v63;
	v3 =	vmul.f32 v3, v63  }
0x368: {  	v5 =	vmul.f32 v37, v60;
	v6 =	vsub.f32 v39, v40;
	v52 =	vsub.f32 v49, v50  }
0x369: {  	v62 =	vsub.f32 v12, v56;
	v23 =	vmul.f32 v2, v16;
	v24 =	vmul.f32 v1, v16  }
0x36a: {  	v8 =	vsub.f32 v53, v55;
	v6 =	vmul.f32 v6, v6;
	v7 =	vmul.f32 v52, v52  }
0x36b: {  	v22 =	vmul.f32 v0, v62;
	v0 =	vmul.f32 v0, v59  }
0x36c: {  	v4 =	vsub.f32 v21, v4;
	v12 =	vmul.f32 v8, v8;
	v6 =	vadd.f32 v7, v6  }
0x36d: {  	v2 =	vmul.f32 v2, v59;
	v0 =	vsub.f32 v24, v0;
	v7 =	vsub.f32 v17, v19  }
0x36e: {  	v25 =	vld [tilespmem:s25+$0x30];
	v1 =	vmul.f32 v1, v62;
	v6 =	vadd.f32 v6, v12;
	v12 =	vsub.f32 v22, v23  }
0x36f: {  	v28 =	vld.idx.msk [tilespmem:v27+s2+$0x0], $0xffff;
	v3 =	vsub.f32 v3, v5;
	v4 =	vmul.f32 v4, v4;
	v7 =	vmul.f32 v7, v7  }
0x370: {  	v62 =	vld [tilespmem:$0x1FE50];
	v1 =	vsub.f32 v2, v1;
	v0 =	vmul.f32 v0, v0;
	v2 =	vmul.f32 v12, v12  }
0x371: {  	v3 =	vmul.f32 v3, v3;
	v4 =	vadd.f32 v4, v7  }
0x372: {  	v11 =	vmul.f32 v18, v14;
	v0 =	vadd.f32 v0, v2;
	v2 =	vld.idx.msk [tilespmem:v27+s17+$0x0], $0xffff  }
0x373: {  	v20 =	vmax.f32 v6, $1.000000000e-30;
	v61 =	vadd.f32 v4, v3;
	v3 =	vmul.u32 $0x3, v25  }
0x374: {  	v29 =	vld [tilespmem:$0x1FE40];
	v1 =	vmul.f32 v1, v1;
	v26 =	vshra.s32 v20, $0x1;
	v7 =	vmul.f32 $5.000000000e-01, v20  }
0x375: {  	v13 =	vmul.f32 v18, v13;
	v40 =	vld.idx.msk [tilespmem:v27+s18+$0x0], $0xffff;
	v53 =	vmul.f32 v11, v28;
	v8 =	vsub.s32 $0x5F3759DF, v26  }
0x376: {  	v30 =	vmul.f32 v8, v7;
	v37 =	vmax.f32 v61, $1.000000000e-30;
	v0 =	vadd.f32 v0, v1;
	v1 =	vld [tilespmem:s29+$0xFFFFFFF0]  }
0x377: {  	v21 =	vadd.s32 $0x1, v3;
	v39 =	vshra.s32 v37, $0x1;
	v25 =	vmul.f32 v11, v2;
	v2 =	vld [tilespmem:$0x1FE60]  }
0x378: {  	v12 =	vmul.f32 $5.000000000e-01, v37;
	v37 =	vld.idx.msk [tilespmem:v62+s18+$0x0], $0xffff;
	v14 =	vsub.s32 $0x5F3759DF, v39;
	v20 =	vmax.f32 v0, $1.000000000e-30  }
0x379: {  	v22 =	vshra.s32 v20, $0x1;
	v52 =	vmul.f32 $5.000000000e-01, v20;
	v28 =	vld.idx.msk [tilespmem:v3+s19+$0x0], $0xffff;
	v3 =	vadd.s32 $0x2, v3  }
0x37a: {  	v49 =	vld.idx.msk [tilespmem:v62+s2+$0x0], $0xffff;
	v60 =	vmul.f32 v8, v30;
	v63 =	vmul.f32 v14, v12;
	v55 =	vsub.s32 $0x5F3759DF, v22  }
0x37b: {  	v10 =	vmul.f32 v18, v29;
	v23 =	vld.idx.msk [tilespmem:v62+s17+$0x0], $0xffff;
	v4 =	vmul.f32 v55, v52  }
0x37c: {  	v18 =	vsub.f32 $1.500000000e+00, v60;
	v60 =	vmul.f32 v11, v40;
	v50 =	vmul.f32 v14, v63;
	v29 =	vld.idx.msk [tilespmem:v21+s19+$0x0], $0xffff  }
0x37d: {  	v1 =	vadd.f32 $-5.000000000e-01, v1;
	v24 =	vmul.f32 v10, v37;
	v37 =	vld [tilespmem:s29+$0x70];
	v40 =	vmul.f32 v55, v4  }
0x37e: {  	v8 =	vmul.f32 v8, v18;
	v39 =	vsub.f32 $1.500000000e+00, v50;
	v21 =	vld.idx.msk [tilespmem:v3+s19+$0x0], $0xffff  }
0x37f: {  	v62 =	vadd.f32 v1, v1;
	v18 =	vsub.f32 $1.500000000e+00, v40;
	v11 =	vld.idx.msk [tilespmem:v2+s2+$0x0], $0xffff  }
0x380: {  	v58 =	vmul.f32 v10, v49;
	v7 =	vmul.f32 v8, v7;
	v63 =	vld.idx.msk [tilespmem:v2+s17+$0x0], $0xffff  }
0x381: {  	v14 =	vmul.f32 v14, v39;
	vm14 =	vlt.f32 v62, $-5.000000000e-01;
	v9 =	vld.idx.msk [tilespmem:v2+s18+$0x0], $0xffff;
	v54 =	vmul.f32 v55, v18  }
0x382: {  	vm15 =	vgt.f32 v62, $5.000000000e-01;
	v7 =	vmul.f32 v7, v8;
	v27 =	vsel vm14, $0xBF800000, v15;
	v18 =	vld.idx.msk [tilespmem:v28+s31+$0x0], $0xffff  }
0x383: {  	v12 =	vmul.f32 v14, v12;
	v55 =	vsel vm15, $0x3F800000, v27;
	v48 =	vld.idx.msk [tilespmem:v28+s0+$0x0], $0xffff;
	v52 =	vmul.f32 v54, v52  }
0x384: {  	v1 =	vmul.f32 $6.283185480e+00, v1;
	v7 =	vsub.f32 $1.500000000e+00, v7;
	v30 =	vmul.f32 $3.141592740e+00, v55;
	v49 =	vld.idx.msk [tilespmem:v28+s3+$0x0], $0xffff  }
0x385: {  	v19 =	vadd.f32 $-5.000000000e-01, v37;
	v12 =	vmul.f32 v12, v14;
	v50 =	vld.idx.msk [tilespmem:v29+s31+$0x0], $0xffff;
	v52 =	vmul.f32 v52, v54  }
0x386: {  	v23 =	vmul.f32 v10, v23;
	v51 =	vld.idx.msk [tilespmem:v29+s0+$0x0], $0xffff;
	v7 =	vmul.f32 v7, v8;
	v15 =	vsub.f32 v1, v30  }
0x387: {  	v10 =	vmul.f32 $3.141592740e+00, v19;
	v12 =	vsub.f32 $1.500000000e+00, v12;
	v26 =	vsub.f32 $1.500000000e+00, v52;
	v52 =	vld.idx.msk [tilespmem:v29+s3+$0x0], $0xffff  }
0x388: {  	v16 =	vmul.f32 v13, v11;
	v62 =	vmul.f32 v15, v15;
	v56 =	vld.idx.msk [tilespmem:v21+s0+$0x0], $0xffff  }
0x389: {  	v17 =	vmul.f32 v13, v63;
	v27 =	vmul.f32 v12, v14;
	v57 =	vld.idx.msk [tilespmem:v21+s3+$0x0], $0xffff  }
0x38a: {  	v14 =	vld.idx.msk [tilespmem:v21+s31+$0x0], $0xffff;
	v12 =	vadd.f32 v58, v53;
	v30 =	vmul.f32 $2.315317400e-05, v62;
	v63 =	vmul.f32 v26, v54  }
0x38b: {  	v22 =	vmul.f32 v13, v9;
	v58 =	vsub.f32 v51, v48;
	v26 =	vadd.f32 v55, v55  }
0x38c: {  	v39 =	vmul.f32 v27, v61;
	v20 =	vadd.f32 $-1.385366660e-03, v30;
	v37 =	vmul.f32 v63, v0  }
0x38d: {  	v11 =	vmul.f32 v26, v55;
	v55 =	vmul.f32 v10, v10;
	v61 =	vsub.f32 v52, v49  }
0x38e: {  	v0 =	vmul.f32 $1.836274900e-04, v62;
	v53 =	vsub.f32 v56, v48;
	v54 =	vsub.f32 v57, v49  }
0x38f: {  	v63 =	vsub.f32 v50, v18;
	v59 =	vsub.f32 v14, v18;
	v2 =	vmul.f32 $2.315317400e-05, v55  }
0x390: {  	v27 =	vsub.f32 $8.306286300e-03, v0;
	v1 =	vmul.f32 v54, v58;
	v0 =	vmul.f32 v53, v61  }
0x391: {  	v3 =	vmul.f32 v59, v61;
	v30 =	vadd.f32 $-1.385366660e-03, v2;
	v2 =	vmul.f32 v54, v63  }
0x392: {  	v13 =	vsub.f32 v1, v0;
	v1 =	vmul.f32 v53, v63;
	v0 =	vmul.f32 v59, v58  }
0x393: {  	v40 =	vmul.f32 v7, v6  }
0x394: {  	v7 =	vsub.f32 v3, v2;
	v9 =	vsub.f32 v1, v0;
	v0 =	vmul.f32 $1.836274900e-04, v55  }
0x395: {  	v8 =	vmul.f32 v20, v62  }
0x396: {  	v20 =	vmul.f32 v13, v13;
	v2 =	vsub.f32 $8.306286300e-03, v0;
	v0 =	vmul.f32 v7, v7  }
0x397: {  	v1 =	vadd.f32 v39, v37  }
0x398: {  	v26 =	vmul.f32 v9, v9;
	v0 =	vadd.f32 v0, v20  }
0x399: {  	v1 =	vadd.f32 v1, v40  }
0x39a: {  	v2 =	vmul.f32 v2, v55;
	v0 =	vadd.f32 v0, v26  }
0x39b: {  	v4 =	vmul.f32 v30, v55;
	v30 =	vadd.f32 v23, v25;
	v1 =	vmax.f32 v1, $1.000000000e-30  }
0x39c: {  	v25 =	vld [tilespmem:$0x1FEA0];
	(erf) = vrcp.f32 v1;
	v2 =	vadd.f32 $-1.666482390e-01, v2;
	v0 =	vmax.f32 v0, $1.000000020e-24  }
0x39d: {  	(erf) = vrcp.f32 v0;
	v0 =	vld [tilespmem:$0x1FE90]  }
0x39e: {  	v2 =	vmul.f32 v2, v55  }
0x39f: {  	v8 =	vadd.f32 $4.166357960e-02, v8  }
0x3a0: {  	v5 =	vmul.f32 v27, v62;
	v27 =	vld [tilespmem:$0x1FE70];
	v2 =	vadd.f32 $9.999966020e-01, v2  }
0x3a1: {  	v19 =	vmul.f32 v8, v62;
	v4 =	vadd.f32 $4.166357960e-02, v4  }
0x3a2: {  	v3 =	vadd.f32 $-1.666482390e-01, v5;
	v2 =	vmul.f32 v2, v10;
	v10 =	vmul.f32 v25, v0;
	v0 =	vld [tilespmem:$0x1FEB0]  }
0x3a3: {  	v4 =	vmul.f32 v4, v55  }
0x3a4: {  	v5 =	vadd.f32 $-4.999990460e-01, v19;
	v19 =	vld [tilespmem:$0x1FE80];
	v3 =	vmul.f32 v3, v62  }
0x3a5: {  	v4 =	vadd.f32 $-4.999990460e-01, v4  }
0x3a6: {  	v5 =	vmul.f32 v5, v62;
	v3 =	vadd.f32 $9.999966020e-01, v3  }
0x3a7: {  	v4 =	vmul.f32 v4, v55;
	v55 =	vadd.f32 v12, v16;
	v12 =	vmul.f32 v25, v0;
	v0 =	vld [tilespmem:$0x1FEC0]  }
0x3a8: {  	v3 =	vmul.f32 v3, v15;
	v15 =	vld.idx.msk [tilespmem:v27+s2+$0x0], $0xffff  }
0x3a9: {  	v11 =	vsub.f32 $1.000000000e+00, v11;
	v5 =	vadd.f32 $9.999999400e-01, v5;
	v62 =	vld.idx.msk [tilespmem:v27+s17+$0x0], $0xffff  }
0x3aa: {  	v6 =	vld.idx.msk [tilespmem:v27+s18+$0x0], $0xffff  }
0x3ab: {  	v5 =	vmul.f32 v5, v11;
	v26 =	vld [tilespmem:$0x1FED0];
	v1 =	vmul.f32 v3, v11;
	v4 =	vadd.f32 $9.999999400e-01, v4  }
0x3ac: {  	v11 =	vld.idx.msk [tilespmem:v19+s2+$0x0], $0xffff  }
0x3ad: {  	v3 =	vld.idx.msk [tilespmem:v19+s17+$0x0], $0xffff;
	v5 =	vmul.f32 v5, v4;
	v1 =	vmul.f32 v1, v4  }
0x3ae: {  	v27 =	vadd.f32 v30, v17;
	v4 =	vld.idx.msk [tilespmem:v19+s18+$0x0], $0xffff  }
0x3af: {  	v5 =	vsub.f32 v5, v18;
	v16 =	vsub.f32 v1, v48;
	v17 =	vld.idx.msk [tilespmem:v0+s2+$0x0], $0xffff  }
0x3b0: {  	v23 =	vmul.f32 v25, v26;
	v1 =	vadd.f32 v24, v60;
	v24 =	vld.idx.msk [tilespmem:v0+s17+$0x0], $0xffff  }
0x3b1: {  	v2 =	vsub.f32 v2, v49;
	v30 =	vmul.f32 v5, v13;
	v25 =	vld.idx.msk [tilespmem:v0+s18+$0x0], $0xffff;
	v0 =	vmul.f32 v16, v7  }
0x3b2: {  	v20 =	vld [tilespmem:$0x1FEE0]  }
0x3b3: {  	v19 =	vld [tilespmem:$0x1FEF0];
	v8 =	vadd.f32 v30, v0;
	v30 =	vmul.f32 v2, v9  }
0x3b4: {  	v26 =	vadd.f32 v1, v22;
	v1 =	vld [tilespmem:$0x1FF00];
	v11 =	vmul.f32 v12, v11  }
0x3b5: {  	v3 =	vmul.f32 v12, v3;
	v4 =	vmul.f32 v12, v4;
	v12 =	vadd.f32 v8, v30;
	v8 =	vld [tilespmem:$0x1FF10];
	_ =	sdelay $0x1  }
0x3b6: {  	v15 =	vmul.f32 v10, v15;
	v30 =	vpop (erf)  }
0x3b7: {  	v22 =	vmul.f32 v10, v62;
	v6 =	vmul.f32 v10, v6;
	v0 =	vpop (erf)  }
0x3b8: {  	v11 =	vadd.f32 v11, v15;
	v15 =	vmul.f32 v23, v17;
	v0 =	vmul.f32 v12, v0  }
0x3b9: {  	v3 =	vadd.f32 v3, v22;
	v17 =	vmul.f32 v23, v24;
	v22 =	vmul.f32 v8, v1;
	v1 =	vld [tilespmem:$0x1FF20]  }
0x3ba: {  	v62 =	vld.idx.msk [tilespmem:v20+s2+$0x0], $0xffff;
	v25 =	vmul.f32 v23, v25;
	v23 =	vmul.f32 v0, v13  }
0x3bb: {  	v10 =	vld.idx.msk [tilespmem:v19+s2+$0x0], $0xffff;
	v7 =	vmul.f32 v0, v7;
	v0 =	vmul.f32 v0, v9  }
0x3bc: {  	v4 =	vadd.f32 v4, v6;
	v6 =	vsub.f32 v14, v50  }
0x3bd: {  	v14 =	vsub.f32 v57, v52;
	v0 =	vsub.f32 v2, v0  }
0x3be: {  	v5 =	vsub.f32 v5, v23;
	v7 =	vsub.f32 v16, v7;
	v60 =	vmul.f32 v8, v1  }
0x3bf: {  	v24 =	vld.idx.msk [tilespmem:v20+s17+$0x0], $0xffff;
	v4 =	vadd.f32 v4, v25;
	v62 =	vmul.f32 v22, v62;
	v0 =	vadd.f32 v0, v49  }
0x3c0: {  	v1 =	vld.idx.msk [tilespmem:v19+s17+$0x0], $0xffff;
	v2 =	vadd.f32 v5, v18;
	v25 =	vadd.f32 v7, v48;
	v10 =	vmul.f32 v60, v10  }
0x3c1: {  	v12 =	vsub.f32 v0, v49;
	v0 =	vsub.f32 v0, v52;
	v52 =	vld [tilespmem:$0x1FF40]  }
0x3c2: {  	v9 =	vsub.f32 v25, v48;
	v10 =	vadd.f32 v10, v62;
	v62 =	vld [tilespmem:$0x1FF30]  }
0x3c3: {  	v11 =	vadd.f32 v11, v15;
	v15 =	vsub.f32 v2, v18  }
0x3c4: {  	v32 =	vmul.f32 v33, v32;
	v57 =	vmul.f32 v9, v61  }
0x3c5: {  	v7 =	vsub.f32 v56, v51;
	v18 =	vmul.f32 v15, v61;
	v61 =	vmul.f32 v12, v63  }
0x3c6: {  	v24 =	vmul.f32 v22, v24;
	v2 =	vsub.f32 v2, v50;
	v1 =	vmul.f32 v60, v1  }
0x3c7: {  	v18 =	vsub.f32 v18, v61;
	v61 =	vmul.f32 v0, v7;
	v13 =	vmul.f32 v8, v62  }
0x3c8: {  	v5 =	vsub.f32 v25, v51;
	v8 =	vmul.f32 v12, v58;
	v62 =	vmul.f32 v9, v63  }
0x3c9: {  	v1 =	vadd.f32 v1, v24;
	v63 =	vmul.f32 v15, v58;
	v58 =	vmul.f32 v9, v59  }
0x3ca: {  	v56 =	vld.idx.msk [tilespmem:v52+s2+$0x0], $0xffff;
	v16 =	vsub.f32 v8, v57;
	v57 =	vmul.f32 v12, v53;
	v12 =	vmul.f32 v12, v59  }
0x3cb: {  	v24 =	vsub.f32 v62, v63;
	v59 =	vmul.f32 v15, v54;
	v15 =	vmul.f32 v15, v53;
	v63 =	vld.idx.msk [tilespmem:v52+s17+$0x0], $0xffff  }
0x3cc: {  	v0 =	vmul.f32 v0, v6;
	v9 =	vmul.f32 v9, v54  }
0x3cd: {  	v62 =	vmul.f32 v5, v14;
	v14 =	vmul.f32 v2, v14;
	v15 =	vsub.f32 v58, v15;
	v58 =	vld [tilespmem:$0x1FF60]  }
0x3ce: {  	v3 =	vadd.f32 v3, v17;
	v48 =	vld.idx.msk [tilespmem:v20+s18+$0x0], $0xffff;
	v5 =	vmul.f32 v5, v6;
	v2 =	vmul.f32 v2, v7  }
0x3cf: {  	v49 =	vld.idx.msk [tilespmem:v19+s18+$0x0], $0xffff;
	v17 =	vsub.f32 v61, v62;
	v0 =	vsub.f32 v14, v0;
	v25 =	vmul.f32 v13, v56  }
0x3d0: {  	v51 =	vld.idx.msk [tilespmem:v52+s18+$0x0], $0xffff;
	v9 =	vsub.f32 v57, v9;
	v2 =	vsub.f32 v5, v2;
	v6 =	vmul.f32 v13, v63  }
0x3d1: {  	v52 =	vmul.f32 v17, v17;
	v0 =	vmul.f32 v0, v0;
	v56 =	vld [tilespmem:$0x1FF50];
	v10 =	vadd.f32 v10, v25  }
0x3d2: {  	v53 =	vmul.f32 v18, v18;
	v12 =	vsub.f32 v59, v12;
	v63 =	vld [tilespmem:$0x1FF70];
	v1 =	vadd.f32 v1, v6  }
0x3d3: {  	v2 =	vmul.f32 v2, v2;
	v0 =	vadd.f32 v0, v52;
	[tilespmem:s30+$0xFFFFFFE0] =	vst v10;
	v10 =	vld.idx.msk [tilespmem:v34+s17+$0x0], $0xffff  }
0x3d4: {  	v9 =	vmul.f32 v9, v9;
	v12 =	vmul.f32 v12, v12;
	[tilespmem:s21+$0xFFFFFFE0] =	vst v1;
	v1 =	vld [tilespmem:$0x1FFD0]  }
0x3d5: {  	v16 =	vmul.f32 v16, v16;
	v0 =	vadd.f32 v0, v2;
	v2 =	vmul.f32 v13, v51;
	v13 =	vld.idx.msk [tilespmem:v58+s2+$0x0], $0xffff  }
0x3d6: {  	[tilespmem:s30+$0xFFFFFFC0] =	vst v55;
	v54 =	vmul.f32 v15, v15;
	v9 =	vadd.f32 v12, v9;
	v18 =	vld.idx.msk [tilespmem:v58+s17+$0x0], $0xffff  }
0x3d7: {  	[tilespmem:s21+$0xFFFFFFC0] =	vst v27;
	v57 =	vmul.f32 v24, v24;
	v16 =	vadd.f32 v53, v16;
	v24 =	vld.idx.msk [tilespmem:v58+s18+$0x0], $0xffff  }
0x3d8: {  	[tilespmem:s24+$0xFFFFFFC0] =	vst v26;
	v26 =	vmul.f32 v33, v31;
	v7 =	vmul.f32 v60, v49;
	v9 =	vadd.f32 v9, v54;
	v58 =	vld [tilespmem:$0x1FF80]  }
0x3d9: {  	v12 =	vmul.f32 v22, v48;
	v16 =	vadd.f32 v16, v57;
	v61 =	vmax.f32 v0, $1.000000000e-30;
	v15 =	vld.idx.msk [tilespmem:v56+s2+$0x0], $0xffff  }
0x3da: {  	v59 =	vmax.f32 v9, $1.000000000e-30;
	v62 =	vshra.s32 v61, $0x1;
	v23 =	vmul.f32 $5.000000000e-01, v61;
	v5 =	vld.idx.msk [tilespmem:v56+s17+$0x0], $0xffff  }
0x3db: {  	v60 =	vshra.s32 v59, $0x1;
	v17 =	vmul.f32 $5.000000000e-01, v59;
	v14 =	vld.idx.msk [tilespmem:v56+s18+$0x0], $0xffff;
	v48 =	vsub.s32 $0x5F3759DF, v62  }
0x3dc: {  	v59 =	vmax.f32 v16, $1.000000000e-30;
	v22 =	vsub.s32 $0x5F3759DF, v60;
	v62 =	vld [tilespmem:$0x1FF90];
	v60 =	vmul.f32 v48, v23  }
0x3dd: {  	v61 =	vshra.s32 v59, $0x1;
	v53 =	vmul.f32 $5.000000000e-01, v59;
	v57 =	vmul.f32 v22, v17;
	v27 =	vld.idx.msk [tilespmem:v63+s18+$0x0], $0xffff  }
0x3de: {  	v56 =	vld [tilespmem:$0x1FFA0];
	v52 =	vmul.f32 v33, v58;
	v33 =	vsub.s32 $0x5F3759DF, v61;
	v54 =	vmul.f32 v48, v60  }
0x3df: {  	v49 =	vld.idx.msk [tilespmem:v63+s2+$0x0], $0xffff;
	v55 =	vmul.f32 v33, v53  }
0x3e0: {  	v51 =	vld.idx.msk [tilespmem:v63+s17+$0x0], $0xffff;
	v50 =	vmul.f32 v22, v57;
	v63 =	vmul.f32 v32, v15;
	v54 =	vsub.f32 $1.500000000e+00, v54  }
0x3e1: {  	v58 =	vmul.f32 v52, v13;
	v57 =	vmul.f32 v33, v55;
	v55 =	vld [tilespmem:$0x1FFC0]  }
0x3e2: {  	v13 =	vmul.f32 v48, v54;
	v54 =	vmul.f32 v26, v27;
	v27 =	vld.idx.msk [tilespmem:v36+s17+$0x0], $0xffff  }
0x3e3: {  	v6 =	vadd.f32 v58, v63;
	v58 =	vld [tilespmem:$0x1FFE0]  }
0x3e4: {  	v31 =	vld.idx.msk [tilespmem:v62+s2+$0x0], $0xffff  }
0x3e5: {  	[tilespmem:s30+$0xFFFFFFD0] =	vst v11;
	v15 =	vld.idx.msk [tilespmem:v62+s17+$0x0], $0xffff  }
0x3e6: {  	[tilespmem:s21+$0xFFFFFFD0] =	vst v3;
	v3 =	vmul.f32 v32, v5;
	v5 =	vmul.f32 v32, v14;
	v14 =	vld.idx.msk [tilespmem:v62+s18+$0x0], $0xffff  }
0x3e7: {  	v50 =	vsub.f32 $1.500000000e+00, v50;
	v25 =	vld.idx.msk [tilespmem:v56+s2+$0x0], $0xffff  }
0x3e8: {  	v18 =	vmul.f32 v52, v18;
	v32 =	vld.idx.msk [tilespmem:v56+s17+$0x0], $0xffff  }
0x3e9: {  	v59 =	vmul.f32 v26, v49;
	v22 =	vmul.f32 v22, v50;
	v48 =	vld.idx.msk [tilespmem:v56+s18+$0x0], $0xffff  }
0x3ea: {  	v61 =	vmul.f32 v52, v24;
	v52 =	vmul.f32 v26, v51;
	v3 =	vadd.f32 v18, v3;
	v62 =	vld [tilespmem:$0x1FFB0]  }
0x3eb: {  	[tilespmem:s24+$0xFFFFFFD0] =	vst v4;
	v60 =	vsub.f32 $1.500000000e+00, v57;
	v17 =	vmul.f32 v22, v17;
	v4 =	vadd.f32 v6, v59;
	v6 =	vld.idx.msk [tilespmem:v36+s2+$0x0], $0xffff  }
0x3ec: {  	v5 =	vadd.f32 v61, v5;
	v23 =	vmul.f32 v13, v23;
	v36 =	vld.idx.msk [tilespmem:v36+s18+$0x0], $0xffff  }
0x3ed: {  	v3 =	vadd.f32 v3, v52;
	v52 =	vld.idx.msk [tilespmem:v43+s17+$0x0], $0xffff;
	v63 =	vmul.f32 v33, v60;
	v17 =	vmul.f32 v17, v22  }
0x3ee: {  	v5 =	vadd.f32 v5, v54;
	v54 =	vld.idx.msk [tilespmem:v43+s18+$0x0], $0xffff;
	v23 =	vmul.f32 v23, v13;
	v1 =	vmul.f32 v55, v1  }
0x3ef: {  	[tilespmem:s30+$0xFFFFFFF0] =	vst v4;
	v53 =	vmul.f32 v63, v53;
	v59 =	vmul.f32 v55, v58;
	v58 =	vld.idx.msk [tilespmem:v42+s2+$0x0], $0xffff  }
0x3f0: {  	v7 =	vadd.f32 v7, v12;
	[tilespmem:s21+$0xFFFFFFF0] =	vst v3;
	v3 =	vmul.f32 v47, v45;
	v45 =	vld.idx.msk [tilespmem:v28+s18+$0x0], $0xffff;
	v17 =	vsub.f32 $1.500000000e+00, v17  }
0x3f1: {  	v23 =	vsub.f32 $1.500000000e+00, v23;
	v61 =	vmul.f32 v1, v25;
	v25 =	vld.idx.msk [tilespmem:v35+s18+$0x0], $0xffff;
	v57 =	vmul.f32 v53, v63  }
0x3f2: {  	v2 =	vadd.f32 v7, v2;
	v56 =	vmul.f32 v55, v38;
	v17 =	vmul.f32 v17, v22;
	v22 =	vld.idx.msk [tilespmem:v35+s2+$0x0], $0xffff  }
0x3f3: {  	v13 =	vmul.f32 v23, v13;
	v23 =	vld.idx.msk [tilespmem:v35+s17+$0x0], $0xffff;
	v60 =	vsub.f32 $1.500000000e+00, v57  }
0x3f4: {  	[tilespmem:s24+$0xFFFFFFE0] =	vst v2;
	v2 =	vmul.f32 v56, v31;
	v24 =	vld.idx.msk [tilespmem:v62+s2+$0x0], $0xffff;
	v9 =	vmul.f32 v17, v9  }
0x3f5: {  	v33 =	vld.idx.msk [tilespmem:v62+s17+$0x0], $0xffff;
	v0 =	vmul.f32 v13, v0;
	v11 =	vmul.f32 v60, v63  }
0x3f6: {  	v15 =	vmul.f32 v56, v15;
	v51 =	vmul.f32 v56, v14;
	v49 =	vld.idx.msk [tilespmem:v62+s18+$0x0], $0xffff  }
0x3f7: {  	v57 =	vmul.f32 v47, v46;
	v13 =	vld.idx.msk [tilespmem:v34+s18+$0x0], $0xffff;
	v50 =	vadd.f32 v9, v0;
	v11 =	vmul.f32 v11, v16  }
0x3f8: {  	v2 =	vadd.f32 v61, v2;
	v62 =	vmul.f32 v1, v32;
	v1 =	vmul.f32 v1, v48;
	v17 =	vld.idx.msk [tilespmem:v43+s2+$0x0], $0xffff  }
0x3f9: {  	v43 =	vmul.f32 v30, v40;
	v63 =	vld.idx.msk [tilespmem:v34+s2+$0x0], $0xffff;
	v61 =	vmul.f32 v57, v6;
	v55 =	vadd.f32 v50, v11  }
0x3fa: {  	v7 =	vadd.f32 v62, v15;
	v60 =	vld.idx.msk [tilespmem:v42+s17+$0x0], $0xffff;
	v32 =	vmul.f32 v57, v27;
	v36 =	vmul.f32 v57, v36  }
0x3fb: {  	v62 =	vld.idx.msk [tilespmem:v42+s18+$0x0], $0xffff;
	v42 =	vmul.f32 v30, v39;
	v35 =	vmul.f32 v59, v24;
	v15 =	vmax.f32 v55, $1.000000000e-30  }
0x3fc: {  	[tilespmem:s24+$0xFFFFFFF0] =	vst v5;
	v34 =	vld.idx.msk [tilespmem:v41+s17+$0x0], $0xffff;
	v38 =	vmul.f32 v59, v33;
	(erf) = vrcp.f32 v15  }
0x3fd: {  	v31 =	vld.idx.msk [tilespmem:v41+s2+$0x0], $0xffff;
	v1 =	vadd.f32 v1, v51;
	v56 =	vmul.f32 v59, v49;
	v59 =	vmul.f32 v47, v44  }
0x3fe: {  	v46 =	vmul.f32 v42, v58;
	v33 =	vmul.f32 v3, v23;
	v44 =	vld.idx.msk [tilespmem:v28+s17+$0x0], $0xffff;
	v2 =	vadd.f32 v2, v35  }
0x3ff: {  	v53 =	vadd.f32 v7, v38;
	v63 =	vmul.f32 v59, v63;
	v35 =	vmul.f32 v59, v10;
	v38 =	vld.idx.msk [tilespmem:v41+s18+$0x0], $0xffff  }
0x400: {  	v1 =	vadd.f32 v1, v56;
	v13 =	vmul.f32 v59, v13;
	v49 =	vmul.f32 v42, v60;
	[tilespmem:s30+$0x0] =	vst v2  }
0x401: {  	v47 =	vld.idx.msk [tilespmem:v29+s2+$0x0], $0xffff;
	v51 =	vmul.f32 v43, v34;
	v2 =	vmul.f32 v3, v22;
	[tilespmem:s21+$0x0] =	vst v53  }
0x402: {  	v4 =	vadd.f32 v33, v32;
	v6 =	vmul.f32 v42, v62;
	[tilespmem:s24+$0x0] =	vst v1;
	v1 =	vmul.f32 v3, v25  }
0x403: {  	v41 =	vld.idx.msk [tilespmem:v28+s2+$0x0], $0xffff;
	v15 =	vmul.f32 v43, v31;
	v2 =	vadd.f32 v2, v61;
	v3 =	vmul.f32 v30, v37  }
0x404: {  	v50 =	vld.idx.msk [tilespmem:v21+s2+$0x0], $0xffff;
	v4 =	vadd.f32 v4, v35;
	v8 =	vmul.f32 v43, v38;
	v1 =	vadd.f32 v1, v36  }
0x405: {  	v2 =	vadd.f32 v2, v63;
	v17 =	vmul.f32 v3, v17;
	v48 =	vmul.f32 v3, v52;
	v52 =	vld.idx.msk [tilespmem:v29+s17+$0x0], $0xffff;
	v53 =	vpop (erf)  }
0x406: {  	v3 =	vmul.f32 v3, v54;
	v54 =	vld.idx.msk [tilespmem:v29+s18+$0x0], $0xffff;
	v1 =	vadd.f32 v1, v13;
	v0 =	vmul.f32 v53, v0  }
0x407: {  	v55 =	vld.idx.msk [tilespmem:v21+s17+$0x0], $0xffff;
	v10 =	vadd.f32 v46, v17;
	v9 =	vmul.f32 v53, v9;
	v11 =	vmul.f32 v53, v11  }
0x408: {  	v56 =	vld.idx.msk [tilespmem:v21+s18+$0x0], $0xffff;
	v5 =	vadd.f32 v49, v48;
	v3 =	vadd.f32 v6, v3;
	v57 =	vmul.f32 v0, v41  }
0x409: {  	[tilespmem:s30+$0x10] =	vst v2;
	v10 =	vadd.f32 v10, v15;
	v58 =	vmul.f32 v9, v47;
	v59 =	vmul.f32 v11, v50  }
0x40a: {  	[tilespmem:s21+$0x10] =	vst v4;
	v2 =	vadd.f32 v5, v51;
	v60 =	vmul.f32 v0, v44;
	v61 =	vmul.f32 v9, v52  }
0x40b: {  	s28 =	sadd.s32 $0x8, s28;
	[tilespmem:s24+$0x10] =	vst v1;
	v0 =	vmul.f32 v0, v45;
	v62 =	vmul.f32 v9, v54;
	v1 =	vadd.f32 v58, v57  }
0x40c: {  	p0 =	slt.u32 s28, $0xF8;
	v3 =	vadd.f32 v3, v8;
	[tilespmem:s30+$0x20] =	vst v10;
	v63 =	vmul.f32 v11, v55;
	v4 =	vadd.f32 v61, v60  }
.Ltmp2:
0x40d: {  	[tilespmem:s21+$0x20] =	vst v2;
	v2 =	vmul.f32 v11, v56;
	v0 =	vadd.f32 v62, v0;
	v1 =	vadd.f32 v1, v59;
	(pc) =	sbr.rel @p0 .LBB2_6-.Ltmp2, $4  }
0x40e: {  	[tilespmem:s24+$0x20] =	vst v3;
	v3 =	vadd.f32 v4, v63  }
0x40f: {  	v0 =	vadd.f32 v0, v2;
	[tilespmem:s30+$0x30] =	vst v1  }
0x410: {  	s25 =	sadd.s32 $0x80, s25;
	s29 =	sadd.s32 $0x100, s29;
	[tilespmem:s21+$0x30] =	vst v3  }
0x411: {  	v2 =	vimm.f32 $0.0e+00;
	s30 =	sadd.s32 $0x80, s30;
	s21 =	sadd.s32 $0x80, s21;
	[tilespmem:s24+$0x30] =	vst v0;
	s24 =	sadd.s32 $0x80, s24  }
0x412: {  	s4 =	simm.s32 $0xCF80  }
0x413: {  	[hbm4b:s10+s14] =	stream.strided.scatter [tilespmem:s4], [sflag:$0x2], $0x1000, s15, s14, $0x38;
	[tilespmem:$0xFF80] =	vst v63  }
0x414: {  	_ =	swait.ge [sflag:s16], $0x1000  }
0x415: {  	[sflag:s16] =	ssyncset.done $0x0  }
0x416: {  	s5 =	simm.s32 $0xDF80;
	s25 =	rddreg [dreg:$0xc];
	[sflag:s16] =	ssyncadd.s32 $0xFFFFF000  }
0x417: {  	[hbm4b:s25+s14] =	stream.strided.scatter [tilespmem:s5], [sflag:$0x2], $0x1000, s15, s14, $0x38;
	[tilespmem:$0xFF80] =	vst v63  }
0x418: {  	_ =	swait.ge [sflag:s16], $0x1000  }
0x419: {  	[sflag:s16] =	ssyncset.done $0x0  }
0x41a: {  	s29 =	simm.s32 $0xEF80;
	s28 =	rddreg [dreg:$0xd];
	[sflag:s16] =	ssyncadd.s32 $0xFFFFF000  }
0x41b: {  	[hbm4b:s28+s14] =	stream.strided.scatter [tilespmem:s29], [sflag:$0x2], $0x1000, s15, s14, $0x38;
	[tilespmem:$0xFF80] =	vst v63  }
0x41c: {  	_ =	swait.ge [sflag:s16], $0x1000  }
0x41d: {  	s26 =	sadd.s32 $0x1, s26;
	s30 =	rddreg [dreg:$0xe]  }
0x41e: {  	p0 =	sne.s32 s26, s30  }
.Ltmp3:
0x41f: {  	_ = 	snop;
	(pc) =	sbr.rel @p0 .LBB2_1-.Ltmp3, $3  }
0x420: {  	_ =	sdelay $0x1  }
0x421: {  	[sflag:s16] =	ssyncset.done $0x0;
	v1 =	vld [tilespmem:$0x1FFF0]  }
0x422: {  	v0 =	vimm.s32 $0x0;
	[sflag:s16] =	ssyncadd.s32 $0xFFFFF000  }
0x423: {  	_ =	sfence.sel $0x180000  }
0x424: {  	[bflag:$0x0] =	sbarrier.arrive $0xFFFF  }
0x425: {  	_ =	strace $0x90000047  }
0x426: {  	s0 =	stileid.u32;
	[bflag:$0x2] =	sbarrier.arrive $0xFFFF  }
0x427: {  	p0 =	sne.s32 s0, $0x0;
	s0 =	rddreg [dreg:$0x5]  }
0x428: {  	s0 =	sadd.s32 @!p0 $0x100000, s0  }
0x429: {  	[sflag:s0] =	ssyncadd.tile.s32 @!p0 $0x1;
	_ =	shalt  }
.Lfunc_end2:
_tile_overlayer_lowered:
.L_overlay_start_2:
0x42a: {  	(tag) =	ssettag $0x2  }
0x42b: {  	s0 =	rddreg [dreg:$0x0];
	s2 =	stileid.u32  }
0x42c: {  	s1 =	rddreg [dreg:$0x1];
	p0 =	sne.s32 s2, $0x0  }
0x42d: {  	s3 =	rddreg [dreg:$0x2];
	[bflag:$0x3] =	sbarrier.arrive $0xFFFF;
	s2 =	simm.s32 @!p0 $0x1C02  }
0x42e: {  	[timem:s3], [sflag:s2] =	dma.local @!p0 [hbm:s0], s1  }
0x42f: {  	s0 =	simm.s32 @!p0 $0x2  }
0x430: {  	_ =	swait.ge @!p0 [sflag:s0], s1  }
0x431: {  	s1 =	ssub.s32 @!p0 $0x0, s1;
	[sflag:s0] =	ssyncset.done @!p0 $0x0  }
0x432: {  	[sflag:s0] =	ssyncadd.s32 @!p0 s1  }
0x433: {  	[bflag:$0x3] =	sbarrier.arrive $0xFFFF  }
0x434: {  	_ =	shalt  }

</sc_bundles>
